<compile_context>
chip_gen: v7x
topology: tpu7x:2x2x1
jax: 0.10.2.dev20260603
libtpu: 0.0.44.dev20260713+nightly
codegen_flags: <defaults>
</compile_context>

<pallas_src>
import jax
import jax.numpy as jnp
from jax import lax
from jax.experimental import pallas as pl
from jax.experimental.pallas import tpu as pltpu
from jax.experimental.pallas import tpu_sc as plsc

N = 10000
E = 320000
D = 128
DH = 64

NC = 2
NS = 16
L = 16

CH = 128
CPT = 160
NBUF = 4
E_PAD = NS * CPT * CH
N_PAD = 10240
RPT = N_PAD // NS

RB = 2048
GRID = N_PAD // RB

_SC_PARAMS = pltpu.CompilerParams(use_tc_tiling_on_sc=False)


def _make_sc_agg(with_deg: bool):
  mesh = plsc.VectorSubcoreMesh(core_axis_name="c", subcore_axis_name="s")
  out_type = [jax.ShapeDtypeStruct((NC, N_PAD, DH), jnp.float32)]
  if with_deg:
    out_type.append(jax.ShapeDtypeStruct((NC, N_PAD, L), jnp.float32))
  scratch = (
      [pltpu.VMEM((CPT, CH), jnp.int32),
       pltpu.VMEM((CPT, CH), jnp.int32),
       pltpu.VMEM((NBUF, CH), jnp.int32)]
      + [pltpu.VMEM((CH, DH), jnp.float32) for _ in range(NBUF)]
      + [pltpu.VMEM((CH, L), jnp.float32),
         pltpu.VMEM_SHARED((N_PAD, DH), jnp.float32)]
      + ([pltpu.VMEM_SHARED((N_PAD, L), jnp.float32)] if with_deg else [])
      + [pltpu.SemaphoreType.DMA for _ in range(2 * NBUF)]
  )

  def body(feat_hbm, src_hbm, dst_hbm, *rest):
    if with_deg:
      agg_hbm, deg_hbm = rest[0], rest[1]
      rest = rest[2:]
    else:
      agg_hbm = rest[0]
      deg_hbm = deg_sh = None
      rest = rest[1:]
    src_v, dst_v, idx2_v = rest[0], rest[1], rest[2]
    rows = rest[3:3 + NBUF]
    ones_v = rest[3 + NBUF]
    agg_sh = rest[4 + NBUF]
    if with_deg:
      deg_sh = rest[5 + NBUF]
    sems = rest[-2 * NBUF:]
    gsem, ssem = sems[:NBUF], sems[NBUF:]
    rows_v = rows[0]

    cid = lax.axis_index("c")
    sid = lax.axis_index("s")

    idx_cp_s = pltpu.async_copy(src_hbm.at[sid], src_v, ssem[0])
    idx_cp_d = pltpu.async_copy(dst_hbm.at[sid], dst_v, ssem[1])

    def _mk_idx(b, j):
      @pl.loop(0, CH // L)
      def _(k):
        idx2_v[b, pl.ds(k * L, L)] = src_v[j, pl.ds(k * L, L)] * 2 + cid

    @pl.loop(0, CH)
    def _(r):
      for k in range(DH // L):
        rows_v[r, pl.ds(k * L, L)] = jnp.zeros((L,), jnp.float32)
      ones_v[r, :] = jnp.zeros((L,), jnp.float32)

    base = sid * RPT
    for b in range(RPT // CH):
      pltpu.sync_copy(rows_v, agg_sh.at[pl.ds(base + b * CH, CH)])

    if with_deg:
      for b in range(RPT // CH):
        pltpu.sync_copy(ones_v, deg_sh.at[pl.ds(base + b * CH, CH)])

    @pl.loop(0, CH)
    def _(r):
      ones_v[r, :] = jnp.ones((L,), jnp.float32)

    idx_cp_s.wait()
    idx_cp_d.wait()

    def _deg_turn(b):
      return (cid == 0) if b % 2 == 0 else (cid == 1)

    for b in range(NBUF):
      _mk_idx(b, b)
      pltpu.async_copy(feat_hbm.at[idx2_v.at[b]], rows[b], gsem[b])

    plsc.subcore_barrier()

    P = CPT // NBUF

    @pl.loop(0, P)
    def _(p):
      j0 = NBUF * p
      for b in range(NBUF):
        pltpu.make_async_copy(feat_hbm.at[idx2_v.at[b]],
                              rows[b], gsem[b]).wait()
        pltpu.async_copy(rows[b], agg_sh.at[dst_v.at[j0 + b]], ssem[b],
                         add=True)
        if with_deg:
          @pl.when(_deg_turn(b))
          def _():
            pltpu.async_copy(ones_v, deg_sh.at[dst_v.at[j0 + b]], ssem[b],
                             add=True)
      for b in range(NBUF):
        pltpu.make_async_copy(rows[b], agg_sh.at[dst_v.at[j0 + b]],
                              ssem[b]).wait()

        @pl.when(p < P - 1)
        def _():
          _mk_idx(b, j0 + NBUF + b)
          pltpu.async_copy(feat_hbm.at[idx2_v.at[b]], rows[b], gsem[b])

        if with_deg:
          @pl.when(_deg_turn(b))
          def _():
            pltpu.make_async_copy(ones_v, deg_sh.at[dst_v.at[j0 + b]],
                                  ssem[b]).wait()

    plsc.subcore_barrier()

    pltpu.sync_copy(agg_sh.at[pl.ds(base, RPT)],
                    agg_hbm.at[cid, pl.ds(base, RPT)])
    if with_deg:
      pltpu.sync_copy(deg_sh.at[pl.ds(base, RPT)],
                      deg_hbm.at[cid, pl.ds(base, RPT)])

  return pl.kernel(body, out_type, mesh=mesh, scratch_types=scratch,
                   compiler_params=_SC_PARAMS)


_sc_agg_deg = _make_sc_agg(True)
_sc_agg = _make_sc_agg(False)


def _dotT(a, w):
  return lax.dot_general(a, w, (((1,), (1,)), ((), ())),
                         preferred_element_type=jnp.float32)


def _agg_dotT(agg_ref, deg_ref, wl):
  deg = deg_ref[0, :, 0] + deg_ref[1, :, 0]
  inv = 1.0 / jnp.maximum(deg, 1.0)[:, None]
  return (_dotT(agg_ref[0] * inv, wl[:, :DH]) +
          _dotT(agg_ref[1] * inv, wl[:, DH:]))


def _k1_body(agg_ref, deg_ref, x_ref, wl_ref, wr_ref, b_ref,
             h_ref, stats_ref, acc_ref):
  i = pl.program_id(0)
  h = (_agg_dotT(agg_ref, deg_ref, wl_ref[...]) +
       _dotT(x_ref[...], wr_ref[...]) + b_ref[0])
  h_ref[...] = h
  rows = i * RB + lax.broadcasted_iota(jnp.int32, (RB, 1), 0)
  hm = jnp.where(rows < N, h, 0.0)

  @pl.when(i == 0)
  def _():
    acc_ref[...] = jnp.zeros((8, D), jnp.float32)

  acc_ref[0, :] = acc_ref[0, :] + jnp.sum(hm, axis=0)
  acc_ref[1, :] = acc_ref[1, :] + jnp.sum(hm * hm, axis=0)

  @pl.when(i == GRID - 1)
  def _():
    stats_ref[...] = acc_ref[...]


def _k2_body(h_ref, stats_ref, g_ref, be_ref, w2r_ref, hp_ref, hr_ref):
  mu = stats_ref[0, :] / N
  var = stats_ref[1, :] / N - mu * mu
  inv = lax.rsqrt(var + 1e-5)
  hn = (h_ref[...] - mu) * inv * g_ref[0] + be_ref[0]
  hp = jnp.maximum(hn, 0.0)
  hp_ref[...] = hp
  hr_ref[...] = _dotT(hp, w2r_ref[...])


def _k3_body(agg_ref, deg_ref, hr_ref, wl_ref, b_ref, out_ref):
  out_ref[...] = (_agg_dotT(agg_ref, deg_ref, wl_ref[...]) +
                  hr_ref[...] + b_ref[0])


_full = lambda shp: pl.BlockSpec(shp, lambda i: (0,) * len(shp))
_rowblk = pl.BlockSpec((RB, D), lambda i: (i, 0))
_degblk = pl.BlockSpec((NC, RB, L), lambda i: (0, i, 0))
_aggblk = pl.BlockSpec((NC, RB, DH), lambda i: (0, i, 0))

_k1 = pl.pallas_call(
    _k1_body,
    grid=(GRID,),
    in_specs=[_aggblk, _degblk, _rowblk, _full((D, D)), _full((D, D)),
              _full((1, D))],
    out_specs=[_rowblk, _full((8, D))],
    out_shape=[jax.ShapeDtypeStruct((N_PAD, D), jnp.float32),
               jax.ShapeDtypeStruct((8, D), jnp.float32)],
    scratch_shapes=[pltpu.VMEM((8, D), jnp.float32)],
)

_k2 = pl.pallas_call(
    _k2_body,
    grid=(GRID,),
    in_specs=[_rowblk, _full((8, D)), _full((1, D)), _full((1, D)),
              _full((D, D))],
    out_specs=[_rowblk, _rowblk],
    out_shape=[jax.ShapeDtypeStruct((N_PAD, D), jnp.float32),
               jax.ShapeDtypeStruct((N_PAD, D), jnp.float32)],
)

_k3 = pl.pallas_call(
    _k3_body,
    grid=(GRID,),
    in_specs=[_aggblk, _degblk, _rowblk, _full((D, D)), _full((1, D))],
    out_specs=_rowblk,
    out_shape=jax.ShapeDtypeStruct((N, D), jnp.float32),
)


def kernel(x, edge_index, W1_l, b1, W1_r, gamma, beta, W2_l, b2, W2_r):
  src = edge_index[0]
  dst = edge_index[1]
  pad = E_PAD - E
  ar = jnp.arange(pad, dtype=jnp.int32)
  pad_src = (ar * 97) % N
  pad_dst = N + ar % (N_PAD - N)
  srcp = jnp.concatenate([src, pad_src]).reshape(NS, CPT, CH)
  dstp = jnp.concatenate([dst, pad_dst]).reshape(NS, CPT, CH)

  agg1, deg = _sc_agg_deg(x.reshape(2 * N, DH), srcp, dstp)
  h_pre, stats = _k1(agg1, deg, x, W1_l, W1_r, b1.reshape(1, D))
  h_post, hr = _k2(h_pre, stats, gamma.reshape(1, D), beta.reshape(1, D), W2_r)
  (agg2,) = _sc_agg(h_post.reshape(2 * N_PAD, DH), srcp, dstp)
  return _k3(agg2, deg, hr, W2_l, b2.reshape(1, D))

# --- scband reference (transcript-rebuilt; emitter-appended) ---
"""Pipeline reference for scband-sagenode-model-39402029973520 (READ-ONLY COPY).

The authoritative reference and input builder live on the scoring server;
editing this copy changes nothing except your own understanding.
"""

import jax, jax.numpy as jnp
import numpy as np

N = 10000
E = 320000
D_IN = 128
D_H = 128
D_OUT = 128


def setup_inputs(seed: int = 0) -> dict:
    key = jax.random.key(seed)
    ks = jax.random.split(key, 12)
    x = jax.random.normal(ks[0], (N, D_IN), dtype=jnp.float32)
    edge_index = jax.random.randint(ks[1], (2, E), 0, N, dtype=jnp.int32)
    s_in = 1.0 / np.sqrt(D_IN)
    s_h = 1.0 / np.sqrt(D_H)
    W1_l = jax.random.normal(ks[2], (D_H, D_IN), dtype=jnp.float32) * s_in
    W1_r = jax.random.normal(ks[3], (D_H, D_IN), dtype=jnp.float32) * s_in
    b1 = jax.random.normal(ks[4], (D_H,), dtype=jnp.float32) * s_in
    gamma = jnp.ones((D_H,), dtype=jnp.float32)
    beta = jnp.zeros((D_H,), dtype=jnp.float32)
    W2_l = jax.random.normal(ks[5], (D_OUT, D_H), dtype=jnp.float32) * s_h
    W2_r = jax.random.normal(ks[6], (D_OUT, D_H), dtype=jnp.float32) * s_h
    b2 = jax.random.normal(ks[7], (D_OUT,), dtype=jnp.float32) * s_h
    return {"x": x, "edge_index": edge_index, "W1_l": W1_l, "b1": b1, "W1_r": W1_r,
            "gamma": gamma, "beta": beta, "W2_l": W2_l, "b2": b2, "W2_r": W2_r}


def _sage_conv(x, edge_index, W_l, b, W_r):
    # GraphSAGE with mean aggregation: lin_l(mean_j x_j) + lin_r(x_i)
    src = edge_index[0]
    dst = edge_index[1]
    msgs = x[src]  # gather
    agg = jax.ops.segment_sum(msgs, dst, num_segments=N)
    deg = jax.ops.segment_sum(jnp.ones((edge_index.shape[1],), dtype=x.dtype), dst, num_segments=N)
    mean = agg / jnp.clip(deg, 1.0)[:, None]
    return mean @ W_l.T + x @ W_r.T + b


def _batch_norm(h, gamma, beta, eps=1e-5):
    mu = jnp.mean(h, axis=0)
    var = jnp.var(h, axis=0)
    return (h - mu) / jnp.sqrt(var + eps) * gamma + beta


def reference(x, edge_index, W1_l, b1, W1_r, gamma, beta, W2_l, b2, W2_r):
    h = _sage_conv(x, edge_index, W1_l, b1, W1_r)
    h = _batch_norm(h, gamma, beta)
    h = jax.nn.relu(h)
    # dropout is identity in eval / deterministic reference
    out = _sage_conv(h, edge_index, W2_l, b2, W2_r)
    return out

if __name__ == "__main__":
    import jax
    _d = setup_inputs()
    print(jax.jit(kernel)(*tuple(_d.values())))

</pallas_src>

<mosaic_0001>
#map = affine_map<(d0, d1) -> (0, 0)>
#map1 = affine_map<(d0, d1) -> (0, 0, 0)>
module attributes {stable_mosaic.version = 14 : i64} {
  func.func @body(%arg0: i32, %arg1: i32, %arg2: memref<20000x64xf32, #tpu.memory_space<hbm>>, %arg3: memref<16x160x128xi32, #tpu.memory_space<hbm>>, %arg4: memref<16x160x128xi32, #tpu.memory_space<hbm>>, %arg5: memref<2x10240x64xf32, #tpu.memory_space<hbm>>, %arg6: memref<2x10240x16xf32, #tpu.memory_space<hbm>>, %arg7: memref<160x128xi32, #tpu.memory_space<vmem>>, %arg8: memref<160x128xi32, #tpu.memory_space<vmem>>, %arg9: memref<4x128xi32, #tpu.memory_space<vmem>>, %arg10: memref<128x64xf32, #tpu.memory_space<vmem>>, %arg11: memref<128x64xf32, #tpu.memory_space<vmem>>, %arg12: memref<128x64xf32, #tpu.memory_space<vmem>>, %arg13: memref<128x64xf32, #tpu.memory_space<vmem>>, %arg14: memref<128x16xf32, #tpu.memory_space<vmem>>, %arg15: memref<10240x64xf32, #tpu.memory_space<vmem_shared>>, %arg16: memref<10240x16xf32, #tpu.memory_space<vmem_shared>>, %arg17: memref<!tpu.dma_semaphore, #tpu.memory_space<semaphore_mem>>, %arg18: memref<!tpu.dma_semaphore, #tpu.memory_space<semaphore_mem>>, %arg19: memref<!tpu.dma_semaphore, #tpu.memory_space<semaphore_mem>>, %arg20: memref<!tpu.dma_semaphore, #tpu.memory_space<semaphore_mem>>, %arg21: memref<!tpu.dma_semaphore, #tpu.memory_space<semaphore_mem>>, %arg22: memref<!tpu.dma_semaphore, #tpu.memory_space<semaphore_mem>>, %arg23: memref<!tpu.dma_semaphore, #tpu.memory_space<semaphore_mem>>, %arg24: memref<!tpu.dma_semaphore, #tpu.memory_space<semaphore_mem>>) attributes {dimension_semantics = [#tpu.dimension_semantics<core_parallel>, #tpu.dimension_semantics<subcore_parallel>], iteration_bounds = array<i64: 2, 16>, scalar_prefetch = 0 : i64, scratch_operands = 18 : i64, tpu.core_type = #tpu.core_type<sc_vector_subcore>, window_params = [{transform_indices = #map}, {transform_indices = #map1}, {transform_indices = #map1}, {transform_indices = #map1}, {transform_indices = #map1}]} {
    %dma_start3A = arith.constant 0 : i32
    %dma_start3A_0 = arith.constant 0 : i32
    %dma_start3A_1 = tpu.memref_slice %arg3[%arg1, %dma_start3A, %dma_start3A_0] : memref<16x160x128xi32, #tpu.memory_space<hbm>> -> memref<1x160x128xi32, #tpu.memory_space<hbm>>
    %dma_start3A_2 = tpu.memref_squeeze %dma_start3A_1 : memref<1x160x128xi32, #tpu.memory_space<hbm>> -> memref<160x128xi32, #tpu.memory_space<hbm>>
    %dma_start3A_3 = arith.constant 0 : i32
    %dma_start3A_4 = arith.constant 0 : i32
    %dma_start3A_5 = tpu.memref_slice %arg3[%arg1, %dma_start3A_3, %dma_start3A_4] : memref<16x160x128xi32, #tpu.memory_space<hbm>> -> memref<1x160x128xi32, #tpu.memory_space<hbm>>
    %dma_start3A_6 = tpu.memref_squeeze %dma_start3A_5 : memref<1x160x128xi32, #tpu.memory_space<hbm>> -> memref<160x128xi32, #tpu.memory_space<hbm>>
    tpu.enqueue_dma source(%dma_start3A_6 : memref<160x128xi32, #tpu.memory_space<hbm>>) target(%arg7 : memref<160x128xi32, #tpu.memory_space<vmem>>) target_semaphore(%arg21 : memref<!tpu.dma_semaphore, #tpu.memory_space<semaphore_mem>>)
    %dma_start3A_7 = arith.constant 0 : i32
    %dma_start3A_8 = arith.constant 0 : i32
    %dma_start3A_9 = tpu.memref_slice %arg4[%arg1, %dma_start3A_7, %dma_start3A_8] : memref<16x160x128xi32, #tpu.memory_space<hbm>> -> memref<1x160x128xi32, #tpu.memory_space<hbm>>
    %dma_start3A_10 = tpu.memref_squeeze %dma_start3A_9 : memref<1x160x128xi32, #tpu.memory_space<hbm>> -> memref<160x128xi32, #tpu.memory_space<hbm>>
    %dma_start3A_11 = arith.constant 0 : i32
    %dma_start3A_12 = arith.constant 0 : i32
    %dma_start3A_13 = tpu.memref_slice %arg4[%arg1, %dma_start3A_11, %dma_start3A_12] : memref<16x160x128xi32, #tpu.memory_space<hbm>> -> memref<1x160x128xi32, #tpu.memory_space<hbm>>
    %dma_start3A_14 = tpu.memref_squeeze %dma_start3A_13 : memref<1x160x128xi32, #tpu.memory_space<hbm>> -> memref<160x128xi32, #tpu.memory_space<hbm>>
    tpu.enqueue_dma source(%dma_start3A_14 : memref<160x128xi32, #tpu.memory_space<hbm>>) target(%arg8 : memref<160x128xi32, #tpu.memory_space<vmem>>) target_semaphore(%arg22 : memref<!tpu.dma_semaphore, #tpu.memory_space<semaphore_mem>>)
    %scan3A = arith.constant 0 : i32
    %scan3A_15 = arith.constant 128 : i32
    %scan3A_16 = arith.addi %scan3A, %scan3A_15 : i32
    %scan3A_17 = arith.constant 1 : i32
    scf.for %scan3A_113 = %scan3A to %scan3A_16 step %scan3A_17  : i32 {
      %mul3A_114 = arith.constant 1 : i32
      %mul3A_115 = arith.muli %scan3A_113, %mul3A_114 : i32
      %add3A_116 = arith.constant 0 : i32
      %add3A_117 = arith.addi %add3A_116, %mul3A_115 : i32
      %broadcast_in_dim3A = arith.constant 0.000000e+00 : f32
      %broadcast_in_dim3A_118 = vector.broadcast %broadcast_in_dim3A : f32 to vector<16xf32>
      %swap3A = arith.index_cast %add3A_117 : i32 to index
      %swap3A_119 = arith.constant 0 : index
      %swap3A_120 = tpu.vector_load %arg10[%swap3A, %swap3A_119] {strides = array<i32>} : memref<128x64xf32, #tpu.memory_space<vmem>>, vector<1x16xf32>,
      %swap3A_121 = vector.shape_cast %swap3A_120 : vector<1x16xf32> to vector<16xf32>
      %swap3A_122 = vector.shape_cast %broadcast_in_dim3A_118 : vector<16xf32> to vector<1x16xf32>
      tpu.vector_store %arg10[%swap3A, %swap3A_119], %swap3A_122 {strides = array<i32>} : memref<128x64xf32, #tpu.memory_space<vmem>>, vector<1x16xf32>,
      %broadcast_in_dim3A_123 = arith.constant 0.000000e+00 : f32
      %broadcast_in_dim3A_124 = vector.broadcast %broadcast_in_dim3A_123 : f32 to vector<16xf32>
      %swap3A_125 = arith.index_cast %add3A_117 : i32 to index
      %swap3A_126 = arith.constant 16 : index
      %swap3A_127 = tpu.vector_load %arg10[%swap3A_125, %swap3A_126] {strides = array<i32>} : memref<128x64xf32, #tpu.memory_space<vmem>>, vector<1x16xf32>,
      %swap3A_128 = vector.shape_cast %swap3A_127 : vector<1x16xf32> to vector<16xf32>
      %swap3A_129 = vector.shape_cast %broadcast_in_dim3A_124 : vector<16xf32> to vector<1x16xf32>
      tpu.vector_store %arg10[%swap3A_125, %swap3A_126], %swap3A_129 {strides = array<i32>} : memref<128x64xf32, #tpu.memory_space<vmem>>, vector<1x16xf32>,
      %broadcast_in_dim3A_130 = arith.constant 0.000000e+00 : f32
      %broadcast_in_dim3A_131 = vector.broadcast %broadcast_in_dim3A_130 : f32 to vector<16xf32>
      %swap3A_132 = arith.index_cast %add3A_117 : i32 to index
      %swap3A_133 = arith.constant 32 : index
      %swap3A_134 = tpu.vector_load %arg10[%swap3A_132, %swap3A_133] {strides = array<i32>} : memref<128x64xf32, #tpu.memory_space<vmem>>, vector<1x16xf32>,
      %swap3A_135 = vector.shape_cast %swap3A_134 : vector<1x16xf32> to vector<16xf32>
      %swap3A_136 = vector.shape_cast %broadcast_in_dim3A_131 : vector<16xf32> to vector<1x16xf32>
      tpu.vector_store %arg10[%swap3A_132, %swap3A_133], %swap3A_136 {strides = array<i32>} : memref<128x64xf32, #tpu.memory_space<vmem>>, vector<1x16xf32>,
      %broadcast_in_dim3A_137 = arith.constant 0.000000e+00 : f32
      %broadcast_in_dim3A_138 = vector.broadcast %broadcast_in_dim3A_137 : f32 to vector<16xf32>
      %swap3A_139 = arith.index_cast %add3A_117 : i32 to index
      %swap3A_140 = arith.constant 48 : index
      %swap3A_141 = tpu.vector_load %arg10[%swap3A_139, %swap3A_140] {strides = array<i32>} : memref<128x64xf32, #tpu.memory_space<vmem>>, vector<1x16xf32>,
      %swap3A_142 = vector.shape_cast %swap3A_141 : vector<1x16xf32> to vector<16xf32>
      %swap3A_143 = vector.shape_cast %broadcast_in_dim3A_138 : vector<16xf32> to vector<1x16xf32>
      tpu.vector_store %arg10[%swap3A_139, %swap3A_140], %swap3A_143 {strides = array<i32>} : memref<128x64xf32, #tpu.memory_space<vmem>>, vector<1x16xf32>,
      %broadcast_in_dim3A_144 = arith.constant 0.000000e+00 : f32
      %broadcast_in_dim3A_145 = vector.broadcast %broadcast_in_dim3A_144 : f32 to vector<16xf32>
      %swap3A_146 = arith.index_cast %add3A_117 : i32 to index
      %swap3A_147 = arith.constant 0 : index
      %swap3A_148 = tpu.vector_load %arg14[%swap3A_146, %swap3A_147] {strides = array<i32>} : memref<128x16xf32, #tpu.memory_space<vmem>>, vector<1x16xf32>,
      %swap3A_149 = vector.shape_cast %swap3A_148 : vector<1x16xf32> to vector<16xf32>
      %swap3A_150 = vector.shape_cast %broadcast_in_dim3A_145 : vector<16xf32> to vector<1x16xf32>
      tpu.vector_store %arg14[%swap3A_146, %swap3A_147], %swap3A_150 {strides = array<i32>} : memref<128x16xf32, #tpu.memory_space<vmem>>, vector<1x16xf32>,
    }
    %scan3A_18 = arith.constant 128 : i32
    %mul3A = arith.constant 640 : i32
    %mul3A_19 = arith.muli %arg1, %mul3A : i32
    %add3A = arith.constant 0 : i32
    %add3A_20 = arith.addi %mul3A_19, %add3A : i32
    "tpu.region"() ({
      %run_scoped3A = tpu.sem_alloc : memref<!tpu.dma_semaphore, #tpu.memory_space<semaphore_mem>>
      %dma_start3A_113 = arith.constant 0 : i32
      %dma_start3A_114 = tpu.memref_slice %arg15[%add3A_20, %dma_start3A_113] : memref<10240x64xf32, #tpu.memory_space<vmem_shared>> -> memref<128x64xf32, #tpu.memory_space<vmem_shared>>
      %dma_start3A_115 = arith.constant 0 : i32
      %dma_start3A_116 = tpu.memref_slice %arg15[%add3A_20, %dma_start3A_115] : memref<10240x64xf32, #tpu.memory_space<vmem_shared>> -> memref<128x64xf32, #tpu.memory_space<vmem_shared>>
      tpu.enqueue_dma source(%arg10 : memref<128x64xf32, #tpu.memory_space<vmem>>) target(%dma_start3A_116 : memref<128x64xf32, #tpu.memory_space<vmem_shared>>) target_semaphore(%run_scoped3A : memref<!tpu.dma_semaphore, #tpu.memory_space<semaphore_mem>>)
      %dma_wait3A_117 = arith.constant 0 : i32
      %dma_wait3A_118 = tpu.memref_slice %arg15[%add3A_20, %dma_wait3A_117] : memref<10240x64xf32, #tpu.memory_space<vmem_shared>> -> memref<128x64xf32, #tpu.memory_space<vmem_shared>>
      %dma_wait3A_119 = arith.constant 0 : i32
      %dma_wait3A_120 = tpu.memref_slice %arg15[%add3A_20, %dma_wait3A_119] : memref<10240x64xf32, #tpu.memory_space<vmem_shared>> -> memref<128x64xf32, #tpu.memory_space<vmem_shared>>
      tpu.wait_dma2 semaphore(%run_scoped3A : memref<!tpu.dma_semaphore, #tpu.memory_space<semaphore_mem>>) src(%arg10 : memref<128x64xf32, #tpu.memory_space<vmem>>) dst(%dma_wait3A_120 : memref<128x64xf32, #tpu.memory_space<vmem_shared>>)
      tpu.yield
    }) : () -> ()
    %add3A_21 = arith.constant 128 : i32
    %add3A_22 = arith.addi %mul3A_19, %add3A_21 : i32
    "tpu.region"() ({
      %run_scoped3A = tpu.sem_alloc : memref<!tpu.dma_semaphore, #tpu.memory_space<semaphore_mem>>
      %dma_start3A_113 = arith.constant 0 : i32
      %dma_start3A_114 = tpu.memref_slice %arg15[%add3A_22, %dma_start3A_113] : memref<10240x64xf32, #tpu.memory_space<vmem_shared>> -> memref<128x64xf32, #tpu.memory_space<vmem_shared>>
      %dma_start3A_115 = arith.constant 0 : i32
      %dma_start3A_116 = tpu.memref_slice %arg15[%add3A_22, %dma_start3A_115] : memref<10240x64xf32, #tpu.memory_space<vmem_shared>> -> memref<128x64xf32, #tpu.memory_space<vmem_shared>>
      tpu.enqueue_dma source(%arg10 : memref<128x64xf32, #tpu.memory_space<vmem>>) target(%dma_start3A_116 : memref<128x64xf32, #tpu.memory_space<vmem_shared>>) target_semaphore(%run_scoped3A : memref<!tpu.dma_semaphore, #tpu.memory_space<semaphore_mem>>)
      %dma_wait3A_117 = arith.constant 0 : i32
      %dma_wait3A_118 = tpu.memref_slice %arg15[%add3A_22, %dma_wait3A_117] : memref<10240x64xf32, #tpu.memory_space<vmem_shared>> -> memref<128x64xf32, #tpu.memory_space<vmem_shared>>
      %dma_wait3A_119 = arith.constant 0 : i32
      %dma_wait3A_120 = tpu.memref_slice %arg15[%add3A_22, %dma_wait3A_119] : memref<10240x64xf32, #tpu.memory_space<vmem_shared>> -> memref<128x64xf32, #tpu.memory_space<vmem_shared>>
      tpu.wait_dma2 semaphore(%run_scoped3A : memref<!tpu.dma_semaphore, #tpu.memory_space<semaphore_mem>>) src(%arg10 : memref<128x64xf32, #tpu.memory_space<vmem>>) dst(%dma_wait3A_120 : memref<128x64xf32, #tpu.memory_space<vmem_shared>>)
      tpu.yield
    }) : () -> ()
    %add3A_23 = arith.constant 256 : i32
    %add3A_24 = arith.addi %mul3A_19, %add3A_23 : i32
    "tpu.region"() ({
      %run_scoped3A = tpu.sem_alloc : memref<!tpu.dma_semaphore, #tpu.memory_space<semaphore_mem>>
      %dma_start3A_113 = arith.constant 0 : i32
      %dma_start3A_114 = tpu.memref_slice %arg15[%add3A_24, %dma_start3A_113] : memref<10240x64xf32, #tpu.memory_space<vmem_shared>> -> memref<128x64xf32, #tpu.memory_space<vmem_shared>>
      %dma_start3A_115 = arith.constant 0 : i32
      %dma_start3A_116 = tpu.memref_slice %arg15[%add3A_24, %dma_start3A_115] : memref<10240x64xf32, #tpu.memory_space<vmem_shared>> -> memref<128x64xf32, #tpu.memory_space<vmem_shared>>
      tpu.enqueue_dma source(%arg10 : memref<128x64xf32, #tpu.memory_space<vmem>>) target(%dma_start3A_116 : memref<128x64xf32, #tpu.memory_space<vmem_shared>>) target_semaphore(%run_scoped3A : memref<!tpu.dma_semaphore, #tpu.memory_space<semaphore_mem>>)
      %dma_wait3A_117 = arith.constant 0 : i32
      %dma_wait3A_118 = tpu.memref_slice %arg15[%add3A_24, %dma_wait3A_117] : memref<10240x64xf32, #tpu.memory_space<vmem_shared>> -> memref<128x64xf32, #tpu.memory_space<vmem_shared>>
      %dma_wait3A_119 = arith.constant 0 : i32
      %dma_wait3A_120 = tpu.memref_slice %arg15[%add3A_24, %dma_wait3A_119] : memref<10240x64xf32, #tpu.memory_space<vmem_shared>> -> memref<128x64xf32, #tpu.memory_space<vmem_shared>>
      tpu.wait_dma2 semaphore(%run_scoped3A : memref<!tpu.dma_semaphore, #tpu.memory_space<semaphore_mem>>) src(%arg10 : memref<128x64xf32, #tpu.memory_space<vmem>>) dst(%dma_wait3A_120 : memref<128x64xf32, #tpu.memory_space<vmem_shared>>)
      tpu.yield
    }) : () -> ()
    %add3A_25 = arith.constant 384 : i32
    %add3A_26 = arith.addi %mul3A_19, %add3A_25 : i32
    "tpu.region"() ({
      %run_scoped3A = tpu.sem_alloc : memref<!tpu.dma_semaphore, #tpu.memory_space<semaphore_mem>>
      %dma_start3A_113 = arith.constant 0 : i32
      %dma_start3A_114 = tpu.memref_slice %arg15[%add3A_26, %dma_start3A_113] : memref<10240x64xf32, #tpu.memory_space<vmem_shared>> -> memref<128x64xf32, #tpu.memory_space<vmem_shared>>
      %dma_start3A_115 = arith.constant 0 : i32
      %dma_start3A_116 = tpu.memref_slice %arg15[%add3A_26, %dma_start3A_115] : memref<10240x64xf32, #tpu.memory_space<vmem_shared>> -> memref<128x64xf32, #tpu.memory_space<vmem_shared>>
      tpu.enqueue_dma source(%arg10 : memref<128x64xf32, #tpu.memory_space<vmem>>) target(%dma_start3A_116 : memref<128x64xf32, #tpu.memory_space<vmem_shared>>) target_semaphore(%run_scoped3A : memref<!tpu.dma_semaphore, #tpu.memory_space<semaphore_mem>>)
      %dma_wait3A_117 = arith.constant 0 : i32
      %dma_wait3A_118 = tpu.memref_slice %arg15[%add3A_26, %dma_wait3A_117] : memref<10240x64xf32, #tpu.memory_space<vmem_shared>> -> memref<128x64xf32, #tpu.memory_space<vmem_shared>>
      %dma_wait3A_119 = arith.constant 0 : i32
      %dma_wait3A_120 = tpu.memref_slice %arg15[%add3A_26, %dma_wait3A_119] : memref<10240x64xf32, #tpu.memory_space<vmem_shared>> -> memref<128x64xf32, #tpu.memory_space<vmem_shared>>
      tpu.wait_dma2 semaphore(%run_scoped3A : memref<!tpu.dma_semaphore, #tpu.memory_space<semaphore_mem>>) src(%arg10 : memref<128x64xf32, #tpu.memory_space<vmem>>) dst(%dma_wait3A_120 : memref<128x64xf32, #tpu.memory_space<vmem_shared>>)
      tpu.yield
    }) : () -> ()
    %add3A_27 = arith.constant 512 : i32
    %add3A_28 = arith.addi %mul3A_19, %add3A_27 : i32
    "tpu.region"() ({
      %run_scoped3A = tpu.sem_alloc : memref<!tpu.dma_semaphore, #tpu.memory_space<semaphore_mem>>
      %dma_start3A_113 = arith.constant 0 : i32
      %dma_start3A_114 = tpu.memref_slice %arg15[%add3A_28, %dma_start3A_113] : memref<10240x64xf32, #tpu.memory_space<vmem_shared>> -> memref<128x64xf32, #tpu.memory_space<vmem_shared>>
      %dma_start3A_115 = arith.constant 0 : i32
      %dma_start3A_116 = tpu.memref_slice %arg15[%add3A_28, %dma_start3A_115] : memref<10240x64xf32, #tpu.memory_space<vmem_shared>> -> memref<128x64xf32, #tpu.memory_space<vmem_shared>>
      tpu.enqueue_dma source(%arg10 : memref<128x64xf32, #tpu.memory_space<vmem>>) target(%dma_start3A_116 : memref<128x64xf32, #tpu.memory_space<vmem_shared>>) target_semaphore(%run_scoped3A : memref<!tpu.dma_semaphore, #tpu.memory_space<semaphore_mem>>)
      %dma_wait3A_117 = arith.constant 0 : i32
      %dma_wait3A_118 = tpu.memref_slice %arg15[%add3A_28, %dma_wait3A_117] : memref<10240x64xf32, #tpu.memory_space<vmem_shared>> -> memref<128x64xf32, #tpu.memory_space<vmem_shared>>
      %dma_wait3A_119 = arith.constant 0 : i32
      %dma_wait3A_120 = tpu.memref_slice %arg15[%add3A_28, %dma_wait3A_119] : memref<10240x64xf32, #tpu.memory_space<vmem_shared>> -> memref<128x64xf32, #tpu.memory_space<vmem_shared>>
      tpu.wait_dma2 semaphore(%run_scoped3A : memref<!tpu.dma_semaphore, #tpu.memory_space<semaphore_mem>>) src(%arg10 : memref<128x64xf32, #tpu.memory_space<vmem>>) dst(%dma_wait3A_120 : memref<128x64xf32, #tpu.memory_space<vmem_shared>>)
      tpu.yield
    }) : () -> ()
    %add3A_29 = arith.constant 0 : i32
    %add3A_30 = arith.addi %mul3A_19, %add3A_29 : i32
    "tpu.region"() ({
      %run_scoped3A = tpu.sem_alloc : memref<!tpu.dma_semaphore, #tpu.memory_space<semaphore_mem>>
      %dma_start3A_113 = arith.constant 0 : i32
      %dma_start3A_114 = tpu.memref_slice %arg16[%add3A_30, %dma_start3A_113] : memref<10240x16xf32, #tpu.memory_space<vmem_shared>> -> memref<128x16xf32, #tpu.memory_space<vmem_shared>>
      %dma_start3A_115 = arith.constant 0 : i32
      %dma_start3A_116 = tpu.memref_slice %arg16[%add3A_30, %dma_start3A_115] : memref<10240x16xf32, #tpu.memory_space<vmem_shared>> -> memref<128x16xf32, #tpu.memory_space<vmem_shared>>
      tpu.enqueue_dma source(%arg14 : memref<128x16xf32, #tpu.memory_space<vmem>>) target(%dma_start3A_116 : memref<128x16xf32, #tpu.memory_space<vmem_shared>>) target_semaphore(%run_scoped3A : memref<!tpu.dma_semaphore, #tpu.memory_space<semaphore_mem>>)
      %dma_wait3A_117 = arith.constant 0 : i32
      %dma_wait3A_118 = tpu.memref_slice %arg16[%add3A_30, %dma_wait3A_117] : memref<10240x16xf32, #tpu.memory_space<vmem_shared>> -> memref<128x16xf32, #tpu.memory_space<vmem_shared>>
      %dma_wait3A_119 = arith.constant 0 : i32
      %dma_wait3A_120 = tpu.memref_slice %arg16[%add3A_30, %dma_wait3A_119] : memref<10240x16xf32, #tpu.memory_space<vmem_shared>> -> memref<128x16xf32, #tpu.memory_space<vmem_shared>>
      tpu.wait_dma2 semaphore(%run_scoped3A : memref<!tpu.dma_semaphore, #tpu.memory_space<semaphore_mem>>) src(%arg14 : memref<128x16xf32, #tpu.memory_space<vmem>>) dst(%dma_wait3A_120 : memref<128x16xf32, #tpu.memory_space<vmem_shared>>)
      tpu.yield
    }) : () -> ()
    %add3A_31 = arith.constant 128 : i32
    %add3A_32 = arith.addi %mul3A_19, %add3A_31 : i32
    "tpu.region"() ({
      %run_scoped3A = tpu.sem_alloc : memref<!tpu.dma_semaphore, #tpu.memory_space<semaphore_mem>>
      %dma_start3A_113 = arith.constant 0 : i32
      %dma_start3A_114 = tpu.memref_slice %arg16[%add3A_32, %dma_start3A_113] : memref<10240x16xf32, #tpu.memory_space<vmem_shared>> -> memref<128x16xf32, #tpu.memory_space<vmem_shared>>
      %dma_start3A_115 = arith.constant 0 : i32
      %dma_start3A_116 = tpu.memref_slice %arg16[%add3A_32, %dma_start3A_115] : memref<10240x16xf32, #tpu.memory_space<vmem_shared>> -> memref<128x16xf32, #tpu.memory_space<vmem_shared>>
      tpu.enqueue_dma source(%arg14 : memref<128x16xf32, #tpu.memory_space<vmem>>) target(%dma_start3A_116 : memref<128x16xf32, #tpu.memory_space<vmem_shared>>) target_semaphore(%run_scoped3A : memref<!tpu.dma_semaphore, #tpu.memory_space<semaphore_mem>>)
      %dma_wait3A_117 = arith.constant 0 : i32
      %dma_wait3A_118 = tpu.memref_slice %arg16[%add3A_32, %dma_wait3A_117] : memref<10240x16xf32, #tpu.memory_space<vmem_shared>> -> memref<128x16xf32, #tpu.memory_space<vmem_shared>>
      %dma_wait3A_119 = arith.constant 0 : i32
      %dma_wait3A_120 = tpu.memref_slice %arg16[%add3A_32, %dma_wait3A_119] : memref<10240x16xf32, #tpu.memory_space<vmem_shared>> -> memref<128x16xf32, #tpu.memory_space<vmem_shared>>
      tpu.wait_dma2 semaphore(%run_scoped3A : memref<!tpu.dma_semaphore, #tpu.memory_space<semaphore_mem>>) src(%arg14 : memref<128x16xf32, #tpu.memory_space<vmem>>) dst(%dma_wait3A_120 : memref<128x16xf32, #tpu.memory_space<vmem_shared>>)
      tpu.yield
    }) : () -> ()
    %add3A_33 = arith.constant 256 : i32
    %add3A_34 = arith.addi %mul3A_19, %add3A_33 : i32
    "tpu.region"() ({
      %run_scoped3A = tpu.sem_alloc : memref<!tpu.dma_semaphore, #tpu.memory_space<semaphore_mem>>
      %dma_start3A_113 = arith.constant 0 : i32
      %dma_start3A_114 = tpu.memref_slice %arg16[%add3A_34, %dma_start3A_113] : memref<10240x16xf32, #tpu.memory_space<vmem_shared>> -> memref<128x16xf32, #tpu.memory_space<vmem_shared>>
      %dma_start3A_115 = arith.constant 0 : i32
      %dma_start3A_116 = tpu.memref_slice %arg16[%add3A_34, %dma_start3A_115] : memref<10240x16xf32, #tpu.memory_space<vmem_shared>> -> memref<128x16xf32, #tpu.memory_space<vmem_shared>>
      tpu.enqueue_dma source(%arg14 : memref<128x16xf32, #tpu.memory_space<vmem>>) target(%dma_start3A_116 : memref<128x16xf32, #tpu.memory_space<vmem_shared>>) target_semaphore(%run_scoped3A : memref<!tpu.dma_semaphore, #tpu.memory_space<semaphore_mem>>)
      %dma_wait3A_117 = arith.constant 0 : i32
      %dma_wait3A_118 = tpu.memref_slice %arg16[%add3A_34, %dma_wait3A_117] : memref<10240x16xf32, #tpu.memory_space<vmem_shared>> -> memref<128x16xf32, #tpu.memory_space<vmem_shared>>
      %dma_wait3A_119 = arith.constant 0 : i32
      %dma_wait3A_120 = tpu.memref_slice %arg16[%add3A_34, %dma_wait3A_119] : memref<10240x16xf32, #tpu.memory_space<vmem_shared>> -> memref<128x16xf32, #tpu.memory_space<vmem_shared>>
      tpu.wait_dma2 semaphore(%run_scoped3A : memref<!tpu.dma_semaphore, #tpu.memory_space<semaphore_mem>>) src(%arg14 : memref<128x16xf32, #tpu.memory_space<vmem>>) dst(%dma_wait3A_120 : memref<128x16xf32, #tpu.memory_space<vmem_shared>>)
      tpu.yield
    }) : () -> ()
    %add3A_35 = arith.constant 384 : i32
    %add3A_36 = arith.addi %mul3A_19, %add3A_35 : i32
    "tpu.region"() ({
      %run_scoped3A = tpu.sem_alloc : memref<!tpu.dma_semaphore, #tpu.memory_space<semaphore_mem>>
      %dma_start3A_113 = arith.constant 0 : i32
      %dma_start3A_114 = tpu.memref_slice %arg16[%add3A_36, %dma_start3A_113] : memref<10240x16xf32, #tpu.memory_space<vmem_shared>> -> memref<128x16xf32, #tpu.memory_space<vmem_shared>>
      %dma_start3A_115 = arith.constant 0 : i32
      %dma_start3A_116 = tpu.memref_slice %arg16[%add3A_36, %dma_start3A_115] : memref<10240x16xf32, #tpu.memory_space<vmem_shared>> -> memref<128x16xf32, #tpu.memory_space<vmem_shared>>
      tpu.enqueue_dma source(%arg14 : memref<128x16xf32, #tpu.memory_space<vmem>>) target(%dma_start3A_116 : memref<128x16xf32, #tpu.memory_space<vmem_shared>>) target_semaphore(%run_scoped3A : memref<!tpu.dma_semaphore, #tpu.memory_space<semaphore_mem>>)
      %dma_wait3A_117 = arith.constant 0 : i32
      %dma_wait3A_118 = tpu.memref_slice %arg16[%add3A_36, %dma_wait3A_117] : memref<10240x16xf32, #tpu.memory_space<vmem_shared>> -> memref<128x16xf32, #tpu.memory_space<vmem_shared>>
      %dma_wait3A_119 = arith.constant 0 : i32
      %dma_wait3A_120 = tpu.memref_slice %arg16[%add3A_36, %dma_wait3A_119] : memref<10240x16xf32, #tpu.memory_space<vmem_shared>> -> memref<128x16xf32, #tpu.memory_space<vmem_shared>>
      tpu.wait_dma2 semaphore(%run_scoped3A : memref<!tpu.dma_semaphore, #tpu.memory_space<semaphore_mem>>) src(%arg14 : memref<128x16xf32, #tpu.memory_space<vmem>>) dst(%dma_wait3A_120 : memref<128x16xf32, #tpu.memory_space<vmem_shared>>)
      tpu.yield
    }) : () -> ()
    %add3A_37 = arith.constant 512 : i32
    %add3A_38 = arith.addi %mul3A_19, %add3A_37 : i32
    "tpu.region"() ({
      %run_scoped3A = tpu.sem_alloc : memref<!tpu.dma_semaphore, #tpu.memory_space<semaphore_mem>>
      %dma_start3A_113 = arith.constant 0 : i32
      %dma_start3A_114 = tpu.memref_slice %arg16[%add3A_38, %dma_start3A_113] : memref<10240x16xf32, #tpu.memory_space<vmem_shared>> -> memref<128x16xf32, #tpu.memory_space<vmem_shared>>
      %dma_start3A_115 = arith.constant 0 : i32
      %dma_start3A_116 = tpu.memref_slice %arg16[%add3A_38, %dma_start3A_115] : memref<10240x16xf32, #tpu.memory_space<vmem_shared>> -> memref<128x16xf32, #tpu.memory_space<vmem_shared>>
      tpu.enqueue_dma source(%arg14 : memref<128x16xf32, #tpu.memory_space<vmem>>) target(%dma_start3A_116 : memref<128x16xf32, #tpu.memory_space<vmem_shared>>) target_semaphore(%run_scoped3A : memref<!tpu.dma_semaphore, #tpu.memory_space<semaphore_mem>>)
      %dma_wait3A_117 = arith.constant 0 : i32
      %dma_wait3A_118 = tpu.memref_slice %arg16[%add3A_38, %dma_wait3A_117] : memref<10240x16xf32, #tpu.memory_space<vmem_shared>> -> memref<128x16xf32, #tpu.memory_space<vmem_shared>>
      %dma_wait3A_119 = arith.constant 0 : i32
      %dma_wait3A_120 = tpu.memref_slice %arg16[%add3A_38, %dma_wait3A_119] : memref<10240x16xf32, #tpu.memory_space<vmem_shared>> -> memref<128x16xf32, #tpu.memory_space<vmem_shared>>
      tpu.wait_dma2 semaphore(%run_scoped3A : memref<!tpu.dma_semaphore, #tpu.memory_space<semaphore_mem>>) src(%arg14 : memref<128x16xf32, #tpu.memory_space<vmem>>) dst(%dma_wait3A_120 : memref<128x16xf32, #tpu.memory_space<vmem_shared>>)
      tpu.yield
    }) : () -> ()
    %scan3A_39 = arith.constant 0 : i32
    %scan3A_40 = arith.constant 128 : i32
    %scan3A_41 = arith.addi %scan3A_39, %scan3A_40 : i32
    %scan3A_42 = arith.constant 1 : i32
    scf.for %scan3A_113 = %scan3A_39 to %scan3A_41 step %scan3A_42  : i32 {
      %mul3A_114 = arith.constant 1 : i32
      %mul3A_115 = arith.muli %scan3A_113, %mul3A_114 : i32
      %add3A_116 = arith.constant 0 : i32
      %add3A_117 = arith.addi %add3A_116, %mul3A_115 : i32
      %broadcast_in_dim3A = arith.constant 1.000000e+00 : f32
      %broadcast_in_dim3A_118 = vector.broadcast %broadcast_in_dim3A : f32 to vector<16xf32>
      %swap3A = arith.index_cast %add3A_117 : i32 to index
      %swap3A_119 = arith.constant 0 : index
      %swap3A_120 = tpu.vector_load %arg14[%swap3A, %swap3A_119] {strides = array<i32>} : memref<128x16xf32, #tpu.memory_space<vmem>>, vector<1x16xf32>,
      %swap3A_121 = vector.shape_cast %swap3A_120 : vector<1x16xf32> to vector<16xf32>
      %swap3A_122 = vector.shape_cast %broadcast_in_dim3A_118 : vector<16xf32> to vector<1x16xf32>
      tpu.vector_store %arg14[%swap3A, %swap3A_119], %swap3A_122 {strides = array<i32>} : memref<128x16xf32, #tpu.memory_space<vmem>>, vector<1x16xf32>,
    }
    %scan3A_43 = arith.constant 128 : i32
    %dma_wait3A = arith.constant 0 : i32
    %dma_wait3A_44 = arith.constant 0 : i32
    %dma_wait3A_45 = tpu.memref_slice %arg3[%arg1, %dma_wait3A, %dma_wait3A_44] : memref<16x160x128xi32, #tpu.memory_space<hbm>> -> memref<1x160x128xi32, #tpu.memory_space<hbm>>
    %dma_wait3A_46 = tpu.memref_squeeze %dma_wait3A_45 : memref<1x160x128xi32, #tpu.memory_space<hbm>> -> memref<160x128xi32, #tpu.memory_space<hbm>>
    %dma_wait3A_47 = arith.constant 0 : i32
    %dma_wait3A_48 = arith.constant 0 : i32
    %dma_wait3A_49 = tpu.memref_slice %arg3[%arg1, %dma_wait3A_47, %dma_wait3A_48] : memref<16x160x128xi32, #tpu.memory_space<hbm>> -> memref<1x160x128xi32, #tpu.memory_space<hbm>>
    %dma_wait3A_50 = tpu.memref_squeeze %dma_wait3A_49 : memref<1x160x128xi32, #tpu.memory_space<hbm>> -> memref<160x128xi32, #tpu.memory_space<hbm>>
    tpu.wait_dma2 semaphore(%arg21 : memref<!tpu.dma_semaphore, #tpu.memory_space<semaphore_mem>>) src(%dma_wait3A_50 : memref<160x128xi32, #tpu.memory_space<hbm>>) dst(%arg7 : memref<160x128xi32, #tpu.memory_space<vmem>>)
    %dma_wait3A_51 = arith.constant 0 : i32
    %dma_wait3A_52 = arith.constant 0 : i32
    %dma_wait3A_53 = tpu.memref_slice %arg4[%arg1, %dma_wait3A_51, %dma_wait3A_52] : memref<16x160x128xi32, #tpu.memory_space<hbm>> -> memref<1x160x128xi32, #tpu.memory_space<hbm>>
    %dma_wait3A_54 = tpu.memref_squeeze %dma_wait3A_53 : memref<1x160x128xi32, #tpu.memory_space<hbm>> -> memref<160x128xi32, #tpu.memory_space<hbm>>
    %dma_wait3A_55 = arith.constant 0 : i32
    %dma_wait3A_56 = arith.constant 0 : i32
    %dma_wait3A_57 = tpu.memref_slice %arg4[%arg1, %dma_wait3A_55, %dma_wait3A_56] : memref<16x160x128xi32, #tpu.memory_space<hbm>> -> memref<1x160x128xi32, #tpu.memory_space<hbm>>
    %dma_wait3A_58 = tpu.memref_squeeze %dma_wait3A_57 : memref<1x160x128xi32, #tpu.memory_space<hbm>> -> memref<160x128xi32, #tpu.memory_space<hbm>>
    tpu.wait_dma2 semaphore(%arg22 : memref<!tpu.dma_semaphore, #tpu.memory_space<semaphore_mem>>) src(%dma_wait3A_58 : memref<160x128xi32, #tpu.memory_space<hbm>>) dst(%arg8 : memref<160x128xi32, #tpu.memory_space<vmem>>)
    %scan3A_59 = arith.constant 0 : i32
    %scan3A_60 = arith.constant 8 : i32
    %scan3A_61 = arith.addi %scan3A_59, %scan3A_60 : i32
    %scan3A_62 = arith.constant 1 : i32
    scf.for %scan3A_113 = %scan3A_59 to %scan3A_61 step %scan3A_62  : i32 {
      %mul3A_114 = arith.constant 1 : i32
      %mul3A_115 = arith.muli %scan3A_113, %mul3A_114 : i32
      %add3A_116 = arith.constant 0 : i32
      %add3A_117 = arith.addi %add3A_116, %mul3A_115 : i32
      %mul3A_118 = arith.constant 16 : i32
      %mul3A_119 = arith.muli %add3A_117, %mul3A_118 : i32
      %get3A = arith.constant 0 : i32
      %get3A_120 = arith.index_cast %get3A : i32 to index
      %get3A_121 = arith.index_cast %mul3A_119 : i32 to index
      %get3A_122 = tpu.vector_load %arg7[%get3A_120, %get3A_121] {strides = array<i32>} : memref<160x128xi32, #tpu.memory_space<vmem>>, vector<1x16xi32>,
      %get3A_123 = vector.shape_cast %get3A_122 : vector<1x16xi32> to vector<16xi32>
      %mul3A_124 = arith.constant 2 : i32
      %mul3A_125 = vector.broadcast %mul3A_124 : i32 to vector<16xi32>
      %mul3A_126 = arith.muli %get3A_123, %mul3A_125 : vector<16xi32>
      %add3A_127 = vector.broadcast %arg0 : i32 to vector<16xi32>
      %add3A_128 = arith.addi %mul3A_126, %add3A_127 : vector<16xi32>
      %mul3A_129 = arith.constant 16 : i32
      %mul3A_130 = arith.muli %add3A_117, %mul3A_129 : i32
      %swap3A = arith.constant 0 : i32
      %swap3A_131 = arith.index_cast %swap3A : i32 to index
      %swap3A_132 = arith.index_cast %mul3A_130 : i32 to index
      %swap3A_133 = tpu.vector_load %arg9[%swap3A_131, %swap3A_132] {strides = array<i32>} : memref<4x128xi32, #tpu.memory_space<vmem>>, vector<1x16xi32>,
      %swap3A_134 = vector.shape_cast %swap3A_133 : vector<1x16xi32> to vector<16xi32>
      %swap3A_135 = vector.shape_cast %add3A_128 : vector<16xi32> to vector<1x16xi32>
      tpu.vector_store %arg9[%swap3A_131, %swap3A_132], %swap3A_135 {strides = array<i32>} : memref<4x128xi32, #tpu.memory_space<vmem>>, vector<1x16xi32>,
    }
    %scan3A_63 = arith.constant 8 : i32
    %dma_start3A_64 = arith.constant 0 : i32
    %dma_start3A_65 = arith.constant 0 : i32
    %dma_start3A_66 = tpu.memref_slice %arg9[%dma_start3A_64, %dma_start3A_65] : memref<4x128xi32, #tpu.memory_space<vmem>> -> memref<1x128xi32, #tpu.memory_space<vmem>>
    %dma_start3A_67 = tpu.memref_squeeze %dma_start3A_66 : memref<1x128xi32, #tpu.memory_space<vmem>> -> memref<128xi32, #tpu.memory_space<vmem>>
    %dma_start3A_68 = arith.constant 0 : i32
    %dma_start3A_69 = arith.constant 0 : i32
    %dma_start3A_70 = tpu.memref_slice %arg2[%dma_start3A_68, %dma_start3A_69] : memref<20000x64xf32, #tpu.memory_space<hbm>> -> memref<20000x64xf32, #tpu.memory_space<hbm>>
    tpu.enqueue_indirect_dma source(%dma_start3A_70 : memref<20000x64xf32, #tpu.memory_space<hbm>>) target(%arg10 : memref<128x64xf32, #tpu.memory_space<vmem>>) offsets(%dma_start3A_67 : memref<128xi32, #tpu.memory_space<vmem>>) semaphore(%arg17 : memref<!tpu.dma_semaphore, #tpu.memory_space<semaphore_mem>>)
    %scan3A_71 = arith.constant 0 : i32
    %scan3A_72 = arith.constant 8 : i32
    %scan3A_73 = arith.addi %scan3A_71, %scan3A_72 : i32
    %scan3A_74 = arith.constant 1 : i32
    scf.for %scan3A_113 = %scan3A_71 to %scan3A_73 step %scan3A_74  : i32 {
      %mul3A_114 = arith.constant 1 : i32
      %mul3A_115 = arith.muli %scan3A_113, %mul3A_114 : i32
      %add3A_116 = arith.constant 0 : i32
      %add3A_117 = arith.addi %add3A_116, %mul3A_115 : i32
      %mul3A_118 = arith.constant 16 : i32
      %mul3A_119 = arith.muli %add3A_117, %mul3A_118 : i32
      %get3A = arith.constant 1 : i32
      %get3A_120 = arith.index_cast %get3A : i32 to index
      %get3A_121 = arith.index_cast %mul3A_119 : i32 to index
      %get3A_122 = tpu.vector_load %arg7[%get3A_120, %get3A_121] {strides = array<i32>} : memref<160x128xi32, #tpu.memory_space<vmem>>, vector<1x16xi32>,
      %get3A_123 = vector.shape_cast %get3A_122 : vector<1x16xi32> to vector<16xi32>
      %mul3A_124 = arith.constant 2 : i32
      %mul3A_125 = vector.broadcast %mul3A_124 : i32 to vector<16xi32>
      %mul3A_126 = arith.muli %get3A_123, %mul3A_125 : vector<16xi32>
      %add3A_127 = vector.broadcast %arg0 : i32 to vector<16xi32>
      %add3A_128 = arith.addi %mul3A_126, %add3A_127 : vector<16xi32>
      %mul3A_129 = arith.constant 16 : i32
      %mul3A_130 = arith.muli %add3A_117, %mul3A_129 : i32
      %swap3A = arith.constant 1 : i32
      %swap3A_131 = arith.index_cast %swap3A : i32 to index
      %swap3A_132 = arith.index_cast %mul3A_130 : i32 to index
      %swap3A_133 = tpu.vector_load %arg9[%swap3A_131, %swap3A_132] {strides = array<i32>} : memref<4x128xi32, #tpu.memory_space<vmem>>, vector<1x16xi32>,
      %swap3A_134 = vector.shape_cast %swap3A_133 : vector<1x16xi32> to vector<16xi32>
      %swap3A_135 = vector.shape_cast %add3A_128 : vector<16xi32> to vector<1x16xi32>
      tpu.vector_store %arg9[%swap3A_131, %swap3A_132], %swap3A_135 {strides = array<i32>} : memref<4x128xi32, #tpu.memory_space<vmem>>, vector<1x16xi32>,
    }
    %scan3A_75 = arith.constant 8 : i32
    %dma_start3A_76 = arith.constant 1 : i32
    %dma_start3A_77 = arith.constant 0 : i32
    %dma_start3A_78 = tpu.memref_slice %arg9[%dma_start3A_76, %dma_start3A_77] : memref<4x128xi32, #tpu.memory_space<vmem>> -> memref<1x128xi32, #tpu.memory_space<vmem>>
    %dma_start3A_79 = tpu.memref_squeeze %dma_start3A_78 : memref<1x128xi32, #tpu.memory_space<vmem>> -> memref<128xi32, #tpu.memory_space<vmem>>
    %dma_start3A_80 = arith.constant 0 : i32
    %dma_start3A_81 = arith.constant 0 : i32
    %dma_start3A_82 = tpu.memref_slice %arg2[%dma_start3A_80, %dma_start3A_81] : memref<20000x64xf32, #tpu.memory_space<hbm>> -> memref<20000x64xf32, #tpu.memory_space<hbm>>
    tpu.enqueue_indirect_dma source(%dma_start3A_82 : memref<20000x64xf32, #tpu.memory_space<hbm>>) target(%arg11 : memref<128x64xf32, #tpu.memory_space<vmem>>) offsets(%dma_start3A_79 : memref<128xi32, #tpu.memory_space<vmem>>) semaphore(%arg18 : memref<!tpu.dma_semaphore, #tpu.memory_space<semaphore_mem>>)
    %scan3A_83 = arith.constant 0 : i32
    %scan3A_84 = arith.constant 8 : i32
    %scan3A_85 = arith.addi %scan3A_83, %scan3A_84 : i32
    %scan3A_86 = arith.constant 1 : i32
    scf.for %scan3A_113 = %scan3A_83 to %scan3A_85 step %scan3A_86  : i32 {
      %mul3A_114 = arith.constant 1 : i32
      %mul3A_115 = arith.muli %scan3A_113, %mul3A_114 : i32
      %add3A_116 = arith.constant 0 : i32
      %add3A_117 = arith.addi %add3A_116, %mul3A_115 : i32
      %mul3A_118 = arith.constant 16 : i32
      %mul3A_119 = arith.muli %add3A_117, %mul3A_118 : i32
      %get3A = arith.constant 2 : i32
      %get3A_120 = arith.index_cast %get3A : i32 to index
      %get3A_121 = arith.index_cast %mul3A_119 : i32 to index
      %get3A_122 = tpu.vector_load %arg7[%get3A_120, %get3A_121] {strides = array<i32>} : memref<160x128xi32, #tpu.memory_space<vmem>>, vector<1x16xi32>,
      %get3A_123 = vector.shape_cast %get3A_122 : vector<1x16xi32> to vector<16xi32>
      %mul3A_124 = arith.constant 2 : i32
      %mul3A_125 = vector.broadcast %mul3A_124 : i32 to vector<16xi32>
      %mul3A_126 = arith.muli %get3A_123, %mul3A_125 : vector<16xi32>
      %add3A_127 = vector.broadcast %arg0 : i32 to vector<16xi32>
      %add3A_128 = arith.addi %mul3A_126, %add3A_127 : vector<16xi32>
      %mul3A_129 = arith.constant 16 : i32
      %mul3A_130 = arith.muli %add3A_117, %mul3A_129 : i32
      %swap3A = arith.constant 2 : i32
      %swap3A_131 = arith.index_cast %swap3A : i32 to index
      %swap3A_132 = arith.index_cast %mul3A_130 : i32 to index
      %swap3A_133 = tpu.vector_load %arg9[%swap3A_131, %swap3A_132] {strides = array<i32>} : memref<4x128xi32, #tpu.memory_space<vmem>>, vector<1x16xi32>,
      %swap3A_134 = vector.shape_cast %swap3A_133 : vector<1x16xi32> to vector<16xi32>
      %swap3A_135 = vector.shape_cast %add3A_128 : vector<16xi32> to vector<1x16xi32>
      tpu.vector_store %arg9[%swap3A_131, %swap3A_132], %swap3A_135 {strides = array<i32>} : memref<4x128xi32, #tpu.memory_space<vmem>>, vector<1x16xi32>,
    }
    %scan3A_87 = arith.constant 8 : i32
    %dma_start3A_88 = arith.constant 2 : i32
    %dma_start3A_89 = arith.constant 0 : i32
    %dma_start3A_90 = tpu.memref_slice %arg9[%dma_start3A_88, %dma_start3A_89] : memref<4x128xi32, #tpu.memory_space<vmem>> -> memref<1x128xi32, #tpu.memory_space<vmem>>
    %dma_start3A_91 = tpu.memref_squeeze %dma_start3A_90 : memref<1x128xi32, #tpu.memory_space<vmem>> -> memref<128xi32, #tpu.memory_space<vmem>>
    %dma_start3A_92 = arith.constant 0 : i32
    %dma_start3A_93 = arith.constant 0 : i32
    %dma_start3A_94 = tpu.memref_slice %arg2[%dma_start3A_92, %dma_start3A_93] : memref<20000x64xf32, #tpu.memory_space<hbm>> -> memref<20000x64xf32, #tpu.memory_space<hbm>>
    tpu.enqueue_indirect_dma source(%dma_start3A_94 : memref<20000x64xf32, #tpu.memory_space<hbm>>) target(%arg12 : memref<128x64xf32, #tpu.memory_space<vmem>>) offsets(%dma_start3A_91 : memref<128xi32, #tpu.memory_space<vmem>>) semaphore(%arg19 : memref<!tpu.dma_semaphore, #tpu.memory_space<semaphore_mem>>)
    %scan3A_95 = arith.constant 0 : i32
    %scan3A_96 = arith.constant 8 : i32
    %scan3A_97 = arith.addi %scan3A_95, %scan3A_96 : i32
    %scan3A_98 = arith.constant 1 : i32
    scf.for %scan3A_113 = %scan3A_95 to %scan3A_97 step %scan3A_98  : i32 {
      %mul3A_114 = arith.constant 1 : i32
      %mul3A_115 = arith.muli %scan3A_113, %mul3A_114 : i32
      %add3A_116 = arith.constant 0 : i32
      %add3A_117 = arith.addi %add3A_116, %mul3A_115 : i32
      %mul3A_118 = arith.constant 16 : i32
      %mul3A_119 = arith.muli %add3A_117, %mul3A_118 : i32
      %get3A = arith.constant 3 : i32
      %get3A_120 = arith.index_cast %get3A : i32 to index
      %get3A_121 = arith.index_cast %mul3A_119 : i32 to index
      %get3A_122 = tpu.vector_load %arg7[%get3A_120, %get3A_121] {strides = array<i32>} : memref<160x128xi32, #tpu.memory_space<vmem>>, vector<1x16xi32>,
      %get3A_123 = vector.shape_cast %get3A_122 : vector<1x16xi32> to vector<16xi32>
      %mul3A_124 = arith.constant 2 : i32
      %mul3A_125 = vector.broadcast %mul3A_124 : i32 to vector<16xi32>
      %mul3A_126 = arith.muli %get3A_123, %mul3A_125 : vector<16xi32>
      %add3A_127 = vector.broadcast %arg0 : i32 to vector<16xi32>
      %add3A_128 = arith.addi %mul3A_126, %add3A_127 : vector<16xi32>
      %mul3A_129 = arith.constant 16 : i32
      %mul3A_130 = arith.muli %add3A_117, %mul3A_129 : i32
      %swap3A = arith.constant 3 : i32
      %swap3A_131 = arith.index_cast %swap3A : i32 to index
      %swap3A_132 = arith.index_cast %mul3A_130 : i32 to index
      %swap3A_133 = tpu.vector_load %arg9[%swap3A_131, %swap3A_132] {strides = array<i32>} : memref<4x128xi32, #tpu.memory_space<vmem>>, vector<1x16xi32>,
      %swap3A_134 = vector.shape_cast %swap3A_133 : vector<1x16xi32> to vector<16xi32>
      %swap3A_135 = vector.shape_cast %add3A_128 : vector<16xi32> to vector<1x16xi32>
      tpu.vector_store %arg9[%swap3A_131, %swap3A_132], %swap3A_135 {strides = array<i32>} : memref<4x128xi32, #tpu.memory_space<vmem>>, vector<1x16xi32>,
    }
    %scan3A_99 = arith.constant 8 : i32
    %dma_start3A_100 = arith.constant 3 : i32
    %dma_start3A_101 = arith.constant 0 : i32
    %dma_start3A_102 = tpu.memref_slice %arg9[%dma_start3A_100, %dma_start3A_101] : memref<4x128xi32, #tpu.memory_space<vmem>> -> memref<1x128xi32, #tpu.memory_space<vmem>>
    %dma_start3A_103 = tpu.memref_squeeze %dma_start3A_102 : memref<1x128xi32, #tpu.memory_space<vmem>> -> memref<128xi32, #tpu.memory_space<vmem>>
    %dma_start3A_104 = arith.constant 0 : i32
    %dma_start3A_105 = arith.constant 0 : i32
    %dma_start3A_106 = tpu.memref_slice %arg2[%dma_start3A_104, %dma_start3A_105] : memref<20000x64xf32, #tpu.memory_space<hbm>> -> memref<20000x64xf32, #tpu.memory_space<hbm>>
    tpu.enqueue_indirect_dma source(%dma_start3A_106 : memref<20000x64xf32, #tpu.memory_space<hbm>>) target(%arg13 : memref<128x64xf32, #tpu.memory_space<vmem>>) offsets(%dma_start3A_103 : memref<128xi32, #tpu.memory_space<vmem>>) semaphore(%arg20 : memref<!tpu.dma_semaphore, #tpu.memory_space<semaphore_mem>>)
    %barrier3A = arith.constant 0 : index
    tpu.barrier barrier_id(%barrier3A)
    %scan3A_107 = arith.constant 0 : i32
    %scan3A_108 = arith.constant 40 : i32
    %scan3A_109 = arith.addi %scan3A_107, %scan3A_108 : i32
    %scan3A_110 = arith.constant 1 : i32
    scf.for %scan3A_113 = %scan3A_107 to %scan3A_109 step %scan3A_110  : i32 {
      %mul3A_114 = arith.constant 1 : i32
      %mul3A_115 = arith.muli %scan3A_113, %mul3A_114 : i32
      %add3A_116 = arith.constant 0 : i32
      %add3A_117 = arith.addi %add3A_116, %mul3A_115 : i32
      %mul3A_118 = arith.constant 4 : i32
      %mul3A_119 = arith.muli %mul3A_118, %add3A_117 : i32
      %dma_wait3A_120 = arith.constant 0 : i32
      %dma_wait3A_121 = arith.constant 0 : i32
      %dma_wait3A_122 = tpu.memref_slice %arg9[%dma_wait3A_120, %dma_wait3A_121] : memref<4x128xi32, #tpu.memory_space<vmem>> -> memref<1x128xi32, #tpu.memory_space<vmem>>
      %dma_wait3A_123 = tpu.memref_squeeze %dma_wait3A_122 : memref<1x128xi32, #tpu.memory_space<vmem>> -> memref<128xi32, #tpu.memory_space<vmem>>
      %dma_wait3A_124 = arith.constant 0 : i32
      %dma_wait3A_125 = arith.constant 0 : i32
      %dma_wait3A_126 = tpu.memref_slice %arg2[%dma_wait3A_124, %dma_wait3A_125] : memref<20000x64xf32, #tpu.memory_space<hbm>> -> memref<20000x64xf32, #tpu.memory_space<hbm>>
      tpu.wait_indirect_dma semaphore(%arg17 : memref<!tpu.dma_semaphore, #tpu.memory_space<semaphore_mem>>) src(%dma_wait3A_126 : memref<20000x64xf32, #tpu.memory_space<hbm>>) dst(%arg10 : memref<128x64xf32, #tpu.memory_space<vmem>>)
      %add3A_127 = arith.constant 0 : i32
      %add3A_128 = arith.addi %mul3A_119, %add3A_127 : i32
      %dma_start3A_129 = arith.constant 0 : i32
      %dma_start3A_130 = tpu.memref_slice %arg8[%add3A_128, %dma_start3A_129] : memref<160x128xi32, #tpu.memory_space<vmem>> -> memref<1x128xi32, #tpu.memory_space<vmem>>
      %dma_start3A_131 = tpu.memref_squeeze %dma_start3A_130 : memref<1x128xi32, #tpu.memory_space<vmem>> -> memref<128xi32, #tpu.memory_space<vmem>>
      %dma_start3A_132 = arith.constant 0 : i32
      %dma_start3A_133 = arith.constant 0 : i32
      %dma_start3A_134 = tpu.memref_slice %arg15[%dma_start3A_132, %dma_start3A_133] : memref<10240x64xf32, #tpu.memory_space<vmem_shared>> -> memref<10240x64xf32, #tpu.memory_space<vmem_shared>>
      tpu.enqueue_indirect_dma source(%arg10 : memref<128x64xf32, #tpu.memory_space<vmem>>) target(%dma_start3A_134 : memref<10240x64xf32, #tpu.memory_space<vmem_shared>>) offsets(%dma_start3A_131 : memref<128xi32, #tpu.memory_space<vmem>>) semaphore(%arg21 : memref<!tpu.dma_semaphore, #tpu.memory_space<semaphore_mem>>) {add = true}
      %eq3A = arith.constant 0 : i32
      %eq3A_135 = arith.cmpi eq, %arg0, %eq3A : i32
      %convert_element_type3A = arith.extui %eq3A_135 : i1 to i32
      %cond3A = arith.constant 0 : i32
      %cond3A_136 = arith.cmpi ne, %convert_element_type3A, %cond3A : i32
      scf.if %cond3A_136 {
        %add3A_268 = arith.constant 0 : i32
        %add3A_269 = arith.addi %mul3A_119, %add3A_268 : i32
        %dma_start3A_270 = arith.constant 0 : i32
        %dma_start3A_271 = tpu.memref_slice %arg8[%add3A_269, %dma_start3A_270] : memref<160x128xi32, #tpu.memory_space<vmem>> -> memref<1x128xi32, #tpu.memory_space<vmem>>
        %dma_start3A_272 = tpu.memref_squeeze %dma_start3A_271 : memref<1x128xi32, #tpu.memory_space<vmem>> -> memref<128xi32, #tpu.memory_space<vmem>>
        %dma_start3A_273 = arith.constant 0 : i32
        %dma_start3A_274 = arith.constant 0 : i32
        %dma_start3A_275 = tpu.memref_slice %arg16[%dma_start3A_273, %dma_start3A_274] : memref<10240x16xf32, #tpu.memory_space<vmem_shared>> -> memref<10240x16xf32, #tpu.memory_space<vmem_shared>>
        tpu.enqueue_indirect_dma source(%arg14 : memref<128x16xf32, #tpu.memory_space<vmem>>) target(%dma_start3A_275 : memref<10240x16xf32, #tpu.memory_space<vmem_shared>>) offsets(%dma_start3A_272 : memref<128xi32, #tpu.memory_space<vmem>>) semaphore(%arg21 : memref<!tpu.dma_semaphore, #tpu.memory_space<semaphore_mem>>) {add = true}
      } else {
      }
      %dma_wait3A_137 = arith.constant 1 : i32
      %dma_wait3A_138 = arith.constant 0 : i32
      %dma_wait3A_139 = tpu.memref_slice %arg9[%dma_wait3A_137, %dma_wait3A_138] : memref<4x128xi32, #tpu.memory_space<vmem>> -> memref<1x128xi32, #tpu.memory_space<vmem>>
      %dma_wait3A_140 = tpu.memref_squeeze %dma_wait3A_139 : memref<1x128xi32, #tpu.memory_space<vmem>> -> memref<128xi32, #tpu.memory_space<vmem>>
      %dma_wait3A_141 = arith.constant 0 : i32
      %dma_wait3A_142 = arith.constant 0 : i32
      %dma_wait3A_143 = tpu.memref_slice %arg2[%dma_wait3A_141, %dma_wait3A_142] : memref<20000x64xf32, #tpu.memory_space<hbm>> -> memref<20000x64xf32, #tpu.memory_space<hbm>>
      tpu.wait_indirect_dma semaphore(%arg18 : memref<!tpu.dma_semaphore, #tpu.memory_space<semaphore_mem>>) src(%dma_wait3A_143 : memref<20000x64xf32, #tpu.memory_space<hbm>>) dst(%arg11 : memref<128x64xf32, #tpu.memory_space<vmem>>)
      %add3A_144 = arith.constant 1 : i32
      %add3A_145 = arith.addi %mul3A_119, %add3A_144 : i32
      %dma_start3A_146 = arith.constant 0 : i32
      %dma_start3A_147 = tpu.memref_slice %arg8[%add3A_145, %dma_start3A_146] : memref<160x128xi32, #tpu.memory_space<vmem>> -> memref<1x128xi32, #tpu.memory_space<vmem>>
      %dma_start3A_148 = tpu.memref_squeeze %dma_start3A_147 : memref<1x128xi32, #tpu.memory_space<vmem>> -> memref<128xi32, #tpu.memory_space<vmem>>
      %dma_start3A_149 = arith.constant 0 : i32
      %dma_start3A_150 = arith.constant 0 : i32
      %dma_start3A_151 = tpu.memref_slice %arg15[%dma_start3A_149, %dma_start3A_150] : memref<10240x64xf32, #tpu.memory_space<vmem_shared>> -> memref<10240x64xf32, #tpu.memory_space<vmem_shared>>
      tpu.enqueue_indirect_dma source(%arg11 : memref<128x64xf32, #tpu.memory_space<vmem>>) target(%dma_start3A_151 : memref<10240x64xf32, #tpu.memory_space<vmem_shared>>) offsets(%dma_start3A_148 : memref<128xi32, #tpu.memory_space<vmem>>) semaphore(%arg22 : memref<!tpu.dma_semaphore, #tpu.memory_space<semaphore_mem>>) {add = true}
      %eq3A_152 = arith.constant 1 : i32
      %eq3A_153 = arith.cmpi eq, %arg0, %eq3A_152 : i32
      %convert_element_type3A_154 = arith.extui %eq3A_153 : i1 to i32
      %cond3A_155 = arith.constant 0 : i32
      %cond3A_156 = arith.cmpi ne, %convert_element_type3A_154, %cond3A_155 : i32
      scf.if %cond3A_156 {
        %add3A_268 = arith.constant 1 : i32
        %add3A_269 = arith.addi %mul3A_119, %add3A_268 : i32
        %dma_start3A_270 = arith.constant 0 : i32
        %dma_start3A_271 = tpu.memref_slice %arg8[%add3A_269, %dma_start3A_270] : memref<160x128xi32, #tpu.memory_space<vmem>> -> memref<1x128xi32, #tpu.memory_space<vmem>>
        %dma_start3A_272 = tpu.memref_squeeze %dma_start3A_271 : memref<1x128xi32, #tpu.memory_space<vmem>> -> memref<128xi32, #tpu.memory_space<vmem>>
        %dma_start3A_273 = arith.constant 0 : i32
        %dma_start3A_274 = arith.constant 0 : i32
        %dma_start3A_275 = tpu.memref_slice %arg16[%dma_start3A_273, %dma_start3A_274] : memref<10240x16xf32, #tpu.memory_space<vmem_shared>> -> memref<10240x16xf32, #tpu.memory_space<vmem_shared>>
        tpu.enqueue_indirect_dma source(%arg14 : memref<128x16xf32, #tpu.memory_space<vmem>>) target(%dma_start3A_275 : memref<10240x16xf32, #tpu.memory_space<vmem_shared>>) offsets(%dma_start3A_272 : memref<128xi32, #tpu.memory_space<vmem>>) semaphore(%arg22 : memref<!tpu.dma_semaphore, #tpu.memory_space<semaphore_mem>>) {add = true}
      } else {
      }
      %dma_wait3A_157 = arith.constant 2 : i32
      %dma_wait3A_158 = arith.constant 0 : i32
      %dma_wait3A_159 = tpu.memref_slice %arg9[%dma_wait3A_157, %dma_wait3A_158] : memref<4x128xi32, #tpu.memory_space<vmem>> -> memref<1x128xi32, #tpu.memory_space<vmem>>
      %dma_wait3A_160 = tpu.memref_squeeze %dma_wait3A_159 : memref<1x128xi32, #tpu.memory_space<vmem>> -> memref<128xi32, #tpu.memory_space<vmem>>
      %dma_wait3A_161 = arith.constant 0 : i32
      %dma_wait3A_162 = arith.constant 0 : i32
      %dma_wait3A_163 = tpu.memref_slice %arg2[%dma_wait3A_161, %dma_wait3A_162] : memref<20000x64xf32, #tpu.memory_space<hbm>> -> memref<20000x64xf32, #tpu.memory_space<hbm>>
      tpu.wait_indirect_dma semaphore(%arg19 : memref<!tpu.dma_semaphore, #tpu.memory_space<semaphore_mem>>) src(%dma_wait3A_163 : memref<20000x64xf32, #tpu.memory_space<hbm>>) dst(%arg12 : memref<128x64xf32, #tpu.memory_space<vmem>>)
      %add3A_164 = arith.constant 2 : i32
      %add3A_165 = arith.addi %mul3A_119, %add3A_164 : i32
      %dma_start3A_166 = arith.constant 0 : i32
      %dma_start3A_167 = tpu.memref_slice %arg8[%add3A_165, %dma_start3A_166] : memref<160x128xi32, #tpu.memory_space<vmem>> -> memref<1x128xi32, #tpu.memory_space<vmem>>
      %dma_start3A_168 = tpu.memref_squeeze %dma_start3A_167 : memref<1x128xi32, #tpu.memory_space<vmem>> -> memref<128xi32, #tpu.memory_space<vmem>>
      %dma_start3A_169 = arith.constant 0 : i32
      %dma_start3A_170 = arith.constant 0 : i32
      %dma_start3A_171 = tpu.memref_slice %arg15[%dma_start3A_169, %dma_start3A_170] : memref<10240x64xf32, #tpu.memory_space<vmem_shared>> -> memref<10240x64xf32, #tpu.memory_space<vmem_shared>>
      tpu.enqueue_indirect_dma source(%arg12 : memref<128x64xf32, #tpu.memory_space<vmem>>) target(%dma_start3A_171 : memref<10240x64xf32, #tpu.memory_space<vmem_shared>>) offsets(%dma_start3A_168 : memref<128xi32, #tpu.memory_space<vmem>>) semaphore(%arg23 : memref<!tpu.dma_semaphore, #tpu.memory_space<semaphore_mem>>) {add = true}
      %eq3A_172 = arith.constant 0 : i32
      %eq3A_173 = arith.cmpi eq, %arg0, %eq3A_172 : i32
      %convert_element_type3A_174 = arith.extui %eq3A_173 : i1 to i32
      %cond3A_175 = arith.constant 0 : i32
      %cond3A_176 = arith.cmpi ne, %convert_element_type3A_174, %cond3A_175 : i32
      scf.if %cond3A_176 {
        %add3A_268 = arith.constant 2 : i32
        %add3A_269 = arith.addi %mul3A_119, %add3A_268 : i32
        %dma_start3A_270 = arith.constant 0 : i32
        %dma_start3A_271 = tpu.memref_slice %arg8[%add3A_269, %dma_start3A_270] : memref<160x128xi32, #tpu.memory_space<vmem>> -> memref<1x128xi32, #tpu.memory_space<vmem>>
        %dma_start3A_272 = tpu.memref_squeeze %dma_start3A_271 : memref<1x128xi32, #tpu.memory_space<vmem>> -> memref<128xi32, #tpu.memory_space<vmem>>
        %dma_start3A_273 = arith.constant 0 : i32
        %dma_start3A_274 = arith.constant 0 : i32
        %dma_start3A_275 = tpu.memref_slice %arg16[%dma_start3A_273, %dma_start3A_274] : memref<10240x16xf32, #tpu.memory_space<vmem_shared>> -> memref<10240x16xf32, #tpu.memory_space<vmem_shared>>
        tpu.enqueue_indirect_dma source(%arg14 : memref<128x16xf32, #tpu.memory_space<vmem>>) target(%dma_start3A_275 : memref<10240x16xf32, #tpu.memory_space<vmem_shared>>) offsets(%dma_start3A_272 : memref<128xi32, #tpu.memory_space<vmem>>) semaphore(%arg23 : memref<!tpu.dma_semaphore, #tpu.memory_space<semaphore_mem>>) {add = true}
      } else {
      }
      %dma_wait3A_177 = arith.constant 3 : i32
      %dma_wait3A_178 = arith.constant 0 : i32
      %dma_wait3A_179 = tpu.memref_slice %arg9[%dma_wait3A_177, %dma_wait3A_178] : memref<4x128xi32, #tpu.memory_space<vmem>> -> memref<1x128xi32, #tpu.memory_space<vmem>>
      %dma_wait3A_180 = tpu.memref_squeeze %dma_wait3A_179 : memref<1x128xi32, #tpu.memory_space<vmem>> -> memref<128xi32, #tpu.memory_space<vmem>>
      %dma_wait3A_181 = arith.constant 0 : i32
      %dma_wait3A_182 = arith.constant 0 : i32
      %dma_wait3A_183 = tpu.memref_slice %arg2[%dma_wait3A_181, %dma_wait3A_182] : memref<20000x64xf32, #tpu.memory_space<hbm>> -> memref<20000x64xf32, #tpu.memory_space<hbm>>
      tpu.wait_indirect_dma semaphore(%arg20 : memref<!tpu.dma_semaphore, #tpu.memory_space<semaphore_mem>>) src(%dma_wait3A_183 : memref<20000x64xf32, #tpu.memory_space<hbm>>) dst(%arg13 : memref<128x64xf32, #tpu.memory_space<vmem>>)
      %add3A_184 = arith.constant 3 : i32
      %add3A_185 = arith.addi %mul3A_119, %add3A_184 : i32
      %dma_start3A_186 = arith.constant 0 : i32
      %dma_start3A_187 = tpu.memref_slice %arg8[%add3A_185, %dma_start3A_186] : memref<160x128xi32, #tpu.memory_space<vmem>> -> memref<1x128xi32, #tpu.memory_space<vmem>>
      %dma_start3A_188 = tpu.memref_squeeze %dma_start3A_187 : memref<1x128xi32, #tpu.memory_space<vmem>> -> memref<128xi32, #tpu.memory_space<vmem>>
      %dma_start3A_189 = arith.constant 0 : i32
      %dma_start3A_190 = arith.constant 0 : i32
      %dma_start3A_191 = tpu.memref_slice %arg15[%dma_start3A_189, %dma_start3A_190] : memref<10240x64xf32, #tpu.memory_space<vmem_shared>> -> memref<10240x64xf32, #tpu.memory_space<vmem_shared>>
      tpu.enqueue_indirect_dma source(%arg13 : memref<128x64xf32, #tpu.memory_space<vmem>>) target(%dma_start3A_191 : memref<10240x64xf32, #tpu.memory_space<vmem_shared>>) offsets(%dma_start3A_188 : memref<128xi32, #tpu.memory_space<vmem>>) semaphore(%arg24 : memref<!tpu.dma_semaphore, #tpu.memory_space<semaphore_mem>>) {add = true}
      %eq3A_192 = arith.constant 1 : i32
      %eq3A_193 = arith.cmpi eq, %arg0, %eq3A_192 : i32
      %convert_element_type3A_194 = arith.extui %eq3A_193 : i1 to i32
      %cond3A_195 = arith.constant 0 : i32
      %cond3A_196 = arith.cmpi ne, %convert_element_type3A_194, %cond3A_195 : i32
      scf.if %cond3A_196 {
        %add3A_268 = arith.constant 3 : i32
        %add3A_269 = arith.addi %mul3A_119, %add3A_268 : i32
        %dma_start3A_270 = arith.constant 0 : i32
        %dma_start3A_271 = tpu.memref_slice %arg8[%add3A_269, %dma_start3A_270] : memref<160x128xi32, #tpu.memory_space<vmem>> -> memref<1x128xi32, #tpu.memory_space<vmem>>
        %dma_start3A_272 = tpu.memref_squeeze %dma_start3A_271 : memref<1x128xi32, #tpu.memory_space<vmem>> -> memref<128xi32, #tpu.memory_space<vmem>>
        %dma_start3A_273 = arith.constant 0 : i32
        %dma_start3A_274 = arith.constant 0 : i32
        %dma_start3A_275 = tpu.memref_slice %arg16[%dma_start3A_273, %dma_start3A_274] : memref<10240x16xf32, #tpu.memory_space<vmem_shared>> -> memref<10240x16xf32, #tpu.memory_space<vmem_shared>>
        tpu.enqueue_indirect_dma source(%arg14 : memref<128x16xf32, #tpu.memory_space<vmem>>) target(%dma_start3A_275 : memref<10240x16xf32, #tpu.memory_space<vmem_shared>>) offsets(%dma_start3A_272 : memref<128xi32, #tpu.memory_space<vmem>>) semaphore(%arg24 : memref<!tpu.dma_semaphore, #tpu.memory_space<semaphore_mem>>) {add = true}
      } else {
      }
      %add3A_197 = arith.constant 0 : i32
      %add3A_198 = arith.addi %mul3A_119, %add3A_197 : i32
      %dma_wait3A_199 = arith.constant 0 : i32
      %dma_wait3A_200 = tpu.memref_slice %arg8[%add3A_198, %dma_wait3A_199] : memref<160x128xi32, #tpu.memory_space<vmem>> -> memref<1x128xi32, #tpu.memory_space<vmem>>
      %dma_wait3A_201 = tpu.memref_squeeze %dma_wait3A_200 : memref<1x128xi32, #tpu.memory_space<vmem>> -> memref<128xi32, #tpu.memory_space<vmem>>
      %dma_wait3A_202 = arith.constant 0 : i32
      %dma_wait3A_203 = arith.constant 0 : i32
      %dma_wait3A_204 = tpu.memref_slice %arg15[%dma_wait3A_202, %dma_wait3A_203] : memref<10240x64xf32, #tpu.memory_space<vmem_shared>> -> memref<10240x64xf32, #tpu.memory_space<vmem_shared>>
      tpu.wait_indirect_dma semaphore(%arg21 : memref<!tpu.dma_semaphore, #tpu.memory_space<semaphore_mem>>) src(%arg10 : memref<128x64xf32, #tpu.memory_space<vmem>>) dst(%dma_wait3A_204 : memref<10240x64xf32, #tpu.memory_space<vmem_shared>>)
      %lt3A = arith.constant 39 : i32
      %lt3A_205 = arith.cmpi slt, %add3A_117, %lt3A : i32
      %convert_element_type3A_206 = arith.extui %lt3A_205 : i1 to i32
      %cond3A_207 = arith.constant 0 : i32
      %cond3A_208 = arith.cmpi ne, %convert_element_type3A_206, %cond3A_207 : i32
      scf.if %cond3A_208 {
        %add3A_268 = arith.constant 4 : i32
        %add3A_269 = arith.addi %mul3A_119, %add3A_268 : i32
        %add3A_270 = arith.constant 0 : i32
        %add3A_271 = arith.addi %add3A_269, %add3A_270 : i32
        %scan3A_272 = arith.constant 0 : i32
        %scan3A_273 = arith.constant 8 : i32
        %scan3A_274 = arith.addi %scan3A_272, %scan3A_273 : i32
        %scan3A_275 = arith.constant 1 : i32
        scf.for %scan3A_284 = %scan3A_272 to %scan3A_274 step %scan3A_275  : i32 {
          %mul3A_285 = arith.constant 1 : i32
          %mul3A_286 = arith.muli %scan3A_284, %mul3A_285 : i32
          %add3A_287 = arith.constant 0 : i32
          %add3A_288 = arith.addi %add3A_287, %mul3A_286 : i32
          %mul3A_289 = arith.constant 16 : i32
          %mul3A_290 = arith.muli %add3A_288, %mul3A_289 : i32
          %get3A = arith.index_cast %add3A_271 : i32 to index
          %get3A_291 = arith.index_cast %mul3A_290 : i32 to index
          %get3A_292 = tpu.vector_load %arg7[%get3A, %get3A_291] {strides = array<i32>} : memref<160x128xi32, #tpu.memory_space<vmem>>, vector<1x16xi32>,
          %get3A_293 = vector.shape_cast %get3A_292 : vector<1x16xi32> to vector<16xi32>
          %mul3A_294 = arith.constant 2 : i32
          %mul3A_295 = vector.broadcast %mul3A_294 : i32 to vector<16xi32>
          %mul3A_296 = arith.muli %get3A_293, %mul3A_295 : vector<16xi32>
          %add3A_297 = vector.broadcast %arg0 : i32 to vector<16xi32>
          %add3A_298 = arith.addi %mul3A_296, %add3A_297 : vector<16xi32>
          %mul3A_299 = arith.constant 16 : i32
          %mul3A_300 = arith.muli %add3A_288, %mul3A_299 : i32
          %swap3A = arith.constant 0 : i32
          %swap3A_301 = arith.index_cast %swap3A : i32 to index
          %swap3A_302 = arith.index_cast %mul3A_300 : i32 to index
          %swap3A_303 = tpu.vector_load %arg9[%swap3A_301, %swap3A_302] {strides = array<i32>} : memref<4x128xi32, #tpu.memory_space<vmem>>, vector<1x16xi32>,
          %swap3A_304 = vector.shape_cast %swap3A_303 : vector<1x16xi32> to vector<16xi32>
          %swap3A_305 = vector.shape_cast %add3A_298 : vector<16xi32> to vector<1x16xi32>
          tpu.vector_store %arg9[%swap3A_301, %swap3A_302], %swap3A_305 {strides = array<i32>} : memref<4x128xi32, #tpu.memory_space<vmem>>, vector<1x16xi32>,
        }
        %scan3A_276 = arith.constant 8 : i32
        %dma_start3A_277 = arith.constant 0 : i32
        %dma_start3A_278 = arith.constant 0 : i32
        %dma_start3A_279 = tpu.memref_slice %arg9[%dma_start3A_277, %dma_start3A_278] : memref<4x128xi32, #tpu.memory_space<vmem>> -> memref<1x128xi32, #tpu.memory_space<vmem>>
        %dma_start3A_280 = tpu.memref_squeeze %dma_start3A_279 : memref<1x128xi32, #tpu.memory_space<vmem>> -> memref<128xi32, #tpu.memory_space<vmem>>
        %dma_start3A_281 = arith.constant 0 : i32
        %dma_start3A_282 = arith.constant 0 : i32
        %dma_start3A_283 = tpu.memref_slice %arg2[%dma_start3A_281, %dma_start3A_282] : memref<20000x64xf32, #tpu.memory_space<hbm>> -> memref<20000x64xf32, #tpu.memory_space<hbm>>
        tpu.enqueue_indirect_dma source(%dma_start3A_283 : memref<20000x64xf32, #tpu.memory_space<hbm>>) target(%arg10 : memref<128x64xf32, #tpu.memory_space<vmem>>) offsets(%dma_start3A_280 : memref<128xi32, #tpu.memory_space<vmem>>) semaphore(%arg17 : memref<!tpu.dma_semaphore, #tpu.memory_space<semaphore_mem>>)
      } else {
      }
      %eq3A_209 = arith.constant 0 : i32
      %eq3A_210 = arith.cmpi eq, %arg0, %eq3A_209 : i32
      %convert_element_type3A_211 = arith.extui %eq3A_210 : i1 to i32
      %cond3A_212 = arith.constant 0 : i32
      %cond3A_213 = arith.cmpi ne, %convert_element_type3A_211, %cond3A_212 : i32
      scf.if %cond3A_213 {
        %add3A_268 = arith.constant 0 : i32
        %add3A_269 = arith.addi %mul3A_119, %add3A_268 : i32
        %dma_wait3A_270 = arith.constant 0 : i32
        %dma_wait3A_271 = tpu.memref_slice %arg8[%add3A_269, %dma_wait3A_270] : memref<160x128xi32, #tpu.memory_space<vmem>> -> memref<1x128xi32, #tpu.memory_space<vmem>>
        %dma_wait3A_272 = tpu.memref_squeeze %dma_wait3A_271 : memref<1x128xi32, #tpu.memory_space<vmem>> -> memref<128xi32, #tpu.memory_space<vmem>>
        %dma_wait3A_273 = arith.constant 0 : i32
        %dma_wait3A_274 = arith.constant 0 : i32
        %dma_wait3A_275 = tpu.memref_slice %arg16[%dma_wait3A_273, %dma_wait3A_274] : memref<10240x16xf32, #tpu.memory_space<vmem_shared>> -> memref<10240x16xf32, #tpu.memory_space<vmem_shared>>
        tpu.wait_indirect_dma semaphore(%arg21 : memref<!tpu.dma_semaphore, #tpu.memory_space<semaphore_mem>>) src(%arg14 : memref<128x16xf32, #tpu.memory_space<vmem>>) dst(%dma_wait3A_275 : memref<10240x16xf32, #tpu.memory_space<vmem_shared>>)
      } else {
      }
      %add3A_214 = arith.constant 1 : i32
      %add3A_215 = arith.addi %mul3A_119, %add3A_214 : i32
      %dma_wait3A_216 = arith.constant 0 : i32
      %dma_wait3A_217 = tpu.memref_slice %arg8[%add3A_215, %dma_wait3A_216] : memref<160x128xi32, #tpu.memory_space<vmem>> -> memref<1x128xi32, #tpu.memory_space<vmem>>
      %dma_wait3A_218 = tpu.memref_squeeze %dma_wait3A_217 : memref<1x128xi32, #tpu.memory_space<vmem>> -> memref<128xi32, #tpu.memory_space<vmem>>
      %dma_wait3A_219 = arith.constant 0 : i32
      %dma_wait3A_220 = arith.constant 0 : i32
      %dma_wait3A_221 = tpu.memref_slice %arg15[%dma_wait3A_219, %dma_wait3A_220] : memref<10240x64xf32, #tpu.memory_space<vmem_shared>> -> memref<10240x64xf32, #tpu.memory_space<vmem_shared>>
      tpu.wait_indirect_dma semaphore(%arg22 : memref<!tpu.dma_semaphore, #tpu.memory_space<semaphore_mem>>) src(%arg11 : memref<128x64xf32, #tpu.memory_space<vmem>>) dst(%dma_wait3A_221 : memref<10240x64xf32, #tpu.memory_space<vmem_shared>>)
      %lt3A_222 = arith.constant 39 : i32
      %lt3A_223 = arith.cmpi slt, %add3A_117, %lt3A_222 : i32
      %convert_element_type3A_224 = arith.extui %lt3A_223 : i1 to i32
      %cond3A_225 = arith.constant 0 : i32
      %cond3A_226 = arith.cmpi ne, %convert_element_type3A_224, %cond3A_225 : i32
      scf.if %cond3A_226 {
        %add3A_268 = arith.constant 4 : i32
        %add3A_269 = arith.addi %mul3A_119, %add3A_268 : i32
        %add3A_270 = arith.constant 1 : i32
        %add3A_271 = arith.addi %add3A_269, %add3A_270 : i32
        %scan3A_272 = arith.constant 0 : i32
        %scan3A_273 = arith.constant 8 : i32
        %scan3A_274 = arith.addi %scan3A_272, %scan3A_273 : i32
        %scan3A_275 = arith.constant 1 : i32
        scf.for %scan3A_284 = %scan3A_272 to %scan3A_274 step %scan3A_275  : i32 {
          %mul3A_285 = arith.constant 1 : i32
          %mul3A_286 = arith.muli %scan3A_284, %mul3A_285 : i32
          %add3A_287 = arith.constant 0 : i32
          %add3A_288 = arith.addi %add3A_287, %mul3A_286 : i32
          %mul3A_289 = arith.constant 16 : i32
          %mul3A_290 = arith.muli %add3A_288, %mul3A_289 : i32
          %get3A = arith.index_cast %add3A_271 : i32 to index
          %get3A_291 = arith.index_cast %mul3A_290 : i32 to index
          %get3A_292 = tpu.vector_load %arg7[%get3A, %get3A_291] {strides = array<i32>} : memref<160x128xi32, #tpu.memory_space<vmem>>, vector<1x16xi32>,
          %get3A_293 = vector.shape_cast %get3A_292 : vector<1x16xi32> to vector<16xi32>
          %mul3A_294 = arith.constant 2 : i32
          %mul3A_295 = vector.broadcast %mul3A_294 : i32 to vector<16xi32>
          %mul3A_296 = arith.muli %get3A_293, %mul3A_295 : vector<16xi32>
          %add3A_297 = vector.broadcast %arg0 : i32 to vector<16xi32>
          %add3A_298 = arith.addi %mul3A_296, %add3A_297 : vector<16xi32>
          %mul3A_299 = arith.constant 16 : i32
          %mul3A_300 = arith.muli %add3A_288, %mul3A_299 : i32
          %swap3A = arith.constant 1 : i32
          %swap3A_301 = arith.index_cast %swap3A : i32 to index
          %swap3A_302 = arith.index_cast %mul3A_300 : i32 to index
          %swap3A_303 = tpu.vector_load %arg9[%swap3A_301, %swap3A_302] {strides = array<i32>} : memref<4x128xi32, #tpu.memory_space<vmem>>, vector<1x16xi32>,
          %swap3A_304 = vector.shape_cast %swap3A_303 : vector<1x16xi32> to vector<16xi32>
          %swap3A_305 = vector.shape_cast %add3A_298 : vector<16xi32> to vector<1x16xi32>
          tpu.vector_store %arg9[%swap3A_301, %swap3A_302], %swap3A_305 {strides = array<i32>} : memref<4x128xi32, #tpu.memory_space<vmem>>, vector<1x16xi32>,
        }
        %scan3A_276 = arith.constant 8 : i32
        %dma_start3A_277 = arith.constant 1 : i32
        %dma_start3A_278 = arith.constant 0 : i32
        %dma_start3A_279 = tpu.memref_slice %arg9[%dma_start3A_277, %dma_start3A_278] : memref<4x128xi32, #tpu.memory_space<vmem>> -> memref<1x128xi32, #tpu.memory_space<vmem>>
        %dma_start3A_280 = tpu.memref_squeeze %dma_start3A_279 : memref<1x128xi32, #tpu.memory_space<vmem>> -> memref<128xi32, #tpu.memory_space<vmem>>
        %dma_start3A_281 = arith.constant 0 : i32
        %dma_start3A_282 = arith.constant 0 : i32
        %dma_start3A_283 = tpu.memref_slice %arg2[%dma_start3A_281, %dma_start3A_282] : memref<20000x64xf32, #tpu.memory_space<hbm>> -> memref<20000x64xf32, #tpu.memory_space<hbm>>
        tpu.enqueue_indirect_dma source(%dma_start3A_283 : memref<20000x64xf32, #tpu.memory_space<hbm>>) target(%arg11 : memref<128x64xf32, #tpu.memory_space<vmem>>) offsets(%dma_start3A_280 : memref<128xi32, #tpu.memory_space<vmem>>) semaphore(%arg18 : memref<!tpu.dma_semaphore, #tpu.memory_space<semaphore_mem>>)
      } else {
      }
      %eq3A_227 = arith.constant 1 : i32
      %eq3A_228 = arith.cmpi eq, %arg0, %eq3A_227 : i32
      %convert_element_type3A_229 = arith.extui %eq3A_228 : i1 to i32
      %cond3A_230 = arith.constant 0 : i32
      %cond3A_231 = arith.cmpi ne, %convert_element_type3A_229, %cond3A_230 : i32
      scf.if %cond3A_231 {
        %add3A_268 = arith.constant 1 : i32
        %add3A_269 = arith.addi %mul3A_119, %add3A_268 : i32
        %dma_wait3A_270 = arith.constant 0 : i32
        %dma_wait3A_271 = tpu.memref_slice %arg8[%add3A_269, %dma_wait3A_270] : memref<160x128xi32, #tpu.memory_space<vmem>> -> memref<1x128xi32, #tpu.memory_space<vmem>>
        %dma_wait3A_272 = tpu.memref_squeeze %dma_wait3A_271 : memref<1x128xi32, #tpu.memory_space<vmem>> -> memref<128xi32, #tpu.memory_space<vmem>>
        %dma_wait3A_273 = arith.constant 0 : i32
        %dma_wait3A_274 = arith.constant 0 : i32
        %dma_wait3A_275 = tpu.memref_slice %arg16[%dma_wait3A_273, %dma_wait3A_274] : memref<10240x16xf32, #tpu.memory_space<vmem_shared>> -> memref<10240x16xf32, #tpu.memory_space<vmem_shared>>
        tpu.wait_indirect_dma semaphore(%arg22 : memref<!tpu.dma_semaphore, #tpu.memory_space<semaphore_mem>>) src(%arg14 : memref<128x16xf32, #tpu.memory_space<vmem>>) dst(%dma_wait3A_275 : memref<10240x16xf32, #tpu.memory_space<vmem_shared>>)
      } else {
      }
      %add3A_232 = arith.constant 2 : i32
      %add3A_233 = arith.addi %mul3A_119, %add3A_232 : i32
      %dma_wait3A_234 = arith.constant 0 : i32
      %dma_wait3A_235 = tpu.memref_slice %arg8[%add3A_233, %dma_wait3A_234] : memref<160x128xi32, #tpu.memory_space<vmem>> -> memref<1x128xi32, #tpu.memory_space<vmem>>
      %dma_wait3A_236 = tpu.memref_squeeze %dma_wait3A_235 : memref<1x128xi32, #tpu.memory_space<vmem>> -> memref<128xi32, #tpu.memory_space<vmem>>
      %dma_wait3A_237 = arith.constant 0 : i32
      %dma_wait3A_238 = arith.constant 0 : i32
      %dma_wait3A_239 = tpu.memref_slice %arg15[%dma_wait3A_237, %dma_wait3A_238] : memref<10240x64xf32, #tpu.memory_space<vmem_shared>> -> memref<10240x64xf32, #tpu.memory_space<vmem_shared>>
      tpu.wait_indirect_dma semaphore(%arg23 : memref<!tpu.dma_semaphore, #tpu.memory_space<semaphore_mem>>) src(%arg12 : memref<128x64xf32, #tpu.memory_space<vmem>>) dst(%dma_wait3A_239 : memref<10240x64xf32, #tpu.memory_space<vmem_shared>>)
      %lt3A_240 = arith.constant 39 : i32
      %lt3A_241 = arith.cmpi slt, %add3A_117, %lt3A_240 : i32
      %convert_element_type3A_242 = arith.extui %lt3A_241 : i1 to i32
      %cond3A_243 = arith.constant 0 : i32
      %cond3A_244 = arith.cmpi ne, %convert_element_type3A_242, %cond3A_243 : i32
      scf.if %cond3A_244 {
        %add3A_268 = arith.constant 4 : i32
        %add3A_269 = arith.addi %mul3A_119, %add3A_268 : i32
        %add3A_270 = arith.constant 2 : i32
        %add3A_271 = arith.addi %add3A_269, %add3A_270 : i32
        %scan3A_272 = arith.constant 0 : i32
        %scan3A_273 = arith.constant 8 : i32
        %scan3A_274 = arith.addi %scan3A_272, %scan3A_273 : i32
        %scan3A_275 = arith.constant 1 : i32
        scf.for %scan3A_284 = %scan3A_272 to %scan3A_274 step %scan3A_275  : i32 {
          %mul3A_285 = arith.constant 1 : i32
          %mul3A_286 = arith.muli %scan3A_284, %mul3A_285 : i32
          %add3A_287 = arith.constant 0 : i32
          %add3A_288 = arith.addi %add3A_287, %mul3A_286 : i32
          %mul3A_289 = arith.constant 16 : i32
          %mul3A_290 = arith.muli %add3A_288, %mul3A_289 : i32
          %get3A = arith.index_cast %add3A_271 : i32 to index
          %get3A_291 = arith.index_cast %mul3A_290 : i32 to index
          %get3A_292 = tpu.vector_load %arg7[%get3A, %get3A_291] {strides = array<i32>} : memref<160x128xi32, #tpu.memory_space<vmem>>, vector<1x16xi32>,
          %get3A_293 = vector.shape_cast %get3A_292 : vector<1x16xi32> to vector<16xi32>
          %mul3A_294 = arith.constant 2 : i32
          %mul3A_295 = vector.broadcast %mul3A_294 : i32 to vector<16xi32>
          %mul3A_296 = arith.muli %get3A_293, %mul3A_295 : vector<16xi32>
          %add3A_297 = vector.broadcast %arg0 : i32 to vector<16xi32>
          %add3A_298 = arith.addi %mul3A_296, %add3A_297 : vector<16xi32>
          %mul3A_299 = arith.constant 16 : i32
          %mul3A_300 = arith.muli %add3A_288, %mul3A_299 : i32
          %swap3A = arith.constant 2 : i32
          %swap3A_301 = arith.index_cast %swap3A : i32 to index
          %swap3A_302 = arith.index_cast %mul3A_300 : i32 to index
          %swap3A_303 = tpu.vector_load %arg9[%swap3A_301, %swap3A_302] {strides = array<i32>} : memref<4x128xi32, #tpu.memory_space<vmem>>, vector<1x16xi32>,
          %swap3A_304 = vector.shape_cast %swap3A_303 : vector<1x16xi32> to vector<16xi32>
          %swap3A_305 = vector.shape_cast %add3A_298 : vector<16xi32> to vector<1x16xi32>
          tpu.vector_store %arg9[%swap3A_301, %swap3A_302], %swap3A_305 {strides = array<i32>} : memref<4x128xi32, #tpu.memory_space<vmem>>, vector<1x16xi32>,
        }
        %scan3A_276 = arith.constant 8 : i32
        %dma_start3A_277 = arith.constant 2 : i32
        %dma_start3A_278 = arith.constant 0 : i32
        %dma_start3A_279 = tpu.memref_slice %arg9[%dma_start3A_277, %dma_start3A_278] : memref<4x128xi32, #tpu.memory_space<vmem>> -> memref<1x128xi32, #tpu.memory_space<vmem>>
        %dma_start3A_280 = tpu.memref_squeeze %dma_start3A_279 : memref<1x128xi32, #tpu.memory_space<vmem>> -> memref<128xi32, #tpu.memory_space<vmem>>
        %dma_start3A_281 = arith.constant 0 : i32
        %dma_start3A_282 = arith.constant 0 : i32
        %dma_start3A_283 = tpu.memref_slice %arg2[%dma_start3A_281, %dma_start3A_282] : memref<20000x64xf32, #tpu.memory_space<hbm>> -> memref<20000x64xf32, #tpu.memory_space<hbm>>
        tpu.enqueue_indirect_dma source(%dma_start3A_283 : memref<20000x64xf32, #tpu.memory_space<hbm>>) target(%arg12 : memref<128x64xf32, #tpu.memory_space<vmem>>) offsets(%dma_start3A_280 : memref<128xi32, #tpu.memory_space<vmem>>) semaphore(%arg19 : memref<!tpu.dma_semaphore, #tpu.memory_space<semaphore_mem>>)
      } else {
      }
      %eq3A_245 = arith.constant 0 : i32
      %eq3A_246 = arith.cmpi eq, %arg0, %eq3A_245 : i32
      %convert_element_type3A_247 = arith.extui %eq3A_246 : i1 to i32
      %cond3A_248 = arith.constant 0 : i32
      %cond3A_249 = arith.cmpi ne, %convert_element_type3A_247, %cond3A_248 : i32
      scf.if %cond3A_249 {
        %add3A_268 = arith.constant 2 : i32
        %add3A_269 = arith.addi %mul3A_119, %add3A_268 : i32
        %dma_wait3A_270 = arith.constant 0 : i32
        %dma_wait3A_271 = tpu.memref_slice %arg8[%add3A_269, %dma_wait3A_270] : memref<160x128xi32, #tpu.memory_space<vmem>> -> memref<1x128xi32, #tpu.memory_space<vmem>>
        %dma_wait3A_272 = tpu.memref_squeeze %dma_wait3A_271 : memref<1x128xi32, #tpu.memory_space<vmem>> -> memref<128xi32, #tpu.memory_space<vmem>>
        %dma_wait3A_273 = arith.constant 0 : i32
        %dma_wait3A_274 = arith.constant 0 : i32
        %dma_wait3A_275 = tpu.memref_slice %arg16[%dma_wait3A_273, %dma_wait3A_274] : memref<10240x16xf32, #tpu.memory_space<vmem_shared>> -> memref<10240x16xf32, #tpu.memory_space<vmem_shared>>
        tpu.wait_indirect_dma semaphore(%arg23 : memref<!tpu.dma_semaphore, #tpu.memory_space<semaphore_mem>>) src(%arg14 : memref<128x16xf32, #tpu.memory_space<vmem>>) dst(%dma_wait3A_275 : memref<10240x16xf32, #tpu.memory_space<vmem_shared>>)
      } else {
      }
      %add3A_250 = arith.constant 3 : i32
      %add3A_251 = arith.addi %mul3A_119, %add3A_250 : i32
      %dma_wait3A_252 = arith.constant 0 : i32
      %dma_wait3A_253 = tpu.memref_slice %arg8[%add3A_251, %dma_wait3A_252] : memref<160x128xi32, #tpu.memory_space<vmem>> -> memref<1x128xi32, #tpu.memory_space<vmem>>
      %dma_wait3A_254 = tpu.memref_squeeze %dma_wait3A_253 : memref<1x128xi32, #tpu.memory_space<vmem>> -> memref<128xi32, #tpu.memory_space<vmem>>
      %dma_wait3A_255 = arith.constant 0 : i32
      %dma_wait3A_256 = arith.constant 0 : i32
      %dma_wait3A_257 = tpu.memref_slice %arg15[%dma_wait3A_255, %dma_wait3A_256] : memref<10240x64xf32, #tpu.memory_space<vmem_shared>> -> memref<10240x64xf32, #tpu.memory_space<vmem_shared>>
      tpu.wait_indirect_dma semaphore(%arg24 : memref<!tpu.dma_semaphore, #tpu.memory_space<semaphore_mem>>) src(%arg13 : memref<128x64xf32, #tpu.memory_space<vmem>>) dst(%dma_wait3A_257 : memref<10240x64xf32, #tpu.memory_space<vmem_shared>>)
      %lt3A_258 = arith.constant 39 : i32
      %lt3A_259 = arith.cmpi slt, %add3A_117, %lt3A_258 : i32
      %convert_element_type3A_260 = arith.extui %lt3A_259 : i1 to i32
      %cond3A_261 = arith.constant 0 : i32
      %cond3A_262 = arith.cmpi ne, %convert_element_type3A_260, %cond3A_261 : i32
      scf.if %cond3A_262 {
        %add3A_268 = arith.constant 4 : i32
        %add3A_269 = arith.addi %mul3A_119, %add3A_268 : i32
        %add3A_270 = arith.constant 3 : i32
        %add3A_271 = arith.addi %add3A_269, %add3A_270 : i32
        %scan3A_272 = arith.constant 0 : i32
        %scan3A_273 = arith.constant 8 : i32
        %scan3A_274 = arith.addi %scan3A_272, %scan3A_273 : i32
        %scan3A_275 = arith.constant 1 : i32
        scf.for %scan3A_284 = %scan3A_272 to %scan3A_274 step %scan3A_275  : i32 {
          %mul3A_285 = arith.constant 1 : i32
          %mul3A_286 = arith.muli %scan3A_284, %mul3A_285 : i32
          %add3A_287 = arith.constant 0 : i32
          %add3A_288 = arith.addi %add3A_287, %mul3A_286 : i32
          %mul3A_289 = arith.constant 16 : i32
          %mul3A_290 = arith.muli %add3A_288, %mul3A_289 : i32
          %get3A = arith.index_cast %add3A_271 : i32 to index
          %get3A_291 = arith.index_cast %mul3A_290 : i32 to index
          %get3A_292 = tpu.vector_load %arg7[%get3A, %get3A_291] {strides = array<i32>} : memref<160x128xi32, #tpu.memory_space<vmem>>, vector<1x16xi32>,
          %get3A_293 = vector.shape_cast %get3A_292 : vector<1x16xi32> to vector<16xi32>
          %mul3A_294 = arith.constant 2 : i32
          %mul3A_295 = vector.broadcast %mul3A_294 : i32 to vector<16xi32>
          %mul3A_296 = arith.muli %get3A_293, %mul3A_295 : vector<16xi32>
          %add3A_297 = vector.broadcast %arg0 : i32 to vector<16xi32>
          %add3A_298 = arith.addi %mul3A_296, %add3A_297 : vector<16xi32>
          %mul3A_299 = arith.constant 16 : i32
          %mul3A_300 = arith.muli %add3A_288, %mul3A_299 : i32
          %swap3A = arith.constant 3 : i32
          %swap3A_301 = arith.index_cast %swap3A : i32 to index
          %swap3A_302 = arith.index_cast %mul3A_300 : i32 to index
          %swap3A_303 = tpu.vector_load %arg9[%swap3A_301, %swap3A_302] {strides = array<i32>} : memref<4x128xi32, #tpu.memory_space<vmem>>, vector<1x16xi32>,
          %swap3A_304 = vector.shape_cast %swap3A_303 : vector<1x16xi32> to vector<16xi32>
          %swap3A_305 = vector.shape_cast %add3A_298 : vector<16xi32> to vector<1x16xi32>
          tpu.vector_store %arg9[%swap3A_301, %swap3A_302], %swap3A_305 {strides = array<i32>} : memref<4x128xi32, #tpu.memory_space<vmem>>, vector<1x16xi32>,
        }
        %scan3A_276 = arith.constant 8 : i32
        %dma_start3A_277 = arith.constant 3 : i32
        %dma_start3A_278 = arith.constant 0 : i32
        %dma_start3A_279 = tpu.memref_slice %arg9[%dma_start3A_277, %dma_start3A_278] : memref<4x128xi32, #tpu.memory_space<vmem>> -> memref<1x128xi32, #tpu.memory_space<vmem>>
        %dma_start3A_280 = tpu.memref_squeeze %dma_start3A_279 : memref<1x128xi32, #tpu.memory_space<vmem>> -> memref<128xi32, #tpu.memory_space<vmem>>
        %dma_start3A_281 = arith.constant 0 : i32
        %dma_start3A_282 = arith.constant 0 : i32
        %dma_start3A_283 = tpu.memref_slice %arg2[%dma_start3A_281, %dma_start3A_282] : memref<20000x64xf32, #tpu.memory_space<hbm>> -> memref<20000x64xf32, #tpu.memory_space<hbm>>
        tpu.enqueue_indirect_dma source(%dma_start3A_283 : memref<20000x64xf32, #tpu.memory_space<hbm>>) target(%arg13 : memref<128x64xf32, #tpu.memory_space<vmem>>) offsets(%dma_start3A_280 : memref<128xi32, #tpu.memory_space<vmem>>) semaphore(%arg20 : memref<!tpu.dma_semaphore, #tpu.memory_space<semaphore_mem>>)
      } else {
      }
      %eq3A_263 = arith.constant 1 : i32
      %eq3A_264 = arith.cmpi eq, %arg0, %eq3A_263 : i32
      %convert_element_type3A_265 = arith.extui %eq3A_264 : i1 to i32
      %cond3A_266 = arith.constant 0 : i32
      %cond3A_267 = arith.cmpi ne, %convert_element_type3A_265, %cond3A_266 : i32
      scf.if %cond3A_267 {
        %add3A_268 = arith.constant 3 : i32
        %add3A_269 = arith.addi %mul3A_119, %add3A_268 : i32
        %dma_wait3A_270 = arith.constant 0 : i32
        %dma_wait3A_271 = tpu.memref_slice %arg8[%add3A_269, %dma_wait3A_270] : memref<160x128xi32, #tpu.memory_space<vmem>> -> memref<1x128xi32, #tpu.memory_space<vmem>>
        %dma_wait3A_272 = tpu.memref_squeeze %dma_wait3A_271 : memref<1x128xi32, #tpu.memory_space<vmem>> -> memref<128xi32, #tpu.memory_space<vmem>>
        %dma_wait3A_273 = arith.constant 0 : i32
        %dma_wait3A_274 = arith.constant 0 : i32
        %dma_wait3A_275 = tpu.memref_slice %arg16[%dma_wait3A_273, %dma_wait3A_274] : memref<10240x16xf32, #tpu.memory_space<vmem_shared>> -> memref<10240x16xf32, #tpu.memory_space<vmem_shared>>
        tpu.wait_indirect_dma semaphore(%arg24 : memref<!tpu.dma_semaphore, #tpu.memory_space<semaphore_mem>>) src(%arg14 : memref<128x16xf32, #tpu.memory_space<vmem>>) dst(%dma_wait3A_275 : memref<10240x16xf32, #tpu.memory_space<vmem_shared>>)
      } else {
      }
    }
    %scan3A_111 = arith.constant 40 : i32
    %barrier3A_112 = arith.constant 0 : index
    tpu.barrier barrier_id(%barrier3A_112)
    "tpu.region"() ({
      %run_scoped3A = tpu.sem_alloc : memref<!tpu.dma_semaphore, #tpu.memory_space<semaphore_mem>>
      %dma_start3A_113 = arith.constant 0 : i32
      %dma_start3A_114 = tpu.memref_slice %arg5[%arg0, %mul3A_19, %dma_start3A_113] : memref<2x10240x64xf32, #tpu.memory_space<hbm>> -> memref<1x640x64xf32, #tpu.memory_space<hbm>>
      %dma_start3A_115 = tpu.memref_squeeze %dma_start3A_114 : memref<1x640x64xf32, #tpu.memory_space<hbm>> -> memref<640x64xf32, #tpu.memory_space<hbm>>
      %dma_start3A_116 = arith.constant 0 : i32
      %dma_start3A_117 = tpu.memref_slice %arg15[%mul3A_19, %dma_start3A_116] : memref<10240x64xf32, #tpu.memory_space<vmem_shared>> -> memref<640x64xf32, #tpu.memory_space<vmem_shared>>
      tpu.enqueue_dma source(%dma_start3A_117 : memref<640x64xf32, #tpu.memory_space<vmem_shared>>) target(%dma_start3A_115 : memref<640x64xf32, #tpu.memory_space<hbm>>) target_semaphore(%run_scoped3A : memref<!tpu.dma_semaphore, #tpu.memory_space<semaphore_mem>>)
      %dma_wait3A_118 = arith.constant 0 : i32
      %dma_wait3A_119 = tpu.memref_slice %arg5[%arg0, %mul3A_19, %dma_wait3A_118] : memref<2x10240x64xf32, #tpu.memory_space<hbm>> -> memref<1x640x64xf32, #tpu.memory_space<hbm>>
      %dma_wait3A_120 = tpu.memref_squeeze %dma_wait3A_119 : memref<1x640x64xf32, #tpu.memory_space<hbm>> -> memref<640x64xf32, #tpu.memory_space<hbm>>
      %dma_wait3A_121 = arith.constant 0 : i32
      %dma_wait3A_122 = tpu.memref_slice %arg15[%mul3A_19, %dma_wait3A_121] : memref<10240x64xf32, #tpu.memory_space<vmem_shared>> -> memref<640x64xf32, #tpu.memory_space<vmem_shared>>
      tpu.wait_dma2 semaphore(%run_scoped3A : memref<!tpu.dma_semaphore, #tpu.memory_space<semaphore_mem>>) src(%dma_wait3A_122 : memref<640x64xf32, #tpu.memory_space<vmem_shared>>) dst(%dma_wait3A_120 : memref<640x64xf32, #tpu.memory_space<hbm>>)
      tpu.yield
    }) : () -> ()
    "tpu.region"() ({
      %run_scoped3A = tpu.sem_alloc : memref<!tpu.dma_semaphore, #tpu.memory_space<semaphore_mem>>
      %dma_start3A_113 = arith.constant 0 : i32
      %dma_start3A_114 = tpu.memref_slice %arg6[%arg0, %mul3A_19, %dma_start3A_113] : memref<2x10240x16xf32, #tpu.memory_space<hbm>> -> memref<1x640x16xf32, #tpu.memory_space<hbm>>
      %dma_start3A_115 = tpu.memref_squeeze %dma_start3A_114 : memref<1x640x16xf32, #tpu.memory_space<hbm>> -> memref<640x16xf32, #tpu.memory_space<hbm>>
      %dma_start3A_116 = arith.constant 0 : i32
      %dma_start3A_117 = tpu.memref_slice %arg16[%mul3A_19, %dma_start3A_116] : memref<10240x16xf32, #tpu.memory_space<vmem_shared>> -> memref<640x16xf32, #tpu.memory_space<vmem_shared>>
      tpu.enqueue_dma source(%dma_start3A_117 : memref<640x16xf32, #tpu.memory_space<vmem_shared>>) target(%dma_start3A_115 : memref<640x16xf32, #tpu.memory_space<hbm>>) target_semaphore(%run_scoped3A : memref<!tpu.dma_semaphore, #tpu.memory_space<semaphore_mem>>)
      %dma_wait3A_118 = arith.constant 0 : i32
      %dma_wait3A_119 = tpu.memref_slice %arg6[%arg0, %mul3A_19, %dma_wait3A_118] : memref<2x10240x16xf32, #tpu.memory_space<hbm>> -> memref<1x640x16xf32, #tpu.memory_space<hbm>>
      %dma_wait3A_120 = tpu.memref_squeeze %dma_wait3A_119 : memref<1x640x16xf32, #tpu.memory_space<hbm>> -> memref<640x16xf32, #tpu.memory_space<hbm>>
      %dma_wait3A_121 = arith.constant 0 : i32
      %dma_wait3A_122 = tpu.memref_slice %arg16[%mul3A_19, %dma_wait3A_121] : memref<10240x16xf32, #tpu.memory_space<vmem_shared>> -> memref<640x16xf32, #tpu.memory_space<vmem_shared>>
      tpu.wait_dma2 semaphore(%run_scoped3A : memref<!tpu.dma_semaphore, #tpu.memory_space<semaphore_mem>>) src(%dma_wait3A_122 : memref<640x16xf32, #tpu.memory_space<vmem_shared>>) dst(%dma_wait3A_120 : memref<640x16xf32, #tpu.memory_space<hbm>>)
      tpu.yield
    }) : () -> ()
    return
  }
}

#map = affine_map<(d0, d1) -> (0, 0)>
#map1 = affine_map<(d0, d1) -> (0, 0, 0)>
module attributes {stable_mosaic.version = 14 : i64} {
  func.func @body(%arg0: i32, %arg1: i32, %arg2: memref<20480x64xf32, #tpu.memory_space<hbm>>, %arg3: memref<16x160x128xi32, #tpu.memory_space<hbm>>, %arg4: memref<16x160x128xi32, #tpu.memory_space<hbm>>, %arg5: memref<2x10240x64xf32, #tpu.memory_space<hbm>>, %arg6: memref<160x128xi32, #tpu.memory_space<vmem>>, %arg7: memref<160x128xi32, #tpu.memory_space<vmem>>, %arg8: memref<4x128xi32, #tpu.memory_space<vmem>>, %arg9: memref<128x64xf32, #tpu.memory_space<vmem>>, %arg10: memref<128x64xf32, #tpu.memory_space<vmem>>, %arg11: memref<128x64xf32, #tpu.memory_space<vmem>>, %arg12: memref<128x64xf32, #tpu.memory_space<vmem>>, %arg13: memref<128x16xf32, #tpu.memory_space<vmem>>, %arg14: memref<10240x64xf32, #tpu.memory_space<vmem_shared>>, %arg15: memref<!tpu.dma_semaphore, #tpu.memory_space<semaphore_mem>>, %arg16: memref<!tpu.dma_semaphore, #tpu.memory_space<semaphore_mem>>, %arg17: memref<!tpu.dma_semaphore, #tpu.memory_space<semaphore_mem>>, %arg18: memref<!tpu.dma_semaphore, #tpu.memory_space<semaphore_mem>>, %arg19: memref<!tpu.dma_semaphore, #tpu.memory_space<semaphore_mem>>, %arg20: memref<!tpu.dma_semaphore, #tpu.memory_space<semaphore_mem>>, %arg21: memref<!tpu.dma_semaphore, #tpu.memory_space<semaphore_mem>>, %arg22: memref<!tpu.dma_semaphore, #tpu.memory_space<semaphore_mem>>) attributes {dimension_semantics = [#tpu.dimension_semantics<core_parallel>, #tpu.dimension_semantics<subcore_parallel>], iteration_bounds = array<i64: 2, 16>, scalar_prefetch = 0 : i64, scratch_operands = 17 : i64, tpu.core_type = #tpu.core_type<sc_vector_subcore>, window_params = [{transform_indices = #map}, {transform_indices = #map1}, {transform_indices = #map1}, {transform_indices = #map1}]} {
    %dma_start3A = arith.constant 0 : i32
    %dma_start3A_0 = arith.constant 0 : i32
    %dma_start3A_1 = tpu.memref_slice %arg3[%arg1, %dma_start3A, %dma_start3A_0] : memref<16x160x128xi32, #tpu.memory_space<hbm>> -> memref<1x160x128xi32, #tpu.memory_space<hbm>>
    %dma_start3A_2 = tpu.memref_squeeze %dma_start3A_1 : memref<1x160x128xi32, #tpu.memory_space<hbm>> -> memref<160x128xi32, #tpu.memory_space<hbm>>
    %dma_start3A_3 = arith.constant 0 : i32
    %dma_start3A_4 = arith.constant 0 : i32
    %dma_start3A_5 = tpu.memref_slice %arg3[%arg1, %dma_start3A_3, %dma_start3A_4] : memref<16x160x128xi32, #tpu.memory_space<hbm>> -> memref<1x160x128xi32, #tpu.memory_space<hbm>>
    %dma_start3A_6 = tpu.memref_squeeze %dma_start3A_5 : memref<1x160x128xi32, #tpu.memory_space<hbm>> -> memref<160x128xi32, #tpu.memory_space<hbm>>
    tpu.enqueue_dma source(%dma_start3A_6 : memref<160x128xi32, #tpu.memory_space<hbm>>) target(%arg6 : memref<160x128xi32, #tpu.memory_space<vmem>>) target_semaphore(%arg19 : memref<!tpu.dma_semaphore, #tpu.memory_space<semaphore_mem>>)
    %dma_start3A_7 = arith.constant 0 : i32
    %dma_start3A_8 = arith.constant 0 : i32
    %dma_start3A_9 = tpu.memref_slice %arg4[%arg1, %dma_start3A_7, %dma_start3A_8] : memref<16x160x128xi32, #tpu.memory_space<hbm>> -> memref<1x160x128xi32, #tpu.memory_space<hbm>>
    %dma_start3A_10 = tpu.memref_squeeze %dma_start3A_9 : memref<1x160x128xi32, #tpu.memory_space<hbm>> -> memref<160x128xi32, #tpu.memory_space<hbm>>
    %dma_start3A_11 = arith.constant 0 : i32
    %dma_start3A_12 = arith.constant 0 : i32
    %dma_start3A_13 = tpu.memref_slice %arg4[%arg1, %dma_start3A_11, %dma_start3A_12] : memref<16x160x128xi32, #tpu.memory_space<hbm>> -> memref<1x160x128xi32, #tpu.memory_space<hbm>>
    %dma_start3A_14 = tpu.memref_squeeze %dma_start3A_13 : memref<1x160x128xi32, #tpu.memory_space<hbm>> -> memref<160x128xi32, #tpu.memory_space<hbm>>
    tpu.enqueue_dma source(%dma_start3A_14 : memref<160x128xi32, #tpu.memory_space<hbm>>) target(%arg7 : memref<160x128xi32, #tpu.memory_space<vmem>>) target_semaphore(%arg20 : memref<!tpu.dma_semaphore, #tpu.memory_space<semaphore_mem>>)
    %scan3A = arith.constant 0 : i32
    %scan3A_15 = arith.constant 128 : i32
    %scan3A_16 = arith.addi %scan3A, %scan3A_15 : i32
    %scan3A_17 = arith.constant 1 : i32
    scf.for %scan3A_103 = %scan3A to %scan3A_16 step %scan3A_17  : i32 {
      %mul3A_104 = arith.constant 1 : i32
      %mul3A_105 = arith.muli %scan3A_103, %mul3A_104 : i32
      %add3A_106 = arith.constant 0 : i32
      %add3A_107 = arith.addi %add3A_106, %mul3A_105 : i32
      %broadcast_in_dim3A = arith.constant 0.000000e+00 : f32
      %broadcast_in_dim3A_108 = vector.broadcast %broadcast_in_dim3A : f32 to vector<16xf32>
      %swap3A = arith.index_cast %add3A_107 : i32 to index
      %swap3A_109 = arith.constant 0 : index
      %swap3A_110 = tpu.vector_load %arg9[%swap3A, %swap3A_109] {strides = array<i32>} : memref<128x64xf32, #tpu.memory_space<vmem>>, vector<1x16xf32>,
      %swap3A_111 = vector.shape_cast %swap3A_110 : vector<1x16xf32> to vector<16xf32>
      %swap3A_112 = vector.shape_cast %broadcast_in_dim3A_108 : vector<16xf32> to vector<1x16xf32>
      tpu.vector_store %arg9[%swap3A, %swap3A_109], %swap3A_112 {strides = array<i32>} : memref<128x64xf32, #tpu.memory_space<vmem>>, vector<1x16xf32>,
      %broadcast_in_dim3A_113 = arith.constant 0.000000e+00 : f32
      %broadcast_in_dim3A_114 = vector.broadcast %broadcast_in_dim3A_113 : f32 to vector<16xf32>
      %swap3A_115 = arith.index_cast %add3A_107 : i32 to index
      %swap3A_116 = arith.constant 16 : index
      %swap3A_117 = tpu.vector_load %arg9[%swap3A_115, %swap3A_116] {strides = array<i32>} : memref<128x64xf32, #tpu.memory_space<vmem>>, vector<1x16xf32>,
      %swap3A_118 = vector.shape_cast %swap3A_117 : vector<1x16xf32> to vector<16xf32>
      %swap3A_119 = vector.shape_cast %broadcast_in_dim3A_114 : vector<16xf32> to vector<1x16xf32>
      tpu.vector_store %arg9[%swap3A_115, %swap3A_116], %swap3A_119 {strides = array<i32>} : memref<128x64xf32, #tpu.memory_space<vmem>>, vector<1x16xf32>,
      %broadcast_in_dim3A_120 = arith.constant 0.000000e+00 : f32
      %broadcast_in_dim3A_121 = vector.broadcast %broadcast_in_dim3A_120 : f32 to vector<16xf32>
      %swap3A_122 = arith.index_cast %add3A_107 : i32 to index
      %swap3A_123 = arith.constant 32 : index
      %swap3A_124 = tpu.vector_load %arg9[%swap3A_122, %swap3A_123] {strides = array<i32>} : memref<128x64xf32, #tpu.memory_space<vmem>>, vector<1x16xf32>,
      %swap3A_125 = vector.shape_cast %swap3A_124 : vector<1x16xf32> to vector<16xf32>
      %swap3A_126 = vector.shape_cast %broadcast_in_dim3A_121 : vector<16xf32> to vector<1x16xf32>
      tpu.vector_store %arg9[%swap3A_122, %swap3A_123], %swap3A_126 {strides = array<i32>} : memref<128x64xf32, #tpu.memory_space<vmem>>, vector<1x16xf32>,
      %broadcast_in_dim3A_127 = arith.constant 0.000000e+00 : f32
      %broadcast_in_dim3A_128 = vector.broadcast %broadcast_in_dim3A_127 : f32 to vector<16xf32>
      %swap3A_129 = arith.index_cast %add3A_107 : i32 to index
      %swap3A_130 = arith.constant 48 : index
      %swap3A_131 = tpu.vector_load %arg9[%swap3A_129, %swap3A_130] {strides = array<i32>} : memref<128x64xf32, #tpu.memory_space<vmem>>, vector<1x16xf32>,
      %swap3A_132 = vector.shape_cast %swap3A_131 : vector<1x16xf32> to vector<16xf32>
      %swap3A_133 = vector.shape_cast %broadcast_in_dim3A_128 : vector<16xf32> to vector<1x16xf32>
      tpu.vector_store %arg9[%swap3A_129, %swap3A_130], %swap3A_133 {strides = array<i32>} : memref<128x64xf32, #tpu.memory_space<vmem>>, vector<1x16xf32>,
      %broadcast_in_dim3A_134 = arith.constant 0.000000e+00 : f32
      %broadcast_in_dim3A_135 = vector.broadcast %broadcast_in_dim3A_134 : f32 to vector<16xf32>
      %swap3A_136 = arith.index_cast %add3A_107 : i32 to index
      %swap3A_137 = arith.constant 0 : index
      %swap3A_138 = tpu.vector_load %arg13[%swap3A_136, %swap3A_137] {strides = array<i32>} : memref<128x16xf32, #tpu.memory_space<vmem>>, vector<1x16xf32>,
      %swap3A_139 = vector.shape_cast %swap3A_138 : vector<1x16xf32> to vector<16xf32>
      %swap3A_140 = vector.shape_cast %broadcast_in_dim3A_135 : vector<16xf32> to vector<1x16xf32>
      tpu.vector_store %arg13[%swap3A_136, %swap3A_137], %swap3A_140 {strides = array<i32>} : memref<128x16xf32, #tpu.memory_space<vmem>>, vector<1x16xf32>,
    }
    %scan3A_18 = arith.constant 128 : i32
    %mul3A = arith.constant 640 : i32
    %mul3A_19 = arith.muli %arg1, %mul3A : i32
    %add3A = arith.constant 0 : i32
    %add3A_20 = arith.addi %mul3A_19, %add3A : i32
    "tpu.region"() ({
      %run_scoped3A = tpu.sem_alloc : memref<!tpu.dma_semaphore, #tpu.memory_space<semaphore_mem>>
      %dma_start3A_103 = arith.constant 0 : i32
      %dma_start3A_104 = tpu.memref_slice %arg14[%add3A_20, %dma_start3A_103] : memref<10240x64xf32, #tpu.memory_space<vmem_shared>> -> memref<128x64xf32, #tpu.memory_space<vmem_shared>>
      %dma_start3A_105 = arith.constant 0 : i32
      %dma_start3A_106 = tpu.memref_slice %arg14[%add3A_20, %dma_start3A_105] : memref<10240x64xf32, #tpu.memory_space<vmem_shared>> -> memref<128x64xf32, #tpu.memory_space<vmem_shared>>
      tpu.enqueue_dma source(%arg9 : memref<128x64xf32, #tpu.memory_space<vmem>>) target(%dma_start3A_106 : memref<128x64xf32, #tpu.memory_space<vmem_shared>>) target_semaphore(%run_scoped3A : memref<!tpu.dma_semaphore, #tpu.memory_space<semaphore_mem>>)
      %dma_wait3A_107 = arith.constant 0 : i32
      %dma_wait3A_108 = tpu.memref_slice %arg14[%add3A_20, %dma_wait3A_107] : memref<10240x64xf32, #tpu.memory_space<vmem_shared>> -> memref<128x64xf32, #tpu.memory_space<vmem_shared>>
      %dma_wait3A_109 = arith.constant 0 : i32
      %dma_wait3A_110 = tpu.memref_slice %arg14[%add3A_20, %dma_wait3A_109] : memref<10240x64xf32, #tpu.memory_space<vmem_shared>> -> memref<128x64xf32, #tpu.memory_space<vmem_shared>>
      tpu.wait_dma2 semaphore(%run_scoped3A : memref<!tpu.dma_semaphore, #tpu.memory_space<semaphore_mem>>) src(%arg9 : memref<128x64xf32, #tpu.memory_space<vmem>>) dst(%dma_wait3A_110 : memref<128x64xf32, #tpu.memory_space<vmem_shared>>)
      tpu.yield
    }) : () -> ()
    %add3A_21 = arith.constant 128 : i32
    %add3A_22 = arith.addi %mul3A_19, %add3A_21 : i32
    "tpu.region"() ({
      %run_scoped3A = tpu.sem_alloc : memref<!tpu.dma_semaphore, #tpu.memory_space<semaphore_mem>>
      %dma_start3A_103 = arith.constant 0 : i32
      %dma_start3A_104 = tpu.memref_slice %arg14[%add3A_22, %dma_start3A_103] : memref<10240x64xf32, #tpu.memory_space<vmem_shared>> -> memref<128x64xf32, #tpu.memory_space<vmem_shared>>
      %dma_start3A_105 = arith.constant 0 : i32
      %dma_start3A_106 = tpu.memref_slice %arg14[%add3A_22, %dma_start3A_105] : memref<10240x64xf32, #tpu.memory_space<vmem_shared>> -> memref<128x64xf32, #tpu.memory_space<vmem_shared>>
      tpu.enqueue_dma source(%arg9 : memref<128x64xf32, #tpu.memory_space<vmem>>) target(%dma_start3A_106 : memref<128x64xf32, #tpu.memory_space<vmem_shared>>) target_semaphore(%run_scoped3A : memref<!tpu.dma_semaphore, #tpu.memory_space<semaphore_mem>>)
      %dma_wait3A_107 = arith.constant 0 : i32
      %dma_wait3A_108 = tpu.memref_slice %arg14[%add3A_22, %dma_wait3A_107] : memref<10240x64xf32, #tpu.memory_space<vmem_shared>> -> memref<128x64xf32, #tpu.memory_space<vmem_shared>>
      %dma_wait3A_109 = arith.constant 0 : i32
      %dma_wait3A_110 = tpu.memref_slice %arg14[%add3A_22, %dma_wait3A_109] : memref<10240x64xf32, #tpu.memory_space<vmem_shared>> -> memref<128x64xf32, #tpu.memory_space<vmem_shared>>
      tpu.wait_dma2 semaphore(%run_scoped3A : memref<!tpu.dma_semaphore, #tpu.memory_space<semaphore_mem>>) src(%arg9 : memref<128x64xf32, #tpu.memory_space<vmem>>) dst(%dma_wait3A_110 : memref<128x64xf32, #tpu.memory_space<vmem_shared>>)
      tpu.yield
    }) : () -> ()
    %add3A_23 = arith.constant 256 : i32
    %add3A_24 = arith.addi %mul3A_19, %add3A_23 : i32
    "tpu.region"() ({
      %run_scoped3A = tpu.sem_alloc : memref<!tpu.dma_semaphore, #tpu.memory_space<semaphore_mem>>
      %dma_start3A_103 = arith.constant 0 : i32
      %dma_start3A_104 = tpu.memref_slice %arg14[%add3A_24, %dma_start3A_103] : memref<10240x64xf32, #tpu.memory_space<vmem_shared>> -> memref<128x64xf32, #tpu.memory_space<vmem_shared>>
      %dma_start3A_105 = arith.constant 0 : i32
      %dma_start3A_106 = tpu.memref_slice %arg14[%add3A_24, %dma_start3A_105] : memref<10240x64xf32, #tpu.memory_space<vmem_shared>> -> memref<128x64xf32, #tpu.memory_space<vmem_shared>>
      tpu.enqueue_dma source(%arg9 : memref<128x64xf32, #tpu.memory_space<vmem>>) target(%dma_start3A_106 : memref<128x64xf32, #tpu.memory_space<vmem_shared>>) target_semaphore(%run_scoped3A : memref<!tpu.dma_semaphore, #tpu.memory_space<semaphore_mem>>)
      %dma_wait3A_107 = arith.constant 0 : i32
      %dma_wait3A_108 = tpu.memref_slice %arg14[%add3A_24, %dma_wait3A_107] : memref<10240x64xf32, #tpu.memory_space<vmem_shared>> -> memref<128x64xf32, #tpu.memory_space<vmem_shared>>
      %dma_wait3A_109 = arith.constant 0 : i32
      %dma_wait3A_110 = tpu.memref_slice %arg14[%add3A_24, %dma_wait3A_109] : memref<10240x64xf32, #tpu.memory_space<vmem_shared>> -> memref<128x64xf32, #tpu.memory_space<vmem_shared>>
      tpu.wait_dma2 semaphore(%run_scoped3A : memref<!tpu.dma_semaphore, #tpu.memory_space<semaphore_mem>>) src(%arg9 : memref<128x64xf32, #tpu.memory_space<vmem>>) dst(%dma_wait3A_110 : memref<128x64xf32, #tpu.memory_space<vmem_shared>>)
      tpu.yield
    }) : () -> ()
    %add3A_25 = arith.constant 384 : i32
    %add3A_26 = arith.addi %mul3A_19, %add3A_25 : i32
    "tpu.region"() ({
      %run_scoped3A = tpu.sem_alloc : memref<!tpu.dma_semaphore, #tpu.memory_space<semaphore_mem>>
      %dma_start3A_103 = arith.constant 0 : i32
      %dma_start3A_104 = tpu.memref_slice %arg14[%add3A_26, %dma_start3A_103] : memref<10240x64xf32, #tpu.memory_space<vmem_shared>> -> memref<128x64xf32, #tpu.memory_space<vmem_shared>>
      %dma_start3A_105 = arith.constant 0 : i32
      %dma_start3A_106 = tpu.memref_slice %arg14[%add3A_26, %dma_start3A_105] : memref<10240x64xf32, #tpu.memory_space<vmem_shared>> -> memref<128x64xf32, #tpu.memory_space<vmem_shared>>
      tpu.enqueue_dma source(%arg9 : memref<128x64xf32, #tpu.memory_space<vmem>>) target(%dma_start3A_106 : memref<128x64xf32, #tpu.memory_space<vmem_shared>>) target_semaphore(%run_scoped3A : memref<!tpu.dma_semaphore, #tpu.memory_space<semaphore_mem>>)
      %dma_wait3A_107 = arith.constant 0 : i32
      %dma_wait3A_108 = tpu.memref_slice %arg14[%add3A_26, %dma_wait3A_107] : memref<10240x64xf32, #tpu.memory_space<vmem_shared>> -> memref<128x64xf32, #tpu.memory_space<vmem_shared>>
      %dma_wait3A_109 = arith.constant 0 : i32
      %dma_wait3A_110 = tpu.memref_slice %arg14[%add3A_26, %dma_wait3A_109] : memref<10240x64xf32, #tpu.memory_space<vmem_shared>> -> memref<128x64xf32, #tpu.memory_space<vmem_shared>>
      tpu.wait_dma2 semaphore(%run_scoped3A : memref<!tpu.dma_semaphore, #tpu.memory_space<semaphore_mem>>) src(%arg9 : memref<128x64xf32, #tpu.memory_space<vmem>>) dst(%dma_wait3A_110 : memref<128x64xf32, #tpu.memory_space<vmem_shared>>)
      tpu.yield
    }) : () -> ()
    %add3A_27 = arith.constant 512 : i32
    %add3A_28 = arith.addi %mul3A_19, %add3A_27 : i32
    "tpu.region"() ({
      %run_scoped3A = tpu.sem_alloc : memref<!tpu.dma_semaphore, #tpu.memory_space<semaphore_mem>>
      %dma_start3A_103 = arith.constant 0 : i32
      %dma_start3A_104 = tpu.memref_slice %arg14[%add3A_28, %dma_start3A_103] : memref<10240x64xf32, #tpu.memory_space<vmem_shared>> -> memref<128x64xf32, #tpu.memory_space<vmem_shared>>
      %dma_start3A_105 = arith.constant 0 : i32
      %dma_start3A_106 = tpu.memref_slice %arg14[%add3A_28, %dma_start3A_105] : memref<10240x64xf32, #tpu.memory_space<vmem_shared>> -> memref<128x64xf32, #tpu.memory_space<vmem_shared>>
      tpu.enqueue_dma source(%arg9 : memref<128x64xf32, #tpu.memory_space<vmem>>) target(%dma_start3A_106 : memref<128x64xf32, #tpu.memory_space<vmem_shared>>) target_semaphore(%run_scoped3A : memref<!tpu.dma_semaphore, #tpu.memory_space<semaphore_mem>>)
      %dma_wait3A_107 = arith.constant 0 : i32
      %dma_wait3A_108 = tpu.memref_slice %arg14[%add3A_28, %dma_wait3A_107] : memref<10240x64xf32, #tpu.memory_space<vmem_shared>> -> memref<128x64xf32, #tpu.memory_space<vmem_shared>>
      %dma_wait3A_109 = arith.constant 0 : i32
      %dma_wait3A_110 = tpu.memref_slice %arg14[%add3A_28, %dma_wait3A_109] : memref<10240x64xf32, #tpu.memory_space<vmem_shared>> -> memref<128x64xf32, #tpu.memory_space<vmem_shared>>
      tpu.wait_dma2 semaphore(%run_scoped3A : memref<!tpu.dma_semaphore, #tpu.memory_space<semaphore_mem>>) src(%arg9 : memref<128x64xf32, #tpu.memory_space<vmem>>) dst(%dma_wait3A_110 : memref<128x64xf32, #tpu.memory_space<vmem_shared>>)
      tpu.yield
    }) : () -> ()
    %scan3A_29 = arith.constant 0 : i32
    %scan3A_30 = arith.constant 128 : i32
    %scan3A_31 = arith.addi %scan3A_29, %scan3A_30 : i32
    %scan3A_32 = arith.constant 1 : i32
    scf.for %scan3A_103 = %scan3A_29 to %scan3A_31 step %scan3A_32  : i32 {
      %mul3A_104 = arith.constant 1 : i32
      %mul3A_105 = arith.muli %scan3A_103, %mul3A_104 : i32
      %add3A_106 = arith.constant 0 : i32
      %add3A_107 = arith.addi %add3A_106, %mul3A_105 : i32
      %broadcast_in_dim3A = arith.constant 1.000000e+00 : f32
      %broadcast_in_dim3A_108 = vector.broadcast %broadcast_in_dim3A : f32 to vector<16xf32>
      %swap3A = arith.index_cast %add3A_107 : i32 to index
      %swap3A_109 = arith.constant 0 : index
      %swap3A_110 = tpu.vector_load %arg13[%swap3A, %swap3A_109] {strides = array<i32>} : memref<128x16xf32, #tpu.memory_space<vmem>>, vector<1x16xf32>,
      %swap3A_111 = vector.shape_cast %swap3A_110 : vector<1x16xf32> to vector<16xf32>
      %swap3A_112 = vector.shape_cast %broadcast_in_dim3A_108 : vector<16xf32> to vector<1x16xf32>
      tpu.vector_store %arg13[%swap3A, %swap3A_109], %swap3A_112 {strides = array<i32>} : memref<128x16xf32, #tpu.memory_space<vmem>>, vector<1x16xf32>,
    }
    %scan3A_33 = arith.constant 128 : i32
    %dma_wait3A = arith.constant 0 : i32
    %dma_wait3A_34 = arith.constant 0 : i32
    %dma_wait3A_35 = tpu.memref_slice %arg3[%arg1, %dma_wait3A, %dma_wait3A_34] : memref<16x160x128xi32, #tpu.memory_space<hbm>> -> memref<1x160x128xi32, #tpu.memory_space<hbm>>
    %dma_wait3A_36 = tpu.memref_squeeze %dma_wait3A_35 : memref<1x160x128xi32, #tpu.memory_space<hbm>> -> memref<160x128xi32, #tpu.memory_space<hbm>>
    %dma_wait3A_37 = arith.constant 0 : i32
    %dma_wait3A_38 = arith.constant 0 : i32
    %dma_wait3A_39 = tpu.memref_slice %arg3[%arg1, %dma_wait3A_37, %dma_wait3A_38] : memref<16x160x128xi32, #tpu.memory_space<hbm>> -> memref<1x160x128xi32, #tpu.memory_space<hbm>>
    %dma_wait3A_40 = tpu.memref_squeeze %dma_wait3A_39 : memref<1x160x128xi32, #tpu.memory_space<hbm>> -> memref<160x128xi32, #tpu.memory_space<hbm>>
    tpu.wait_dma2 semaphore(%arg19 : memref<!tpu.dma_semaphore, #tpu.memory_space<semaphore_mem>>) src(%dma_wait3A_40 : memref<160x128xi32, #tpu.memory_space<hbm>>) dst(%arg6 : memref<160x128xi32, #tpu.memory_space<vmem>>)
    %dma_wait3A_41 = arith.constant 0 : i32
    %dma_wait3A_42 = arith.constant 0 : i32
    %dma_wait3A_43 = tpu.memref_slice %arg4[%arg1, %dma_wait3A_41, %dma_wait3A_42] : memref<16x160x128xi32, #tpu.memory_space<hbm>> -> memref<1x160x128xi32, #tpu.memory_space<hbm>>
    %dma_wait3A_44 = tpu.memref_squeeze %dma_wait3A_43 : memref<1x160x128xi32, #tpu.memory_space<hbm>> -> memref<160x128xi32, #tpu.memory_space<hbm>>
    %dma_wait3A_45 = arith.constant 0 : i32
    %dma_wait3A_46 = arith.constant 0 : i32
    %dma_wait3A_47 = tpu.memref_slice %arg4[%arg1, %dma_wait3A_45, %dma_wait3A_46] : memref<16x160x128xi32, #tpu.memory_space<hbm>> -> memref<1x160x128xi32, #tpu.memory_space<hbm>>
    %dma_wait3A_48 = tpu.memref_squeeze %dma_wait3A_47 : memref<1x160x128xi32, #tpu.memory_space<hbm>> -> memref<160x128xi32, #tpu.memory_space<hbm>>
    tpu.wait_dma2 semaphore(%arg20 : memref<!tpu.dma_semaphore, #tpu.memory_space<semaphore_mem>>) src(%dma_wait3A_48 : memref<160x128xi32, #tpu.memory_space<hbm>>) dst(%arg7 : memref<160x128xi32, #tpu.memory_space<vmem>>)
    %scan3A_49 = arith.constant 0 : i32
    %scan3A_50 = arith.constant 8 : i32
    %scan3A_51 = arith.addi %scan3A_49, %scan3A_50 : i32
    %scan3A_52 = arith.constant 1 : i32
    scf.for %scan3A_103 = %scan3A_49 to %scan3A_51 step %scan3A_52  : i32 {
      %mul3A_104 = arith.constant 1 : i32
      %mul3A_105 = arith.muli %scan3A_103, %mul3A_104 : i32
      %add3A_106 = arith.constant 0 : i32
      %add3A_107 = arith.addi %add3A_106, %mul3A_105 : i32
      %mul3A_108 = arith.constant 16 : i32
      %mul3A_109 = arith.muli %add3A_107, %mul3A_108 : i32
      %get3A = arith.constant 0 : i32
      %get3A_110 = arith.index_cast %get3A : i32 to index
      %get3A_111 = arith.index_cast %mul3A_109 : i32 to index
      %get3A_112 = tpu.vector_load %arg6[%get3A_110, %get3A_111] {strides = array<i32>} : memref<160x128xi32, #tpu.memory_space<vmem>>, vector<1x16xi32>,
      %get3A_113 = vector.shape_cast %get3A_112 : vector<1x16xi32> to vector<16xi32>
      %mul3A_114 = arith.constant 2 : i32
      %mul3A_115 = vector.broadcast %mul3A_114 : i32 to vector<16xi32>
      %mul3A_116 = arith.muli %get3A_113, %mul3A_115 : vector<16xi32>
      %add3A_117 = vector.broadcast %arg0 : i32 to vector<16xi32>
      %add3A_118 = arith.addi %mul3A_116, %add3A_117 : vector<16xi32>
      %mul3A_119 = arith.constant 16 : i32
      %mul3A_120 = arith.muli %add3A_107, %mul3A_119 : i32
      %swap3A = arith.constant 0 : i32
      %swap3A_121 = arith.index_cast %swap3A : i32 to index
      %swap3A_122 = arith.index_cast %mul3A_120 : i32 to index
      %swap3A_123 = tpu.vector_load %arg8[%swap3A_121, %swap3A_122] {strides = array<i32>} : memref<4x128xi32, #tpu.memory_space<vmem>>, vector<1x16xi32>,
      %swap3A_124 = vector.shape_cast %swap3A_123 : vector<1x16xi32> to vector<16xi32>
      %swap3A_125 = vector.shape_cast %add3A_118 : vector<16xi32> to vector<1x16xi32>
      tpu.vector_store %arg8[%swap3A_121, %swap3A_122], %swap3A_125 {strides = array<i32>} : memref<4x128xi32, #tpu.memory_space<vmem>>, vector<1x16xi32>,
    }
    %scan3A_53 = arith.constant 8 : i32
    %dma_start3A_54 = arith.constant 0 : i32
    %dma_start3A_55 = arith.constant 0 : i32
    %dma_start3A_56 = tpu.memref_slice %arg8[%dma_start3A_54, %dma_start3A_55] : memref<4x128xi32, #tpu.memory_space<vmem>> -> memref<1x128xi32, #tpu.memory_space<vmem>>
    %dma_start3A_57 = tpu.memref_squeeze %dma_start3A_56 : memref<1x128xi32, #tpu.memory_space<vmem>> -> memref<128xi32, #tpu.memory_space<vmem>>
    %dma_start3A_58 = arith.constant 0 : i32
    %dma_start3A_59 = arith.constant 0 : i32
    %dma_start3A_60 = tpu.memref_slice %arg2[%dma_start3A_58, %dma_start3A_59] : memref<20480x64xf32, #tpu.memory_space<hbm>> -> memref<20480x64xf32, #tpu.memory_space<hbm>>
    tpu.enqueue_indirect_dma source(%dma_start3A_60 : memref<20480x64xf32, #tpu.memory_space<hbm>>) target(%arg9 : memref<128x64xf32, #tpu.memory_space<vmem>>) offsets(%dma_start3A_57 : memref<128xi32, #tpu.memory_space<vmem>>) semaphore(%arg15 : memref<!tpu.dma_semaphore, #tpu.memory_space<semaphore_mem>>)
    %scan3A_61 = arith.constant 0 : i32
    %scan3A_62 = arith.constant 8 : i32
    %scan3A_63 = arith.addi %scan3A_61, %scan3A_62 : i32
    %scan3A_64 = arith.constant 1 : i32
    scf.for %scan3A_103 = %scan3A_61 to %scan3A_63 step %scan3A_64  : i32 {
      %mul3A_104 = arith.constant 1 : i32
      %mul3A_105 = arith.muli %scan3A_103, %mul3A_104 : i32
      %add3A_106 = arith.constant 0 : i32
      %add3A_107 = arith.addi %add3A_106, %mul3A_105 : i32
      %mul3A_108 = arith.constant 16 : i32
      %mul3A_109 = arith.muli %add3A_107, %mul3A_108 : i32
      %get3A = arith.constant 1 : i32
      %get3A_110 = arith.index_cast %get3A : i32 to index
      %get3A_111 = arith.index_cast %mul3A_109 : i32 to index
      %get3A_112 = tpu.vector_load %arg6[%get3A_110, %get3A_111] {strides = array<i32>} : memref<160x128xi32, #tpu.memory_space<vmem>>, vector<1x16xi32>,
      %get3A_113 = vector.shape_cast %get3A_112 : vector<1x16xi32> to vector<16xi32>
      %mul3A_114 = arith.constant 2 : i32
      %mul3A_115 = vector.broadcast %mul3A_114 : i32 to vector<16xi32>
      %mul3A_116 = arith.muli %get3A_113, %mul3A_115 : vector<16xi32>
      %add3A_117 = vector.broadcast %arg0 : i32 to vector<16xi32>
      %add3A_118 = arith.addi %mul3A_116, %add3A_117 : vector<16xi32>
      %mul3A_119 = arith.constant 16 : i32
      %mul3A_120 = arith.muli %add3A_107, %mul3A_119 : i32
      %swap3A = arith.constant 1 : i32
      %swap3A_121 = arith.index_cast %swap3A : i32 to index
      %swap3A_122 = arith.index_cast %mul3A_120 : i32 to index
      %swap3A_123 = tpu.vector_load %arg8[%swap3A_121, %swap3A_122] {strides = array<i32>} : memref<4x128xi32, #tpu.memory_space<vmem>>, vector<1x16xi32>,
      %swap3A_124 = vector.shape_cast %swap3A_123 : vector<1x16xi32> to vector<16xi32>
      %swap3A_125 = vector.shape_cast %add3A_118 : vector<16xi32> to vector<1x16xi32>
      tpu.vector_store %arg8[%swap3A_121, %swap3A_122], %swap3A_125 {strides = array<i32>} : memref<4x128xi32, #tpu.memory_space<vmem>>, vector<1x16xi32>,
    }
    %scan3A_65 = arith.constant 8 : i32
    %dma_start3A_66 = arith.constant 1 : i32
    %dma_start3A_67 = arith.constant 0 : i32
    %dma_start3A_68 = tpu.memref_slice %arg8[%dma_start3A_66, %dma_start3A_67] : memref<4x128xi32, #tpu.memory_space<vmem>> -> memref<1x128xi32, #tpu.memory_space<vmem>>
    %dma_start3A_69 = tpu.memref_squeeze %dma_start3A_68 : memref<1x128xi32, #tpu.memory_space<vmem>> -> memref<128xi32, #tpu.memory_space<vmem>>
    %dma_start3A_70 = arith.constant 0 : i32
    %dma_start3A_71 = arith.constant 0 : i32
    %dma_start3A_72 = tpu.memref_slice %arg2[%dma_start3A_70, %dma_start3A_71] : memref<20480x64xf32, #tpu.memory_space<hbm>> -> memref<20480x64xf32, #tpu.memory_space<hbm>>
    tpu.enqueue_indirect_dma source(%dma_start3A_72 : memref<20480x64xf32, #tpu.memory_space<hbm>>) target(%arg10 : memref<128x64xf32, #tpu.memory_space<vmem>>) offsets(%dma_start3A_69 : memref<128xi32, #tpu.memory_space<vmem>>) semaphore(%arg16 : memref<!tpu.dma_semaphore, #tpu.memory_space<semaphore_mem>>)
    %scan3A_73 = arith.constant 0 : i32
    %scan3A_74 = arith.constant 8 : i32
    %scan3A_75 = arith.addi %scan3A_73, %scan3A_74 : i32
    %scan3A_76 = arith.constant 1 : i32
    scf.for %scan3A_103 = %scan3A_73 to %scan3A_75 step %scan3A_76  : i32 {
      %mul3A_104 = arith.constant 1 : i32
      %mul3A_105 = arith.muli %scan3A_103, %mul3A_104 : i32
      %add3A_106 = arith.constant 0 : i32
      %add3A_107 = arith.addi %add3A_106, %mul3A_105 : i32
      %mul3A_108 = arith.constant 16 : i32
      %mul3A_109 = arith.muli %add3A_107, %mul3A_108 : i32
      %get3A = arith.constant 2 : i32
      %get3A_110 = arith.index_cast %get3A : i32 to index
      %get3A_111 = arith.index_cast %mul3A_109 : i32 to index
      %get3A_112 = tpu.vector_load %arg6[%get3A_110, %get3A_111] {strides = array<i32>} : memref<160x128xi32, #tpu.memory_space<vmem>>, vector<1x16xi32>,
      %get3A_113 = vector.shape_cast %get3A_112 : vector<1x16xi32> to vector<16xi32>
      %mul3A_114 = arith.constant 2 : i32
      %mul3A_115 = vector.broadcast %mul3A_114 : i32 to vector<16xi32>
      %mul3A_116 = arith.muli %get3A_113, %mul3A_115 : vector<16xi32>
      %add3A_117 = vector.broadcast %arg0 : i32 to vector<16xi32>
      %add3A_118 = arith.addi %mul3A_116, %add3A_117 : vector<16xi32>
      %mul3A_119 = arith.constant 16 : i32
      %mul3A_120 = arith.muli %add3A_107, %mul3A_119 : i32
      %swap3A = arith.constant 2 : i32
      %swap3A_121 = arith.index_cast %swap3A : i32 to index
      %swap3A_122 = arith.index_cast %mul3A_120 : i32 to index
      %swap3A_123 = tpu.vector_load %arg8[%swap3A_121, %swap3A_122] {strides = array<i32>} : memref<4x128xi32, #tpu.memory_space<vmem>>, vector<1x16xi32>,
      %swap3A_124 = vector.shape_cast %swap3A_123 : vector<1x16xi32> to vector<16xi32>
      %swap3A_125 = vector.shape_cast %add3A_118 : vector<16xi32> to vector<1x16xi32>
      tpu.vector_store %arg8[%swap3A_121, %swap3A_122], %swap3A_125 {strides = array<i32>} : memref<4x128xi32, #tpu.memory_space<vmem>>, vector<1x16xi32>,
    }
    %scan3A_77 = arith.constant 8 : i32
    %dma_start3A_78 = arith.constant 2 : i32
    %dma_start3A_79 = arith.constant 0 : i32
    %dma_start3A_80 = tpu.memref_slice %arg8[%dma_start3A_78, %dma_start3A_79] : memref<4x128xi32, #tpu.memory_space<vmem>> -> memref<1x128xi32, #tpu.memory_space<vmem>>
    %dma_start3A_81 = tpu.memref_squeeze %dma_start3A_80 : memref<1x128xi32, #tpu.memory_space<vmem>> -> memref<128xi32, #tpu.memory_space<vmem>>
    %dma_start3A_82 = arith.constant 0 : i32
    %dma_start3A_83 = arith.constant 0 : i32
    %dma_start3A_84 = tpu.memref_slice %arg2[%dma_start3A_82, %dma_start3A_83] : memref<20480x64xf32, #tpu.memory_space<hbm>> -> memref<20480x64xf32, #tpu.memory_space<hbm>>
    tpu.enqueue_indirect_dma source(%dma_start3A_84 : memref<20480x64xf32, #tpu.memory_space<hbm>>) target(%arg11 : memref<128x64xf32, #tpu.memory_space<vmem>>) offsets(%dma_start3A_81 : memref<128xi32, #tpu.memory_space<vmem>>) semaphore(%arg17 : memref<!tpu.dma_semaphore, #tpu.memory_space<semaphore_mem>>)
    %scan3A_85 = arith.constant 0 : i32
    %scan3A_86 = arith.constant 8 : i32
    %scan3A_87 = arith.addi %scan3A_85, %scan3A_86 : i32
    %scan3A_88 = arith.constant 1 : i32
    scf.for %scan3A_103 = %scan3A_85 to %scan3A_87 step %scan3A_88  : i32 {
      %mul3A_104 = arith.constant 1 : i32
      %mul3A_105 = arith.muli %scan3A_103, %mul3A_104 : i32
      %add3A_106 = arith.constant 0 : i32
      %add3A_107 = arith.addi %add3A_106, %mul3A_105 : i32
      %mul3A_108 = arith.constant 16 : i32
      %mul3A_109 = arith.muli %add3A_107, %mul3A_108 : i32
      %get3A = arith.constant 3 : i32
      %get3A_110 = arith.index_cast %get3A : i32 to index
      %get3A_111 = arith.index_cast %mul3A_109 : i32 to index
      %get3A_112 = tpu.vector_load %arg6[%get3A_110, %get3A_111] {strides = array<i32>} : memref<160x128xi32, #tpu.memory_space<vmem>>, vector<1x16xi32>,
      %get3A_113 = vector.shape_cast %get3A_112 : vector<1x16xi32> to vector<16xi32>
      %mul3A_114 = arith.constant 2 : i32
      %mul3A_115 = vector.broadcast %mul3A_114 : i32 to vector<16xi32>
      %mul3A_116 = arith.muli %get3A_113, %mul3A_115 : vector<16xi32>
      %add3A_117 = vector.broadcast %arg0 : i32 to vector<16xi32>
      %add3A_118 = arith.addi %mul3A_116, %add3A_117 : vector<16xi32>
      %mul3A_119 = arith.constant 16 : i32
      %mul3A_120 = arith.muli %add3A_107, %mul3A_119 : i32
      %swap3A = arith.constant 3 : i32
      %swap3A_121 = arith.index_cast %swap3A : i32 to index
      %swap3A_122 = arith.index_cast %mul3A_120 : i32 to index
      %swap3A_123 = tpu.vector_load %arg8[%swap3A_121, %swap3A_122] {strides = array<i32>} : memref<4x128xi32, #tpu.memory_space<vmem>>, vector<1x16xi32>,
      %swap3A_124 = vector.shape_cast %swap3A_123 : vector<1x16xi32> to vector<16xi32>
      %swap3A_125 = vector.shape_cast %add3A_118 : vector<16xi32> to vector<1x16xi32>
      tpu.vector_store %arg8[%swap3A_121, %swap3A_122], %swap3A_125 {strides = array<i32>} : memref<4x128xi32, #tpu.memory_space<vmem>>, vector<1x16xi32>,
    }
    %scan3A_89 = arith.constant 8 : i32
    %dma_start3A_90 = arith.constant 3 : i32
    %dma_start3A_91 = arith.constant 0 : i32
    %dma_start3A_92 = tpu.memref_slice %arg8[%dma_start3A_90, %dma_start3A_91] : memref<4x128xi32, #tpu.memory_space<vmem>> -> memref<1x128xi32, #tpu.memory_space<vmem>>
    %dma_start3A_93 = tpu.memref_squeeze %dma_start3A_92 : memref<1x128xi32, #tpu.memory_space<vmem>> -> memref<128xi32, #tpu.memory_space<vmem>>
    %dma_start3A_94 = arith.constant 0 : i32
    %dma_start3A_95 = arith.constant 0 : i32
    %dma_start3A_96 = tpu.memref_slice %arg2[%dma_start3A_94, %dma_start3A_95] : memref<20480x64xf32, #tpu.memory_space<hbm>> -> memref<20480x64xf32, #tpu.memory_space<hbm>>
    tpu.enqueue_indirect_dma source(%dma_start3A_96 : memref<20480x64xf32, #tpu.memory_space<hbm>>) target(%arg12 : memref<128x64xf32, #tpu.memory_space<vmem>>) offsets(%dma_start3A_93 : memref<128xi32, #tpu.memory_space<vmem>>) semaphore(%arg18 : memref<!tpu.dma_semaphore, #tpu.memory_space<semaphore_mem>>)
    %barrier3A = arith.constant 0 : index
    tpu.barrier barrier_id(%barrier3A)
    %scan3A_97 = arith.constant 0 : i32
    %scan3A_98 = arith.constant 40 : i32
    %scan3A_99 = arith.addi %scan3A_97, %scan3A_98 : i32
    %scan3A_100 = arith.constant 1 : i32
    scf.for %scan3A_103 = %scan3A_97 to %scan3A_99 step %scan3A_100  : i32 {
      %mul3A_104 = arith.constant 1 : i32
      %mul3A_105 = arith.muli %scan3A_103, %mul3A_104 : i32
      %add3A_106 = arith.constant 0 : i32
      %add3A_107 = arith.addi %add3A_106, %mul3A_105 : i32
      %mul3A_108 = arith.constant 4 : i32
      %mul3A_109 = arith.muli %mul3A_108, %add3A_107 : i32
      %dma_wait3A_110 = arith.constant 0 : i32
      %dma_wait3A_111 = arith.constant 0 : i32
      %dma_wait3A_112 = tpu.memref_slice %arg8[%dma_wait3A_110, %dma_wait3A_111] : memref<4x128xi32, #tpu.memory_space<vmem>> -> memref<1x128xi32, #tpu.memory_space<vmem>>
      %dma_wait3A_113 = tpu.memref_squeeze %dma_wait3A_112 : memref<1x128xi32, #tpu.memory_space<vmem>> -> memref<128xi32, #tpu.memory_space<vmem>>
      %dma_wait3A_114 = arith.constant 0 : i32
      %dma_wait3A_115 = arith.constant 0 : i32
      %dma_wait3A_116 = tpu.memref_slice %arg2[%dma_wait3A_114, %dma_wait3A_115] : memref<20480x64xf32, #tpu.memory_space<hbm>> -> memref<20480x64xf32, #tpu.memory_space<hbm>>
      tpu.wait_indirect_dma semaphore(%arg15 : memref<!tpu.dma_semaphore, #tpu.memory_space<semaphore_mem>>) src(%dma_wait3A_116 : memref<20480x64xf32, #tpu.memory_space<hbm>>) dst(%arg9 : memref<128x64xf32, #tpu.memory_space<vmem>>)
      %add3A_117 = arith.constant 0 : i32
      %add3A_118 = arith.addi %mul3A_109, %add3A_117 : i32
      %dma_start3A_119 = arith.constant 0 : i32
      %dma_start3A_120 = tpu.memref_slice %arg7[%add3A_118, %dma_start3A_119] : memref<160x128xi32, #tpu.memory_space<vmem>> -> memref<1x128xi32, #tpu.memory_space<vmem>>
      %dma_start3A_121 = tpu.memref_squeeze %dma_start3A_120 : memref<1x128xi32, #tpu.memory_space<vmem>> -> memref<128xi32, #tpu.memory_space<vmem>>
      %dma_start3A_122 = arith.constant 0 : i32
      %dma_start3A_123 = arith.constant 0 : i32
      %dma_start3A_124 = tpu.memref_slice %arg14[%dma_start3A_122, %dma_start3A_123] : memref<10240x64xf32, #tpu.memory_space<vmem_shared>> -> memref<10240x64xf32, #tpu.memory_space<vmem_shared>>
      tpu.enqueue_indirect_dma source(%arg9 : memref<128x64xf32, #tpu.memory_space<vmem>>) target(%dma_start3A_124 : memref<10240x64xf32, #tpu.memory_space<vmem_shared>>) offsets(%dma_start3A_121 : memref<128xi32, #tpu.memory_space<vmem>>) semaphore(%arg19 : memref<!tpu.dma_semaphore, #tpu.memory_space<semaphore_mem>>) {add = true}
      %dma_wait3A_125 = arith.constant 1 : i32
      %dma_wait3A_126 = arith.constant 0 : i32
      %dma_wait3A_127 = tpu.memref_slice %arg8[%dma_wait3A_125, %dma_wait3A_126] : memref<4x128xi32, #tpu.memory_space<vmem>> -> memref<1x128xi32, #tpu.memory_space<vmem>>
      %dma_wait3A_128 = tpu.memref_squeeze %dma_wait3A_127 : memref<1x128xi32, #tpu.memory_space<vmem>> -> memref<128xi32, #tpu.memory_space<vmem>>
      %dma_wait3A_129 = arith.constant 0 : i32
      %dma_wait3A_130 = arith.constant 0 : i32
      %dma_wait3A_131 = tpu.memref_slice %arg2[%dma_wait3A_129, %dma_wait3A_130] : memref<20480x64xf32, #tpu.memory_space<hbm>> -> memref<20480x64xf32, #tpu.memory_space<hbm>>
      tpu.wait_indirect_dma semaphore(%arg16 : memref<!tpu.dma_semaphore, #tpu.memory_space<semaphore_mem>>) src(%dma_wait3A_131 : memref<20480x64xf32, #tpu.memory_space<hbm>>) dst(%arg10 : memref<128x64xf32, #tpu.memory_space<vmem>>)
      %add3A_132 = arith.constant 1 : i32
      %add3A_133 = arith.addi %mul3A_109, %add3A_132 : i32
      %dma_start3A_134 = arith.constant 0 : i32
      %dma_start3A_135 = tpu.memref_slice %arg7[%add3A_133, %dma_start3A_134] : memref<160x128xi32, #tpu.memory_space<vmem>> -> memref<1x128xi32, #tpu.memory_space<vmem>>
      %dma_start3A_136 = tpu.memref_squeeze %dma_start3A_135 : memref<1x128xi32, #tpu.memory_space<vmem>> -> memref<128xi32, #tpu.memory_space<vmem>>
      %dma_start3A_137 = arith.constant 0 : i32
      %dma_start3A_138 = arith.constant 0 : i32
      %dma_start3A_139 = tpu.memref_slice %arg14[%dma_start3A_137, %dma_start3A_138] : memref<10240x64xf32, #tpu.memory_space<vmem_shared>> -> memref<10240x64xf32, #tpu.memory_space<vmem_shared>>
      tpu.enqueue_indirect_dma source(%arg10 : memref<128x64xf32, #tpu.memory_space<vmem>>) target(%dma_start3A_139 : memref<10240x64xf32, #tpu.memory_space<vmem_shared>>) offsets(%dma_start3A_136 : memref<128xi32, #tpu.memory_space<vmem>>) semaphore(%arg20 : memref<!tpu.dma_semaphore, #tpu.memory_space<semaphore_mem>>) {add = true}
      %dma_wait3A_140 = arith.constant 2 : i32
      %dma_wait3A_141 = arith.constant 0 : i32
      %dma_wait3A_142 = tpu.memref_slice %arg8[%dma_wait3A_140, %dma_wait3A_141] : memref<4x128xi32, #tpu.memory_space<vmem>> -> memref<1x128xi32, #tpu.memory_space<vmem>>
      %dma_wait3A_143 = tpu.memref_squeeze %dma_wait3A_142 : memref<1x128xi32, #tpu.memory_space<vmem>> -> memref<128xi32, #tpu.memory_space<vmem>>
      %dma_wait3A_144 = arith.constant 0 : i32
      %dma_wait3A_145 = arith.constant 0 : i32
      %dma_wait3A_146 = tpu.memref_slice %arg2[%dma_wait3A_144, %dma_wait3A_145] : memref<20480x64xf32, #tpu.memory_space<hbm>> -> memref<20480x64xf32, #tpu.memory_space<hbm>>
      tpu.wait_indirect_dma semaphore(%arg17 : memref<!tpu.dma_semaphore, #tpu.memory_space<semaphore_mem>>) src(%dma_wait3A_146 : memref<20480x64xf32, #tpu.memory_space<hbm>>) dst(%arg11 : memref<128x64xf32, #tpu.memory_space<vmem>>)
      %add3A_147 = arith.constant 2 : i32
      %add3A_148 = arith.addi %mul3A_109, %add3A_147 : i32
      %dma_start3A_149 = arith.constant 0 : i32
      %dma_start3A_150 = tpu.memref_slice %arg7[%add3A_148, %dma_start3A_149] : memref<160x128xi32, #tpu.memory_space<vmem>> -> memref<1x128xi32, #tpu.memory_space<vmem>>
      %dma_start3A_151 = tpu.memref_squeeze %dma_start3A_150 : memref<1x128xi32, #tpu.memory_space<vmem>> -> memref<128xi32, #tpu.memory_space<vmem>>
      %dma_start3A_152 = arith.constant 0 : i32
      %dma_start3A_153 = arith.constant 0 : i32
      %dma_start3A_154 = tpu.memref_slice %arg14[%dma_start3A_152, %dma_start3A_153] : memref<10240x64xf32, #tpu.memory_space<vmem_shared>> -> memref<10240x64xf32, #tpu.memory_space<vmem_shared>>
      tpu.enqueue_indirect_dma source(%arg11 : memref<128x64xf32, #tpu.memory_space<vmem>>) target(%dma_start3A_154 : memref<10240x64xf32, #tpu.memory_space<vmem_shared>>) offsets(%dma_start3A_151 : memref<128xi32, #tpu.memory_space<vmem>>) semaphore(%arg21 : memref<!tpu.dma_semaphore, #tpu.memory_space<semaphore_mem>>) {add = true}
      %dma_wait3A_155 = arith.constant 3 : i32
      %dma_wait3A_156 = arith.constant 0 : i32
      %dma_wait3A_157 = tpu.memref_slice %arg8[%dma_wait3A_155, %dma_wait3A_156] : memref<4x128xi32, #tpu.memory_space<vmem>> -> memref<1x128xi32, #tpu.memory_space<vmem>>
      %dma_wait3A_158 = tpu.memref_squeeze %dma_wait3A_157 : memref<1x128xi32, #tpu.memory_space<vmem>> -> memref<128xi32, #tpu.memory_space<vmem>>
      %dma_wait3A_159 = arith.constant 0 : i32
      %dma_wait3A_160 = arith.constant 0 : i32
      %dma_wait3A_161 = tpu.memref_slice %arg2[%dma_wait3A_159, %dma_wait3A_160] : memref<20480x64xf32, #tpu.memory_space<hbm>> -> memref<20480x64xf32, #tpu.memory_space<hbm>>
      tpu.wait_indirect_dma semaphore(%arg18 : memref<!tpu.dma_semaphore, #tpu.memory_space<semaphore_mem>>) src(%dma_wait3A_161 : memref<20480x64xf32, #tpu.memory_space<hbm>>) dst(%arg12 : memref<128x64xf32, #tpu.memory_space<vmem>>)
      %add3A_162 = arith.constant 3 : i32
      %add3A_163 = arith.addi %mul3A_109, %add3A_162 : i32
      %dma_start3A_164 = arith.constant 0 : i32
      %dma_start3A_165 = tpu.memref_slice %arg7[%add3A_163, %dma_start3A_164] : memref<160x128xi32, #tpu.memory_space<vmem>> -> memref<1x128xi32, #tpu.memory_space<vmem>>
      %dma_start3A_166 = tpu.memref_squeeze %dma_start3A_165 : memref<1x128xi32, #tpu.memory_space<vmem>> -> memref<128xi32, #tpu.memory_space<vmem>>
      %dma_start3A_167 = arith.constant 0 : i32
      %dma_start3A_168 = arith.constant 0 : i32
      %dma_start3A_169 = tpu.memref_slice %arg14[%dma_start3A_167, %dma_start3A_168] : memref<10240x64xf32, #tpu.memory_space<vmem_shared>> -> memref<10240x64xf32, #tpu.memory_space<vmem_shared>>
      tpu.enqueue_indirect_dma source(%arg12 : memref<128x64xf32, #tpu.memory_space<vmem>>) target(%dma_start3A_169 : memref<10240x64xf32, #tpu.memory_space<vmem_shared>>) offsets(%dma_start3A_166 : memref<128xi32, #tpu.memory_space<vmem>>) semaphore(%arg22 : memref<!tpu.dma_semaphore, #tpu.memory_space<semaphore_mem>>) {add = true}
      %add3A_170 = arith.constant 0 : i32
      %add3A_171 = arith.addi %mul3A_109, %add3A_170 : i32
      %dma_wait3A_172 = arith.constant 0 : i32
      %dma_wait3A_173 = tpu.memref_slice %arg7[%add3A_171, %dma_wait3A_172] : memref<160x128xi32, #tpu.memory_space<vmem>> -> memref<1x128xi32, #tpu.memory_space<vmem>>
      %dma_wait3A_174 = tpu.memref_squeeze %dma_wait3A_173 : memref<1x128xi32, #tpu.memory_space<vmem>> -> memref<128xi32, #tpu.memory_space<vmem>>
      %dma_wait3A_175 = arith.constant 0 : i32
      %dma_wait3A_176 = arith.constant 0 : i32
      %dma_wait3A_177 = tpu.memref_slice %arg14[%dma_wait3A_175, %dma_wait3A_176] : memref<10240x64xf32, #tpu.memory_space<vmem_shared>> -> memref<10240x64xf32, #tpu.memory_space<vmem_shared>>
      tpu.wait_indirect_dma semaphore(%arg19 : memref<!tpu.dma_semaphore, #tpu.memory_space<semaphore_mem>>) src(%arg9 : memref<128x64xf32, #tpu.memory_space<vmem>>) dst(%dma_wait3A_177 : memref<10240x64xf32, #tpu.memory_space<vmem_shared>>)
      %lt3A = arith.constant 39 : i32
      %lt3A_178 = arith.cmpi slt, %add3A_107, %lt3A : i32
      %convert_element_type3A = arith.extui %lt3A_178 : i1 to i32
      %cond3A = arith.constant 0 : i32
      %cond3A_179 = arith.cmpi ne, %convert_element_type3A, %cond3A : i32
      scf.if %cond3A_179 {
        %add3A_219 = arith.constant 4 : i32
        %add3A_220 = arith.addi %mul3A_109, %add3A_219 : i32
        %add3A_221 = arith.constant 0 : i32
        %add3A_222 = arith.addi %add3A_220, %add3A_221 : i32
        %scan3A_223 = arith.constant 0 : i32
        %scan3A_224 = arith.constant 8 : i32
        %scan3A_225 = arith.addi %scan3A_223, %scan3A_224 : i32
        %scan3A_226 = arith.constant 1 : i32
        scf.for %scan3A_235 = %scan3A_223 to %scan3A_225 step %scan3A_226  : i32 {
          %mul3A_236 = arith.constant 1 : i32
          %mul3A_237 = arith.muli %scan3A_235, %mul3A_236 : i32
          %add3A_238 = arith.constant 0 : i32
          %add3A_239 = arith.addi %add3A_238, %mul3A_237 : i32
          %mul3A_240 = arith.constant 16 : i32
          %mul3A_241 = arith.muli %add3A_239, %mul3A_240 : i32
          %get3A = arith.index_cast %add3A_222 : i32 to index
          %get3A_242 = arith.index_cast %mul3A_241 : i32 to index
          %get3A_243 = tpu.vector_load %arg6[%get3A, %get3A_242] {strides = array<i32>} : memref<160x128xi32, #tpu.memory_space<vmem>>, vector<1x16xi32>,
          %get3A_244 = vector.shape_cast %get3A_243 : vector<1x16xi32> to vector<16xi32>
          %mul3A_245 = arith.constant 2 : i32
          %mul3A_246 = vector.broadcast %mul3A_245 : i32 to vector<16xi32>
          %mul3A_247 = arith.muli %get3A_244, %mul3A_246 : vector<16xi32>
          %add3A_248 = vector.broadcast %arg0 : i32 to vector<16xi32>
          %add3A_249 = arith.addi %mul3A_247, %add3A_248 : vector<16xi32>
          %mul3A_250 = arith.constant 16 : i32
          %mul3A_251 = arith.muli %add3A_239, %mul3A_250 : i32
          %swap3A = arith.constant 0 : i32
          %swap3A_252 = arith.index_cast %swap3A : i32 to index
          %swap3A_253 = arith.index_cast %mul3A_251 : i32 to index
          %swap3A_254 = tpu.vector_load %arg8[%swap3A_252, %swap3A_253] {strides = array<i32>} : memref<4x128xi32, #tpu.memory_space<vmem>>, vector<1x16xi32>,
          %swap3A_255 = vector.shape_cast %swap3A_254 : vector<1x16xi32> to vector<16xi32>
          %swap3A_256 = vector.shape_cast %add3A_249 : vector<16xi32> to vector<1x16xi32>
          tpu.vector_store %arg8[%swap3A_252, %swap3A_253], %swap3A_256 {strides = array<i32>} : memref<4x128xi32, #tpu.memory_space<vmem>>, vector<1x16xi32>,
        }
        %scan3A_227 = arith.constant 8 : i32
        %dma_start3A_228 = arith.constant 0 : i32
        %dma_start3A_229 = arith.constant 0 : i32
        %dma_start3A_230 = tpu.memref_slice %arg8[%dma_start3A_228, %dma_start3A_229] : memref<4x128xi32, #tpu.memory_space<vmem>> -> memref<1x128xi32, #tpu.memory_space<vmem>>
        %dma_start3A_231 = tpu.memref_squeeze %dma_start3A_230 : memref<1x128xi32, #tpu.memory_space<vmem>> -> memref<128xi32, #tpu.memory_space<vmem>>
        %dma_start3A_232 = arith.constant 0 : i32
        %dma_start3A_233 = arith.constant 0 : i32
        %dma_start3A_234 = tpu.memref_slice %arg2[%dma_start3A_232, %dma_start3A_233] : memref<20480x64xf32, #tpu.memory_space<hbm>> -> memref<20480x64xf32, #tpu.memory_space<hbm>>
        tpu.enqueue_indirect_dma source(%dma_start3A_234 : memref<20480x64xf32, #tpu.memory_space<hbm>>) target(%arg9 : memref<128x64xf32, #tpu.memory_space<vmem>>) offsets(%dma_start3A_231 : memref<128xi32, #tpu.memory_space<vmem>>) semaphore(%arg15 : memref<!tpu.dma_semaphore, #tpu.memory_space<semaphore_mem>>)
      } else {
      }
      %add3A_180 = arith.constant 1 : i32
      %add3A_181 = arith.addi %mul3A_109, %add3A_180 : i32
      %dma_wait3A_182 = arith.constant 0 : i32
      %dma_wait3A_183 = tpu.memref_slice %arg7[%add3A_181, %dma_wait3A_182] : memref<160x128xi32, #tpu.memory_space<vmem>> -> memref<1x128xi32, #tpu.memory_space<vmem>>
      %dma_wait3A_184 = tpu.memref_squeeze %dma_wait3A_183 : memref<1x128xi32, #tpu.memory_space<vmem>> -> memref<128xi32, #tpu.memory_space<vmem>>
      %dma_wait3A_185 = arith.constant 0 : i32
      %dma_wait3A_186 = arith.constant 0 : i32
      %dma_wait3A_187 = tpu.memref_slice %arg14[%dma_wait3A_185, %dma_wait3A_186] : memref<10240x64xf32, #tpu.memory_space<vmem_shared>> -> memref<10240x64xf32, #tpu.memory_space<vmem_shared>>
      tpu.wait_indirect_dma semaphore(%arg20 : memref<!tpu.dma_semaphore, #tpu.memory_space<semaphore_mem>>) src(%arg10 : memref<128x64xf32, #tpu.memory_space<vmem>>) dst(%dma_wait3A_187 : memref<10240x64xf32, #tpu.memory_space<vmem_shared>>)
      %lt3A_188 = arith.constant 39 : i32
      %lt3A_189 = arith.cmpi slt, %add3A_107, %lt3A_188 : i32
      %convert_element_type3A_190 = arith.extui %lt3A_189 : i1 to i32
      %cond3A_191 = arith.constant 0 : i32
      %cond3A_192 = arith.cmpi ne, %convert_element_type3A_190, %cond3A_191 : i32
      scf.if %cond3A_192 {
        %add3A_219 = arith.constant 4 : i32
        %add3A_220 = arith.addi %mul3A_109, %add3A_219 : i32
        %add3A_221 = arith.constant 1 : i32
        %add3A_222 = arith.addi %add3A_220, %add3A_221 : i32
        %scan3A_223 = arith.constant 0 : i32
        %scan3A_224 = arith.constant 8 : i32
        %scan3A_225 = arith.addi %scan3A_223, %scan3A_224 : i32
        %scan3A_226 = arith.constant 1 : i32
        scf.for %scan3A_235 = %scan3A_223 to %scan3A_225 step %scan3A_226  : i32 {
          %mul3A_236 = arith.constant 1 : i32
          %mul3A_237 = arith.muli %scan3A_235, %mul3A_236 : i32
          %add3A_238 = arith.constant 0 : i32
          %add3A_239 = arith.addi %add3A_238, %mul3A_237 : i32
          %mul3A_240 = arith.constant 16 : i32
          %mul3A_241 = arith.muli %add3A_239, %mul3A_240 : i32
          %get3A = arith.index_cast %add3A_222 : i32 to index
          %get3A_242 = arith.index_cast %mul3A_241 : i32 to index
          %get3A_243 = tpu.vector_load %arg6[%get3A, %get3A_242] {strides = array<i32>} : memref<160x128xi32, #tpu.memory_space<vmem>>, vector<1x16xi32>,
          %get3A_244 = vector.shape_cast %get3A_243 : vector<1x16xi32> to vector<16xi32>
          %mul3A_245 = arith.constant 2 : i32
          %mul3A_246 = vector.broadcast %mul3A_245 : i32 to vector<16xi32>
          %mul3A_247 = arith.muli %get3A_244, %mul3A_246 : vector<16xi32>
          %add3A_248 = vector.broadcast %arg0 : i32 to vector<16xi32>
          %add3A_249 = arith.addi %mul3A_247, %add3A_248 : vector<16xi32>
          %mul3A_250 = arith.constant 16 : i32
          %mul3A_251 = arith.muli %add3A_239, %mul3A_250 : i32
          %swap3A = arith.constant 1 : i32
          %swap3A_252 = arith.index_cast %swap3A : i32 to index
          %swap3A_253 = arith.index_cast %mul3A_251 : i32 to index
          %swap3A_254 = tpu.vector_load %arg8[%swap3A_252, %swap3A_253] {strides = array<i32>} : memref<4x128xi32, #tpu.memory_space<vmem>>, vector<1x16xi32>,
          %swap3A_255 = vector.shape_cast %swap3A_254 : vector<1x16xi32> to vector<16xi32>
          %swap3A_256 = vector.shape_cast %add3A_249 : vector<16xi32> to vector<1x16xi32>
          tpu.vector_store %arg8[%swap3A_252, %swap3A_253], %swap3A_256 {strides = array<i32>} : memref<4x128xi32, #tpu.memory_space<vmem>>, vector<1x16xi32>,
        }
        %scan3A_227 = arith.constant 8 : i32
        %dma_start3A_228 = arith.constant 1 : i32
        %dma_start3A_229 = arith.constant 0 : i32
        %dma_start3A_230 = tpu.memref_slice %arg8[%dma_start3A_228, %dma_start3A_229] : memref<4x128xi32, #tpu.memory_space<vmem>> -> memref<1x128xi32, #tpu.memory_space<vmem>>
        %dma_start3A_231 = tpu.memref_squeeze %dma_start3A_230 : memref<1x128xi32, #tpu.memory_space<vmem>> -> memref<128xi32, #tpu.memory_space<vmem>>
        %dma_start3A_232 = arith.constant 0 : i32
        %dma_start3A_233 = arith.constant 0 : i32
        %dma_start3A_234 = tpu.memref_slice %arg2[%dma_start3A_232, %dma_start3A_233] : memref<20480x64xf32, #tpu.memory_space<hbm>> -> memref<20480x64xf32, #tpu.memory_space<hbm>>
        tpu.enqueue_indirect_dma source(%dma_start3A_234 : memref<20480x64xf32, #tpu.memory_space<hbm>>) target(%arg10 : memref<128x64xf32, #tpu.memory_space<vmem>>) offsets(%dma_start3A_231 : memref<128xi32, #tpu.memory_space<vmem>>) semaphore(%arg16 : memref<!tpu.dma_semaphore, #tpu.memory_space<semaphore_mem>>)
      } else {
      }
      %add3A_193 = arith.constant 2 : i32
      %add3A_194 = arith.addi %mul3A_109, %add3A_193 : i32
      %dma_wait3A_195 = arith.constant 0 : i32
      %dma_wait3A_196 = tpu.memref_slice %arg7[%add3A_194, %dma_wait3A_195] : memref<160x128xi32, #tpu.memory_space<vmem>> -> memref<1x128xi32, #tpu.memory_space<vmem>>
      %dma_wait3A_197 = tpu.memref_squeeze %dma_wait3A_196 : memref<1x128xi32, #tpu.memory_space<vmem>> -> memref<128xi32, #tpu.memory_space<vmem>>
      %dma_wait3A_198 = arith.constant 0 : i32
      %dma_wait3A_199 = arith.constant 0 : i32
      %dma_wait3A_200 = tpu.memref_slice %arg14[%dma_wait3A_198, %dma_wait3A_199] : memref<10240x64xf32, #tpu.memory_space<vmem_shared>> -> memref<10240x64xf32, #tpu.memory_space<vmem_shared>>
      tpu.wait_indirect_dma semaphore(%arg21 : memref<!tpu.dma_semaphore, #tpu.memory_space<semaphore_mem>>) src(%arg11 : memref<128x64xf32, #tpu.memory_space<vmem>>) dst(%dma_wait3A_200 : memref<10240x64xf32, #tpu.memory_space<vmem_shared>>)
      %lt3A_201 = arith.constant 39 : i32
      %lt3A_202 = arith.cmpi slt, %add3A_107, %lt3A_201 : i32
      %convert_element_type3A_203 = arith.extui %lt3A_202 : i1 to i32
      %cond3A_204 = arith.constant 0 : i32
      %cond3A_205 = arith.cmpi ne, %convert_element_type3A_203, %cond3A_204 : i32
      scf.if %cond3A_205 {
        %add3A_219 = arith.constant 4 : i32
        %add3A_220 = arith.addi %mul3A_109, %add3A_219 : i32
        %add3A_221 = arith.constant 2 : i32
        %add3A_222 = arith.addi %add3A_220, %add3A_221 : i32
        %scan3A_223 = arith.constant 0 : i32
        %scan3A_224 = arith.constant 8 : i32
        %scan3A_225 = arith.addi %scan3A_223, %scan3A_224 : i32
        %scan3A_226 = arith.constant 1 : i32
        scf.for %scan3A_235 = %scan3A_223 to %scan3A_225 step %scan3A_226  : i32 {
          %mul3A_236 = arith.constant 1 : i32
          %mul3A_237 = arith.muli %scan3A_235, %mul3A_236 : i32
          %add3A_238 = arith.constant 0 : i32
          %add3A_239 = arith.addi %add3A_238, %mul3A_237 : i32
          %mul3A_240 = arith.constant 16 : i32
          %mul3A_241 = arith.muli %add3A_239, %mul3A_240 : i32
          %get3A = arith.index_cast %add3A_222 : i32 to index
          %get3A_242 = arith.index_cast %mul3A_241 : i32 to index
          %get3A_243 = tpu.vector_load %arg6[%get3A, %get3A_242] {strides = array<i32>} : memref<160x128xi32, #tpu.memory_space<vmem>>, vector<1x16xi32>,
          %get3A_244 = vector.shape_cast %get3A_243 : vector<1x16xi32> to vector<16xi32>
          %mul3A_245 = arith.constant 2 : i32
          %mul3A_246 = vector.broadcast %mul3A_245 : i32 to vector<16xi32>
          %mul3A_247 = arith.muli %get3A_244, %mul3A_246 : vector<16xi32>
          %add3A_248 = vector.broadcast %arg0 : i32 to vector<16xi32>
          %add3A_249 = arith.addi %mul3A_247, %add3A_248 : vector<16xi32>
          %mul3A_250 = arith.constant 16 : i32
          %mul3A_251 = arith.muli %add3A_239, %mul3A_250 : i32
          %swap3A = arith.constant 2 : i32
          %swap3A_252 = arith.index_cast %swap3A : i32 to index
          %swap3A_253 = arith.index_cast %mul3A_251 : i32 to index
          %swap3A_254 = tpu.vector_load %arg8[%swap3A_252, %swap3A_253] {strides = array<i32>} : memref<4x128xi32, #tpu.memory_space<vmem>>, vector<1x16xi32>,
          %swap3A_255 = vector.shape_cast %swap3A_254 : vector<1x16xi32> to vector<16xi32>
          %swap3A_256 = vector.shape_cast %add3A_249 : vector<16xi32> to vector<1x16xi32>
          tpu.vector_store %arg8[%swap3A_252, %swap3A_253], %swap3A_256 {strides = array<i32>} : memref<4x128xi32, #tpu.memory_space<vmem>>, vector<1x16xi32>,
        }
        %scan3A_227 = arith.constant 8 : i32
        %dma_start3A_228 = arith.constant 2 : i32
        %dma_start3A_229 = arith.constant 0 : i32
        %dma_start3A_230 = tpu.memref_slice %arg8[%dma_start3A_228, %dma_start3A_229] : memref<4x128xi32, #tpu.memory_space<vmem>> -> memref<1x128xi32, #tpu.memory_space<vmem>>
        %dma_start3A_231 = tpu.memref_squeeze %dma_start3A_230 : memref<1x128xi32, #tpu.memory_space<vmem>> -> memref<128xi32, #tpu.memory_space<vmem>>
        %dma_start3A_232 = arith.constant 0 : i32
        %dma_start3A_233 = arith.constant 0 : i32
        %dma_start3A_234 = tpu.memref_slice %arg2[%dma_start3A_232, %dma_start3A_233] : memref<20480x64xf32, #tpu.memory_space<hbm>> -> memref<20480x64xf32, #tpu.memory_space<hbm>>
        tpu.enqueue_indirect_dma source(%dma_start3A_234 : memref<20480x64xf32, #tpu.memory_space<hbm>>) target(%arg11 : memref<128x64xf32, #tpu.memory_space<vmem>>) offsets(%dma_start3A_231 : memref<128xi32, #tpu.memory_space<vmem>>) semaphore(%arg17 : memref<!tpu.dma_semaphore, #tpu.memory_space<semaphore_mem>>)
      } else {
      }
      %add3A_206 = arith.constant 3 : i32
      %add3A_207 = arith.addi %mul3A_109, %add3A_206 : i32
      %dma_wait3A_208 = arith.constant 0 : i32
      %dma_wait3A_209 = tpu.memref_slice %arg7[%add3A_207, %dma_wait3A_208] : memref<160x128xi32, #tpu.memory_space<vmem>> -> memref<1x128xi32, #tpu.memory_space<vmem>>
      %dma_wait3A_210 = tpu.memref_squeeze %dma_wait3A_209 : memref<1x128xi32, #tpu.memory_space<vmem>> -> memref<128xi32, #tpu.memory_space<vmem>>
      %dma_wait3A_211 = arith.constant 0 : i32
      %dma_wait3A_212 = arith.constant 0 : i32
      %dma_wait3A_213 = tpu.memref_slice %arg14[%dma_wait3A_211, %dma_wait3A_212] : memref<10240x64xf32, #tpu.memory_space<vmem_shared>> -> memref<10240x64xf32, #tpu.memory_space<vmem_shared>>
      tpu.wait_indirect_dma semaphore(%arg22 : memref<!tpu.dma_semaphore, #tpu.memory_space<semaphore_mem>>) src(%arg12 : memref<128x64xf32, #tpu.memory_space<vmem>>) dst(%dma_wait3A_213 : memref<10240x64xf32, #tpu.memory_space<vmem_shared>>)
      %lt3A_214 = arith.constant 39 : i32
      %lt3A_215 = arith.cmpi slt, %add3A_107, %lt3A_214 : i32
      %convert_element_type3A_216 = arith.extui %lt3A_215 : i1 to i32
      %cond3A_217 = arith.constant 0 : i32
      %cond3A_218 = arith.cmpi ne, %convert_element_type3A_216, %cond3A_217 : i32
      scf.if %cond3A_218 {
        %add3A_219 = arith.constant 4 : i32
        %add3A_220 = arith.addi %mul3A_109, %add3A_219 : i32
        %add3A_221 = arith.constant 3 : i32
        %add3A_222 = arith.addi %add3A_220, %add3A_221 : i32
        %scan3A_223 = arith.constant 0 : i32
        %scan3A_224 = arith.constant 8 : i32
        %scan3A_225 = arith.addi %scan3A_223, %scan3A_224 : i32
        %scan3A_226 = arith.constant 1 : i32
        scf.for %scan3A_235 = %scan3A_223 to %scan3A_225 step %scan3A_226  : i32 {
          %mul3A_236 = arith.constant 1 : i32
          %mul3A_237 = arith.muli %scan3A_235, %mul3A_236 : i32
          %add3A_238 = arith.constant 0 : i32
          %add3A_239 = arith.addi %add3A_238, %mul3A_237 : i32
          %mul3A_240 = arith.constant 16 : i32
          %mul3A_241 = arith.muli %add3A_239, %mul3A_240 : i32
          %get3A = arith.index_cast %add3A_222 : i32 to index
          %get3A_242 = arith.index_cast %mul3A_241 : i32 to index
          %get3A_243 = tpu.vector_load %arg6[%get3A, %get3A_242] {strides = array<i32>} : memref<160x128xi32, #tpu.memory_space<vmem>>, vector<1x16xi32>,
          %get3A_244 = vector.shape_cast %get3A_243 : vector<1x16xi32> to vector<16xi32>
          %mul3A_245 = arith.constant 2 : i32
          %mul3A_246 = vector.broadcast %mul3A_245 : i32 to vector<16xi32>
          %mul3A_247 = arith.muli %get3A_244, %mul3A_246 : vector<16xi32>
          %add3A_248 = vector.broadcast %arg0 : i32 to vector<16xi32>
          %add3A_249 = arith.addi %mul3A_247, %add3A_248 : vector<16xi32>
          %mul3A_250 = arith.constant 16 : i32
          %mul3A_251 = arith.muli %add3A_239, %mul3A_250 : i32
          %swap3A = arith.constant 3 : i32
          %swap3A_252 = arith.index_cast %swap3A : i32 to index
          %swap3A_253 = arith.index_cast %mul3A_251 : i32 to index
          %swap3A_254 = tpu.vector_load %arg8[%swap3A_252, %swap3A_253] {strides = array<i32>} : memref<4x128xi32, #tpu.memory_space<vmem>>, vector<1x16xi32>,
          %swap3A_255 = vector.shape_cast %swap3A_254 : vector<1x16xi32> to vector<16xi32>
          %swap3A_256 = vector.shape_cast %add3A_249 : vector<16xi32> to vector<1x16xi32>
          tpu.vector_store %arg8[%swap3A_252, %swap3A_253], %swap3A_256 {strides = array<i32>} : memref<4x128xi32, #tpu.memory_space<vmem>>, vector<1x16xi32>,
        }
        %scan3A_227 = arith.constant 8 : i32
        %dma_start3A_228 = arith.constant 3 : i32
        %dma_start3A_229 = arith.constant 0 : i32
        %dma_start3A_230 = tpu.memref_slice %arg8[%dma_start3A_228, %dma_start3A_229] : memref<4x128xi32, #tpu.memory_space<vmem>> -> memref<1x128xi32, #tpu.memory_space<vmem>>
        %dma_start3A_231 = tpu.memref_squeeze %dma_start3A_230 : memref<1x128xi32, #tpu.memory_space<vmem>> -> memref<128xi32, #tpu.memory_space<vmem>>
        %dma_start3A_232 = arith.constant 0 : i32
        %dma_start3A_233 = arith.constant 0 : i32
        %dma_start3A_234 = tpu.memref_slice %arg2[%dma_start3A_232, %dma_start3A_233] : memref<20480x64xf32, #tpu.memory_space<hbm>> -> memref<20480x64xf32, #tpu.memory_space<hbm>>
        tpu.enqueue_indirect_dma source(%dma_start3A_234 : memref<20480x64xf32, #tpu.memory_space<hbm>>) target(%arg12 : memref<128x64xf32, #tpu.memory_space<vmem>>) offsets(%dma_start3A_231 : memref<128xi32, #tpu.memory_space<vmem>>) semaphore(%arg18 : memref<!tpu.dma_semaphore, #tpu.memory_space<semaphore_mem>>)
      } else {
      }
    }
    %scan3A_101 = arith.constant 40 : i32
    %barrier3A_102 = arith.constant 0 : index
    tpu.barrier barrier_id(%barrier3A_102)
    "tpu.region"() ({
      %run_scoped3A = tpu.sem_alloc : memref<!tpu.dma_semaphore, #tpu.memory_space<semaphore_mem>>
      %dma_start3A_103 = arith.constant 0 : i32
      %dma_start3A_104 = tpu.memref_slice %arg5[%arg0, %mul3A_19, %dma_start3A_103] : memref<2x10240x64xf32, #tpu.memory_space<hbm>> -> memref<1x640x64xf32, #tpu.memory_space<hbm>>
      %dma_start3A_105 = tpu.memref_squeeze %dma_start3A_104 : memref<1x640x64xf32, #tpu.memory_space<hbm>> -> memref<640x64xf32, #tpu.memory_space<hbm>>
      %dma_start3A_106 = arith.constant 0 : i32
      %dma_start3A_107 = tpu.memref_slice %arg14[%mul3A_19, %dma_start3A_106] : memref<10240x64xf32, #tpu.memory_space<vmem_shared>> -> memref<640x64xf32, #tpu.memory_space<vmem_shared>>
      tpu.enqueue_dma source(%dma_start3A_107 : memref<640x64xf32, #tpu.memory_space<vmem_shared>>) target(%dma_start3A_105 : memref<640x64xf32, #tpu.memory_space<hbm>>) target_semaphore(%run_scoped3A : memref<!tpu.dma_semaphore, #tpu.memory_space<semaphore_mem>>)
      %dma_wait3A_108 = arith.constant 0 : i32
      %dma_wait3A_109 = tpu.memref_slice %arg5[%arg0, %mul3A_19, %dma_wait3A_108] : memref<2x10240x64xf32, #tpu.memory_space<hbm>> -> memref<1x640x64xf32, #tpu.memory_space<hbm>>
      %dma_wait3A_110 = tpu.memref_squeeze %dma_wait3A_109 : memref<1x640x64xf32, #tpu.memory_space<hbm>> -> memref<640x64xf32, #tpu.memory_space<hbm>>
      %dma_wait3A_111 = arith.constant 0 : i32
      %dma_wait3A_112 = tpu.memref_slice %arg14[%mul3A_19, %dma_wait3A_111] : memref<10240x64xf32, #tpu.memory_space<vmem_shared>> -> memref<640x64xf32, #tpu.memory_space<vmem_shared>>
      tpu.wait_dma2 semaphore(%run_scoped3A : memref<!tpu.dma_semaphore, #tpu.memory_space<semaphore_mem>>) src(%dma_wait3A_112 : memref<640x64xf32, #tpu.memory_space<vmem_shared>>) dst(%dma_wait3A_110 : memref<640x64xf32, #tpu.memory_space<hbm>>)
      tpu.yield
    }) : () -> ()
    return
  }
}

module attributes {stable_mosaic.version = 14 : i64} {
  func.func @_k1_body(%arg0: i32, %arg1: memref<2x2048x64xf32, #tpu.memory_space<vmem>>, %arg2: memref<2x2048x16xf32, #tpu.memory_space<vmem>>, %arg3: memref<2048x128xf32, #tpu.memory_space<vmem>>, %arg4: memref<128x128xf32, #tpu.memory_space<vmem>>, %arg5: memref<128x128xf32, #tpu.memory_space<vmem>>, %arg6: memref<1x128xf32, #tpu.memory_space<vmem>>, %arg7: memref<2048x128xf32, #tpu.memory_space<vmem>>, %arg8: memref<8x128xf32, #tpu.memory_space<vmem>>, %arg9: memref<8x128xf32, #tpu.memory_space<vmem>>) attributes {dimension_semantics = [#tpu.dimension_semantics<arbitrary>], iteration_bounds = array<i64: 5>, scalar_prefetch = 0 : i64, scratch_operands = 1 : i64, tpu.core_type = #tpu.core_type<tc>, window_params = [{transform_indices = @transform_0, window_bounds = array<i64: 2, 2048, 64>}, {transform_indices = @transform_1, window_bounds = array<i64: 2, 2048, 16>}, {transform_indices = @transform_2, window_bounds = array<i64: 2048, 128>}, {pipeline_mode = #tpu.pipeline_mode<synchronous>, transform_indices = @transform_3, window_bounds = array<i64: 128, 128>}, {pipeline_mode = #tpu.pipeline_mode<synchronous>, transform_indices = @transform_4, window_bounds = array<i64: 128, 128>}, {pipeline_mode = #tpu.pipeline_mode<synchronous>, transform_indices = @transform_5, window_bounds = array<i64: 1, 128>}, {transform_indices = @transform_6, window_bounds = array<i64: 2048, 128>}, {pipeline_mode = #tpu.pipeline_mode<synchronous>, transform_indices = @transform_7, window_bounds = array<i64: 8, 128>}]} {
    %get3A = arith.constant 0 : index
    %get3A_0 = arith.constant 0 : index
    %get3A_1 = vector.load %arg4[%get3A, %get3A_0] : memref<128x128xf32, #tpu.memory_space<vmem>>, vector<128x128xf32>
    %get3A_2 = arith.constant 0 : index
    %get3A_3 = arith.constant 0 : index
    %get3A_4 = arith.constant 0 : index
    %get3A_5 = vector.load %arg2[%get3A_2, %get3A_3, %get3A_4] : memref<2x2048x16xf32, #tpu.memory_space<vmem>>, vector<1x2048x1xf32>
    %get3A_6 = vector.shape_cast %get3A_5 : vector<1x2048x1xf32> to vector<2048xf32>
    %get3A_7 = arith.constant 1 : index
    %get3A_8 = arith.constant 0 : index
    %get3A_9 = arith.constant 0 : index
    %get3A_10 = vector.load %arg2[%get3A_7, %get3A_8, %get3A_9] : memref<2x2048x16xf32, #tpu.memory_space<vmem>>, vector<1x2048x1xf32>
    %get3A_11 = vector.shape_cast %get3A_10 : vector<1x2048x1xf32> to vector<2048xf32>
    %add3A = arith.addf %get3A_6, %get3A_11 : vector<2048xf32>
    %max3A = arith.constant 1.000000e+00 : f32
    %max3A_12 = vector.broadcast %max3A : f32 to vector<2048xf32>
    %max3A_13 = arith.maximumf %add3A, %max3A_12 : vector<2048xf32>
    %broadcast_in_dim3A = vector.shape_cast %max3A_13 : vector<2048xf32> to vector<2048x1xf32>
    %div3A = arith.constant 1.000000e+00 : f32
    %div3A_14 = vector.broadcast %div3A : f32 to vector<2048x1xf32>
    %div3A_15 = arith.divf %div3A_14, %broadcast_in_dim3A : vector<2048x1xf32>
    %get3A_16 = arith.constant 0 : index
    %get3A_17 = arith.constant 0 : index
    %get3A_18 = arith.constant 0 : index
    %get3A_19 = vector.load %arg1[%get3A_16, %get3A_17, %get3A_18] : memref<2x2048x64xf32, #tpu.memory_space<vmem>>, vector<1x2048x64xf32>
    %get3A_20 = vector.shape_cast %get3A_19 : vector<1x2048x64xf32> to vector<2048x64xf32>
    %mul3A = vector.broadcast %div3A_15 : vector<2048x1xf32> to vector<2048x64xf32>
    %mul3A_21 = arith.mulf %get3A_20, %mul3A : vector<2048x64xf32>
    %slice3A = vector.extract_strided_slice %get3A_1 {offsets = [0, 0], sizes = [128, 64], strides = [1, 1]} : vector<128x128xf32> to vector<128x64xf32>
    %dot_general3A = arith.constant dense<0.000000e+00> : vector<2048x128xf32>
    %dot_general3A_22 = tpu.matmul %mul3A_21, %slice3A, %dot_general3A {dimension_numbers = #tpu.dot_dimension_numbers<[1], [1], [0], [0], [0, 0, 1, 0], [], []>, transpose_lhs_hint = false} : vector<2048x64xf32>, vector<128x64xf32>, vector<2048x128xf32> -> vector<2048x128xf32>
    %get3A_23 = arith.constant 1 : index
    %get3A_24 = arith.constant 0 : index
    %get3A_25 = arith.constant 0 : index
    %get3A_26 = vector.load %arg1[%get3A_23, %get3A_24, %get3A_25] : memref<2x2048x64xf32, #tpu.memory_space<vmem>>, vector<1x2048x64xf32>
    %get3A_27 = vector.shape_cast %get3A_26 : vector<1x2048x64xf32> to vector<2048x64xf32>
    %mul3A_28 = vector.broadcast %div3A_15 : vector<2048x1xf32> to vector<2048x64xf32>
    %mul3A_29 = arith.mulf %get3A_27, %mul3A_28 : vector<2048x64xf32>
    %slice3A_30 = vector.extract_strided_slice %get3A_1 {offsets = [0, 64], sizes = [128, 64], strides = [1, 1]} : vector<128x128xf32> to vector<128x64xf32>
    %dot_general3A_31 = arith.constant dense<0.000000e+00> : vector<2048x128xf32>
    %dot_general3A_32 = tpu.matmul %mul3A_29, %slice3A_30, %dot_general3A_31 {dimension_numbers = #tpu.dot_dimension_numbers<[1], [1], [0], [0], [0, 0, 1, 0], [], []>, transpose_lhs_hint = false} : vector<2048x64xf32>, vector<128x64xf32>, vector<2048x128xf32> -> vector<2048x128xf32>
    %add3A_33 = arith.addf %dot_general3A_22, %dot_general3A_32 : vector<2048x128xf32>
    %get3A_34 = arith.constant 0 : index
    %get3A_35 = arith.constant 0 : index
    %get3A_36 = vector.load %arg3[%get3A_34, %get3A_35] : memref<2048x128xf32, #tpu.memory_space<vmem>>, vector<2048x128xf32>
    %get3A_37 = arith.constant 0 : index
    %get3A_38 = arith.constant 0 : index
    %get3A_39 = vector.load %arg5[%get3A_37, %get3A_38] : memref<128x128xf32, #tpu.memory_space<vmem>>, vector<128x128xf32>
    %dot_general3A_40 = arith.constant dense<0.000000e+00> : vector<2048x128xf32>
    %dot_general3A_41 = tpu.matmul %get3A_36, %get3A_39, %dot_general3A_40 {dimension_numbers = #tpu.dot_dimension_numbers<[1], [1], [0], [0], [0, 0, 1, 0], [], []>, transpose_lhs_hint = false} : vector<2048x128xf32>, vector<128x128xf32>, vector<2048x128xf32> -> vector<2048x128xf32>
    %add3A_42 = arith.addf %add3A_33, %dot_general3A_41 : vector<2048x128xf32>
    %get3A_43 = arith.constant 0 : index
    %get3A_44 = arith.constant 0 : index
    %get3A_45 = vector.load %arg6[%get3A_43, %get3A_44] : memref<1x128xf32, #tpu.memory_space<vmem>>, vector<1x128xf32>
    %get3A_46 = vector.shape_cast %get3A_45 : vector<1x128xf32> to vector<128xf32>
    %broadcast_in_dim3A_47 = vector.shape_cast %get3A_46 : vector<128xf32> to vector<1x128xf32>
    %add3A_48 = vector.broadcast %broadcast_in_dim3A_47 : vector<1x128xf32> to vector<2048x128xf32>
    %add3A_49 = arith.addf %add3A_42, %add3A_48 : vector<2048x128xf32>
    %swap3A = arith.constant 0 : index
    %swap3A_50 = arith.constant 0 : index
    %swap3A_51 = vector.load %arg7[%swap3A, %swap3A_50] : memref<2048x128xf32, #tpu.memory_space<vmem>>, vector<2048x128xf32>
    tpu.vector_store %arg7[%swap3A, %swap3A_50], %add3A_49 {strides = array<i32>} : memref<2048x128xf32, #tpu.memory_space<vmem>>, vector<2048x128xf32>,
    %mul3A_52 = arith.constant 2048 : i32
    %mul3A_53 = arith.muli %arg0, %mul3A_52 : i32
    %iota3A = tpu.iota {dimensions = array<i32: 0>} : vector<2048x1xi32>
    %add3A_54 = vector.broadcast %mul3A_53 : i32 to vector<2048x1xi32>
    %add3A_55 = arith.addi %add3A_54, %iota3A : vector<2048x1xi32>
    %lt3A = arith.constant 10000 : i32
    %lt3A_56 = vector.broadcast %lt3A : i32 to vector<2048x1xi32>
    %lt3A_57 = arith.cmpi slt, %add3A_55, %lt3A_56 : vector<2048x1xi32>
    %jit3A = arith.constant 0.000000e+00 : f32
    %broadcast_in_dim3A_58 = vector.shape_cast %lt3A_57 : vector<2048x1xi1> to vector<2048x1xi1>
    %broadcast_in_dim3A_59 = vector.broadcast %broadcast_in_dim3A_58 : vector<2048x1xi1> to vector<2048x128xi1>
    %broadcast_in_dim3A_60 = vector.broadcast %jit3A : f32 to vector<2048x128xf32>
    %select_n3A = arith.select %broadcast_in_dim3A_59, %add3A_49, %broadcast_in_dim3A_60 : vector<2048x128xi1>, vector<2048x128xf32>
    %eq3A = arith.constant 0 : i32
    %eq3A_61 = arith.cmpi eq, %arg0, %eq3A : i32
    %convert_element_type3A = arith.extui %eq3A_61 : i1 to i32
    %cond3A = arith.constant 0 : i32
    %cond3A_62 = arith.cmpi ne, %convert_element_type3A, %cond3A : i32
    scf.if %cond3A_62 {
      %broadcast_in_dim3A_92 = arith.constant 0.000000e+00 : f32
      %broadcast_in_dim3A_93 = vector.broadcast %broadcast_in_dim3A_92 : f32 to vector<8x128xf32>
      %swap3A_94 = arith.constant 0 : index
      %swap3A_95 = arith.constant 0 : index
      %swap3A_96 = vector.load %arg9[%swap3A_94, %swap3A_95] : memref<8x128xf32, #tpu.memory_space<vmem>>, vector<8x128xf32>
      tpu.vector_store %arg9[%swap3A_94, %swap3A_95], %broadcast_in_dim3A_93 {strides = array<i32>} : memref<8x128xf32, #tpu.memory_space<vmem>>, vector<8x128xf32>,
    } else {
    }
    %get3A_63 = arith.constant 0 : index
    %get3A_64 = arith.constant 0 : index
    %get3A_65 = vector.load %arg9[%get3A_63, %get3A_64] : memref<8x128xf32, #tpu.memory_space<vmem>>, vector<1x128xf32>
    %get3A_66 = vector.shape_cast %get3A_65 : vector<1x128xf32> to vector<128xf32>
    %reduce_sum3A = arith.constant dense<0.000000e+00> : vector<128xf32>
    %reduce_sum3A_67 = vector.multi_reduction <add>, %select_n3A, %reduce_sum3A [0] : vector<2048x128xf32> to vector<128xf32>
    %add3A_68 = arith.addf %get3A_66, %reduce_sum3A_67 : vector<128xf32>
    %swap3A_69 = arith.constant 0 : index
    %swap3A_70 = arith.constant 0 : index
    %swap3A_71 = vector.load %arg9[%swap3A_69, %swap3A_70] : memref<8x128xf32, #tpu.memory_space<vmem>>, vector<1x128xf32>
    %swap3A_72 = vector.shape_cast %swap3A_71 : vector<1x128xf32> to vector<128xf32>
    %swap3A_73 = vector.shape_cast %add3A_68 : vector<128xf32> to vector<1x128xf32>
    tpu.vector_store %arg9[%swap3A_69, %swap3A_70], %swap3A_73 {strides = array<i32>} : memref<8x128xf32, #tpu.memory_space<vmem>>, vector<1x128xf32>,
    %get3A_74 = arith.constant 1 : index
    %get3A_75 = arith.constant 0 : index
    %get3A_76 = vector.load %arg9[%get3A_74, %get3A_75] : memref<8x128xf32, #tpu.memory_space<vmem>>, vector<1x128xf32>
    %get3A_77 = vector.shape_cast %get3A_76 : vector<1x128xf32> to vector<128xf32>
    %mul3A_78 = arith.mulf %select_n3A, %select_n3A : vector<2048x128xf32>
    %reduce_sum3A_79 = arith.constant dense<0.000000e+00> : vector<128xf32>
    %reduce_sum3A_80 = vector.multi_reduction <add>, %mul3A_78, %reduce_sum3A_79 [0] : vector<2048x128xf32> to vector<128xf32>
    %add3A_81 = arith.addf %get3A_77, %reduce_sum3A_80 : vector<128xf32>
    %swap3A_82 = arith.constant 1 : index
    %swap3A_83 = arith.constant 0 : index
    %swap3A_84 = vector.load %arg9[%swap3A_82, %swap3A_83] : memref<8x128xf32, #tpu.memory_space<vmem>>, vector<1x128xf32>
    %swap3A_85 = vector.shape_cast %swap3A_84 : vector<1x128xf32> to vector<128xf32>
    %swap3A_86 = vector.shape_cast %add3A_81 : vector<128xf32> to vector<1x128xf32>
    tpu.vector_store %arg9[%swap3A_82, %swap3A_83], %swap3A_86 {strides = array<i32>} : memref<8x128xf32, #tpu.memory_space<vmem>>, vector<1x128xf32>,
    %eq3A_87 = arith.constant 4 : i32
    %eq3A_88 = arith.cmpi eq, %arg0, %eq3A_87 : i32
    %convert_element_type3A_89 = arith.extui %eq3A_88 : i1 to i32
    %cond3A_90 = arith.constant 0 : i32
    %cond3A_91 = arith.cmpi ne, %convert_element_type3A_89, %cond3A_90 : i32
    scf.if %cond3A_91 {
      %get3A_92 = arith.constant 0 : index
      %get3A_93 = arith.constant 0 : index
      %get3A_94 = vector.load %arg9[%get3A_92, %get3A_93] : memref<8x128xf32, #tpu.memory_space<vmem>>, vector<8x128xf32>
      %swap3A_95 = arith.constant 0 : index
      %swap3A_96 = arith.constant 0 : index
      %swap3A_97 = vector.load %arg8[%swap3A_95, %swap3A_96] : memref<8x128xf32, #tpu.memory_space<vmem>>, vector<8x128xf32>
      tpu.vector_store %arg8[%swap3A_95, %swap3A_96], %get3A_94 {strides = array<i32>} : memref<8x128xf32, #tpu.memory_space<vmem>>, vector<8x128xf32>,
    } else {
    }
    return
  }
  func.func @transform_0(%arg0: i32) -> (i32, i32, i32) {
    %c0_i32 = arith.constant 0 : i32
    %c0_i32_0 = arith.constant 0 : i32
    %c0_i32_1 = arith.constant 0 : i32
    return %c0_i32, %arg0, %c0_i32_0 : i32, i32, i32
  }
  func.func @transform_1(%arg0: i32) -> (i32, i32, i32) {
    %c0_i32 = arith.constant 0 : i32
    %c0_i32_0 = arith.constant 0 : i32
    %c0_i32_1 = arith.constant 0 : i32
    return %c0_i32, %arg0, %c0_i32_0 : i32, i32, i32
  }
  func.func @transform_2(%arg0: i32) -> (i32, i32) {
    %c0_i32 = arith.constant 0 : i32
    %c0_i32_0 = arith.constant 0 : i32
    return %arg0, %c0_i32 : i32, i32
  }
  func.func @transform_3(%arg0: i32) -> (i32, i32) {
    %c0_i32 = arith.constant 0 : i32
    %c0_i32_0 = arith.constant 0 : i32
    %c0_i32_1 = arith.constant 0 : i32
    return %c0_i32, %c0_i32_0 : i32, i32
  }
  func.func @transform_4(%arg0: i32) -> (i32, i32) {
    %c0_i32 = arith.constant 0 : i32
    %c0_i32_0 = arith.constant 0 : i32
    %c0_i32_1 = arith.constant 0 : i32
    return %c0_i32, %c0_i32_0 : i32, i32
  }
  func.func @transform_5(%arg0: i32) -> (i32, i32) {
    %c0_i32 = arith.constant 0 : i32
    %c0_i32_0 = arith.constant 0 : i32
    %c0_i32_1 = arith.constant 0 : i32
    return %c0_i32, %c0_i32_0 : i32, i32
  }
  func.func @transform_6(%arg0: i32) -> (i32, i32) {
    %c0_i32 = arith.constant 0 : i32
    %c0_i32_0 = arith.constant 0 : i32
    return %arg0, %c0_i32 : i32, i32
  }
  func.func @transform_7(%arg0: i32) -> (i32, i32) {
    %c0_i32 = arith.constant 0 : i32
    %c0_i32_0 = arith.constant 0 : i32
    %c0_i32_1 = arith.constant 0 : i32
    return %c0_i32, %c0_i32_0 : i32, i32
  }
}

module attributes {stable_mosaic.version = 14 : i64} {
  func.func @_k2_body(%arg0: i32, %arg1: memref<2048x128xf32, #tpu.memory_space<vmem>>, %arg2: memref<8x128xf32, #tpu.memory_space<vmem>>, %arg3: memref<1x128xf32, #tpu.memory_space<vmem>>, %arg4: memref<1x128xf32, #tpu.memory_space<vmem>>, %arg5: memref<128x128xf32, #tpu.memory_space<vmem>>, %arg6: memref<2048x128xf32, #tpu.memory_space<vmem>>, %arg7: memref<2048x128xf32, #tpu.memory_space<vmem>>) attributes {dimension_semantics = [#tpu.dimension_semantics<arbitrary>], iteration_bounds = array<i64: 5>, scalar_prefetch = 0 : i64, scratch_operands = 0 : i64, tpu.core_type = #tpu.core_type<tc>, window_params = [{transform_indices = @transform_0, window_bounds = array<i64: 2048, 128>}, {pipeline_mode = #tpu.pipeline_mode<synchronous>, transform_indices = @transform_1, window_bounds = array<i64: 8, 128>}, {pipeline_mode = #tpu.pipeline_mode<synchronous>, transform_indices = @transform_2, window_bounds = array<i64: 1, 128>}, {pipeline_mode = #tpu.pipeline_mode<synchronous>, transform_indices = @transform_3, window_bounds = array<i64: 1, 128>}, {pipeline_mode = #tpu.pipeline_mode<synchronous>, transform_indices = @transform_4, window_bounds = array<i64: 128, 128>}, {transform_indices = @transform_5, window_bounds = array<i64: 2048, 128>}, {transform_indices = @transform_6, window_bounds = array<i64: 2048, 128>}]} {
    %get3A = arith.constant 0 : index
    %get3A_0 = arith.constant 0 : index
    %get3A_1 = vector.load %arg2[%get3A, %get3A_0] : memref<8x128xf32, #tpu.memory_space<vmem>>, vector<1x128xf32>
    %get3A_2 = vector.shape_cast %get3A_1 : vector<1x128xf32> to vector<128xf32>
    %div3A = arith.constant 1.000000e+04 : f32
    %div3A_3 = vector.broadcast %div3A : f32 to vector<128xf32>
    %div3A_4 = arith.divf %get3A_2, %div3A_3 : vector<128xf32>
    %get3A_5 = arith.constant 1 : index
    %get3A_6 = arith.constant 0 : index
    %get3A_7 = vector.load %arg2[%get3A_5, %get3A_6] : memref<8x128xf32, #tpu.memory_space<vmem>>, vector<1x128xf32>
    %get3A_8 = vector.shape_cast %get3A_7 : vector<1x128xf32> to vector<128xf32>
    %div3A_9 = arith.constant 1.000000e+04 : f32
    %div3A_10 = vector.broadcast %div3A_9 : f32 to vector<128xf32>
    %div3A_11 = arith.divf %get3A_8, %div3A_10 : vector<128xf32>
    %mul3A = arith.mulf %div3A_4, %div3A_4 : vector<128xf32>
    %sub3A = arith.subf %div3A_11, %mul3A : vector<128xf32>
    %add3A = arith.constant 9.99999974E-6 : f32
    %add3A_12 = vector.broadcast %add3A : f32 to vector<128xf32>
    %add3A_13 = arith.addf %sub3A, %add3A_12 : vector<128xf32>
    %rsqrt3A = math.rsqrt %add3A_13 : vector<128xf32>
    %get3A_14 = arith.constant 0 : index
    %get3A_15 = arith.constant 0 : index
    %get3A_16 = vector.load %arg1[%get3A_14, %get3A_15] : memref<2048x128xf32, #tpu.memory_space<vmem>>, vector<2048x128xf32>
    %broadcast_in_dim3A = vector.shape_cast %div3A_4 : vector<128xf32> to vector<1x128xf32>
    %sub3A_17 = vector.broadcast %broadcast_in_dim3A : vector<1x128xf32> to vector<2048x128xf32>
    %sub3A_18 = arith.subf %get3A_16, %sub3A_17 : vector<2048x128xf32>
    %broadcast_in_dim3A_19 = vector.shape_cast %rsqrt3A : vector<128xf32> to vector<1x128xf32>
    %mul3A_20 = vector.broadcast %broadcast_in_dim3A_19 : vector<1x128xf32> to vector<2048x128xf32>
    %mul3A_21 = arith.mulf %sub3A_18, %mul3A_20 : vector<2048x128xf32>
    %get3A_22 = arith.constant 0 : index
    %get3A_23 = arith.constant 0 : index
    %get3A_24 = vector.load %arg3[%get3A_22, %get3A_23] : memref<1x128xf32, #tpu.memory_space<vmem>>, vector<1x128xf32>
    %get3A_25 = vector.shape_cast %get3A_24 : vector<1x128xf32> to vector<128xf32>
    %broadcast_in_dim3A_26 = vector.shape_cast %get3A_25 : vector<128xf32> to vector<1x128xf32>
    %mul3A_27 = vector.broadcast %broadcast_in_dim3A_26 : vector<1x128xf32> to vector<2048x128xf32>
    %mul3A_28 = arith.mulf %mul3A_21, %mul3A_27 : vector<2048x128xf32>
    %get3A_29 = arith.constant 0 : index
    %get3A_30 = arith.constant 0 : index
    %get3A_31 = vector.load %arg4[%get3A_29, %get3A_30] : memref<1x128xf32, #tpu.memory_space<vmem>>, vector<1x128xf32>
    %get3A_32 = vector.shape_cast %get3A_31 : vector<1x128xf32> to vector<128xf32>
    %broadcast_in_dim3A_33 = vector.shape_cast %get3A_32 : vector<128xf32> to vector<1x128xf32>
    %add3A_34 = vector.broadcast %broadcast_in_dim3A_33 : vector<1x128xf32> to vector<2048x128xf32>
    %add3A_35 = arith.addf %mul3A_28, %add3A_34 : vector<2048x128xf32>
    %max3A = arith.constant 0.000000e+00 : f32
    %max3A_36 = vector.broadcast %max3A : f32 to vector<2048x128xf32>
    %max3A_37 = arith.maximumf %add3A_35, %max3A_36 : vector<2048x128xf32>
    %swap3A = arith.constant 0 : index
    %swap3A_38 = arith.constant 0 : index
    %swap3A_39 = vector.load %arg6[%swap3A, %swap3A_38] : memref<2048x128xf32, #tpu.memory_space<vmem>>, vector<2048x128xf32>
    tpu.vector_store %arg6[%swap3A, %swap3A_38], %max3A_37 {strides = array<i32>} : memref<2048x128xf32, #tpu.memory_space<vmem>>, vector<2048x128xf32>,
    %get3A_40 = arith.constant 0 : index
    %get3A_41 = arith.constant 0 : index
    %get3A_42 = vector.load %arg5[%get3A_40, %get3A_41] : memref<128x128xf32, #tpu.memory_space<vmem>>, vector<128x128xf32>
    %dot_general3A = arith.constant dense<0.000000e+00> : vector<2048x128xf32>
    %dot_general3A_43 = tpu.matmul %max3A_37, %get3A_42, %dot_general3A {dimension_numbers = #tpu.dot_dimension_numbers<[1], [1], [0], [0], [0, 0, 1, 0], [], []>, transpose_lhs_hint = false} : vector<2048x128xf32>, vector<128x128xf32>, vector<2048x128xf32> -> vector<2048x128xf32>
    %swap3A_44 = arith.constant 0 : index
    %swap3A_45 = arith.constant 0 : index
    %swap3A_46 = vector.load %arg7[%swap3A_44, %swap3A_45] : memref<2048x128xf32, #tpu.memory_space<vmem>>, vector<2048x128xf32>
    tpu.vector_store %arg7[%swap3A_44, %swap3A_45], %dot_general3A_43 {strides = array<i32>} : memref<2048x128xf32, #tpu.memory_space<vmem>>, vector<2048x128xf32>,
    return
  }
  func.func @transform_0(%arg0: i32) -> (i32, i32) {
    %c0_i32 = arith.constant 0 : i32
    %c0_i32_0 = arith.constant 0 : i32
    return %arg0, %c0_i32 : i32, i32
  }
  func.func @transform_1(%arg0: i32) -> (i32, i32) {
    %c0_i32 = arith.constant 0 : i32
    %c0_i32_0 = arith.constant 0 : i32
    %c0_i32_1 = arith.constant 0 : i32
    return %c0_i32, %c0_i32_0 : i32, i32
  }
  func.func @transform_2(%arg0: i32) -> (i32, i32) {
    %c0_i32 = arith.constant 0 : i32
    %c0_i32_0 = arith.constant 0 : i32
    %c0_i32_1 = arith.constant 0 : i32
    return %c0_i32, %c0_i32_0 : i32, i32
  }
  func.func @transform_3(%arg0: i32) -> (i32, i32) {
    %c0_i32 = arith.constant 0 : i32
    %c0_i32_0 = arith.constant 0 : i32
    %c0_i32_1 = arith.constant 0 : i32
    return %c0_i32, %c0_i32_0 : i32, i32
  }
  func.func @transform_4(%arg0: i32) -> (i32, i32) {
    %c0_i32 = arith.constant 0 : i32
    %c0_i32_0 = arith.constant 0 : i32
    %c0_i32_1 = arith.constant 0 : i32
    return %c0_i32, %c0_i32_0 : i32, i32
  }
  func.func @transform_5(%arg0: i32) -> (i32, i32) {
    %c0_i32 = arith.constant 0 : i32
    %c0_i32_0 = arith.constant 0 : i32
    return %arg0, %c0_i32 : i32, i32
  }
  func.func @transform_6(%arg0: i32) -> (i32, i32) {
    %c0_i32 = arith.constant 0 : i32
    %c0_i32_0 = arith.constant 0 : i32
    return %arg0, %c0_i32 : i32, i32
  }
}

module attributes {stable_mosaic.version = 14 : i64} {
  func.func @_k3_body(%arg0: i32, %arg1: memref<2x2048x64xf32, #tpu.memory_space<vmem>>, %arg2: memref<2x2048x16xf32, #tpu.memory_space<vmem>>, %arg3: memref<2048x128xf32, #tpu.memory_space<vmem>>, %arg4: memref<128x128xf32, #tpu.memory_space<vmem>>, %arg5: memref<1x128xf32, #tpu.memory_space<vmem>>, %arg6: memref<2048x128xf32, #tpu.memory_space<vmem>>) attributes {dimension_semantics = [#tpu.dimension_semantics<arbitrary>], iteration_bounds = array<i64: 5>, scalar_prefetch = 0 : i64, scratch_operands = 0 : i64, tpu.core_type = #tpu.core_type<tc>, window_params = [{transform_indices = @transform_0, window_bounds = array<i64: 2, 2048, 64>}, {transform_indices = @transform_1, window_bounds = array<i64: 2, 2048, 16>}, {transform_indices = @transform_2, window_bounds = array<i64: 2048, 128>}, {pipeline_mode = #tpu.pipeline_mode<synchronous>, transform_indices = @transform_3, window_bounds = array<i64: 128, 128>}, {pipeline_mode = #tpu.pipeline_mode<synchronous>, transform_indices = @transform_4, window_bounds = array<i64: 1, 128>}, {transform_indices = @transform_5, window_bounds = array<i64: 2048, 128>}]} {
    %get3A = arith.constant 0 : index
    %get3A_0 = arith.constant 0 : index
    %get3A_1 = vector.load %arg4[%get3A, %get3A_0] : memref<128x128xf32, #tpu.memory_space<vmem>>, vector<128x128xf32>
    %get3A_2 = arith.constant 0 : index
    %get3A_3 = arith.constant 0 : index
    %get3A_4 = arith.constant 0 : index
    %get3A_5 = vector.load %arg2[%get3A_2, %get3A_3, %get3A_4] : memref<2x2048x16xf32, #tpu.memory_space<vmem>>, vector<1x2048x1xf32>
    %get3A_6 = vector.shape_cast %get3A_5 : vector<1x2048x1xf32> to vector<2048xf32>
    %get3A_7 = arith.constant 1 : index
    %get3A_8 = arith.constant 0 : index
    %get3A_9 = arith.constant 0 : index
    %get3A_10 = vector.load %arg2[%get3A_7, %get3A_8, %get3A_9] : memref<2x2048x16xf32, #tpu.memory_space<vmem>>, vector<1x2048x1xf32>
    %get3A_11 = vector.shape_cast %get3A_10 : vector<1x2048x1xf32> to vector<2048xf32>
    %add3A = arith.addf %get3A_6, %get3A_11 : vector<2048xf32>
    %max3A = arith.constant 1.000000e+00 : f32
    %max3A_12 = vector.broadcast %max3A : f32 to vector<2048xf32>
    %max3A_13 = arith.maximumf %add3A, %max3A_12 : vector<2048xf32>
    %broadcast_in_dim3A = vector.shape_cast %max3A_13 : vector<2048xf32> to vector<2048x1xf32>
    %div3A = arith.constant 1.000000e+00 : f32
    %div3A_14 = vector.broadcast %div3A : f32 to vector<2048x1xf32>
    %div3A_15 = arith.divf %div3A_14, %broadcast_in_dim3A : vector<2048x1xf32>
    %get3A_16 = arith.constant 0 : index
    %get3A_17 = arith.constant 0 : index
    %get3A_18 = arith.constant 0 : index
    %get3A_19 = vector.load %arg1[%get3A_16, %get3A_17, %get3A_18] : memref<2x2048x64xf32, #tpu.memory_space<vmem>>, vector<1x2048x64xf32>
    %get3A_20 = vector.shape_cast %get3A_19 : vector<1x2048x64xf32> to vector<2048x64xf32>
    %mul3A = vector.broadcast %div3A_15 : vector<2048x1xf32> to vector<2048x64xf32>
    %mul3A_21 = arith.mulf %get3A_20, %mul3A : vector<2048x64xf32>
    %slice3A = vector.extract_strided_slice %get3A_1 {offsets = [0, 0], sizes = [128, 64], strides = [1, 1]} : vector<128x128xf32> to vector<128x64xf32>
    %dot_general3A = arith.constant dense<0.000000e+00> : vector<2048x128xf32>
    %dot_general3A_22 = tpu.matmul %mul3A_21, %slice3A, %dot_general3A {dimension_numbers = #tpu.dot_dimension_numbers<[1], [1], [0], [0], [0, 0, 1, 0], [], []>, transpose_lhs_hint = false} : vector<2048x64xf32>, vector<128x64xf32>, vector<2048x128xf32> -> vector<2048x128xf32>
    %get3A_23 = arith.constant 1 : index
    %get3A_24 = arith.constant 0 : index
    %get3A_25 = arith.constant 0 : index
    %get3A_26 = vector.load %arg1[%get3A_23, %get3A_24, %get3A_25] : memref<2x2048x64xf32, #tpu.memory_space<vmem>>, vector<1x2048x64xf32>
    %get3A_27 = vector.shape_cast %get3A_26 : vector<1x2048x64xf32> to vector<2048x64xf32>
    %mul3A_28 = vector.broadcast %div3A_15 : vector<2048x1xf32> to vector<2048x64xf32>
    %mul3A_29 = arith.mulf %get3A_27, %mul3A_28 : vector<2048x64xf32>
    %slice3A_30 = vector.extract_strided_slice %get3A_1 {offsets = [0, 64], sizes = [128, 64], strides = [1, 1]} : vector<128x128xf32> to vector<128x64xf32>
    %dot_general3A_31 = arith.constant dense<0.000000e+00> : vector<2048x128xf32>
    %dot_general3A_32 = tpu.matmul %mul3A_29, %slice3A_30, %dot_general3A_31 {dimension_numbers = #tpu.dot_dimension_numbers<[1], [1], [0], [0], [0, 0, 1, 0], [], []>, transpose_lhs_hint = false} : vector<2048x64xf32>, vector<128x64xf32>, vector<2048x128xf32> -> vector<2048x128xf32>
    %add3A_33 = arith.addf %dot_general3A_22, %dot_general3A_32 : vector<2048x128xf32>
    %get3A_34 = arith.constant 0 : index
    %get3A_35 = arith.constant 0 : index
    %get3A_36 = vector.load %arg3[%get3A_34, %get3A_35] : memref<2048x128xf32, #tpu.memory_space<vmem>>, vector<2048x128xf32>
    %add3A_37 = arith.addf %add3A_33, %get3A_36 : vector<2048x128xf32>
    %get3A_38 = arith.constant 0 : index
    %get3A_39 = arith.constant 0 : index
    %get3A_40 = vector.load %arg5[%get3A_38, %get3A_39] : memref<1x128xf32, #tpu.memory_space<vmem>>, vector<1x128xf32>
    %get3A_41 = vector.shape_cast %get3A_40 : vector<1x128xf32> to vector<128xf32>
    %broadcast_in_dim3A_42 = vector.shape_cast %get3A_41 : vector<128xf32> to vector<1x128xf32>
    %add3A_43 = vector.broadcast %broadcast_in_dim3A_42 : vector<1x128xf32> to vector<2048x128xf32>
    %add3A_44 = arith.addf %add3A_37, %add3A_43 : vector<2048x128xf32>
    %swap3A = arith.constant 0 : index
    %swap3A_45 = arith.constant 0 : index
    %swap3A_46 = vector.load %arg6[%swap3A, %swap3A_45] : memref<2048x128xf32, #tpu.memory_space<vmem>>, vector<2048x128xf32>
    tpu.vector_store %arg6[%swap3A, %swap3A_45], %add3A_44 {strides = array<i32>} : memref<2048x128xf32, #tpu.memory_space<vmem>>, vector<2048x128xf32>,
    return
  }
  func.func @transform_0(%arg0: i32) -> (i32, i32, i32) {
    %c0_i32 = arith.constant 0 : i32
    %c0_i32_0 = arith.constant 0 : i32
    %c0_i32_1 = arith.constant 0 : i32
    return %c0_i32, %arg0, %c0_i32_0 : i32, i32, i32
  }
  func.func @transform_1(%arg0: i32) -> (i32, i32, i32) {
    %c0_i32 = arith.constant 0 : i32
    %c0_i32_0 = arith.constant 0 : i32
    %c0_i32_1 = arith.constant 0 : i32
    return %c0_i32, %arg0, %c0_i32_0 : i32, i32, i32
  }
  func.func @transform_2(%arg0: i32) -> (i32, i32) {
    %c0_i32 = arith.constant 0 : i32
    %c0_i32_0 = arith.constant 0 : i32
    return %arg0, %c0_i32 : i32, i32
  }
  func.func @transform_3(%arg0: i32) -> (i32, i32) {
    %c0_i32 = arith.constant 0 : i32
    %c0_i32_0 = arith.constant 0 : i32
    %c0_i32_1 = arith.constant 0 : i32
    return %c0_i32, %c0_i32_0 : i32, i32
  }
  func.func @transform_4(%arg0: i32) -> (i32, i32) {
    %c0_i32 = arith.constant 0 : i32
    %c0_i32_0 = arith.constant 0 : i32
    %c0_i32_1 = arith.constant 0 : i32
    return %c0_i32, %c0_i32_0 : i32, i32
  }
  func.func @transform_5(%arg0: i32) -> (i32, i32) {
    %c0_i32 = arith.constant 0 : i32
    %c0_i32_0 = arith.constant 0 : i32
    return %arg0, %c0_i32 : i32, i32
  }
}

</mosaic_0001>

<sc_bundles>
// kernel: kernel.10.cloned.1.call-start
scs
__scs_entry_jumppad:
0x0: {  	(pc) =	sbr.rel $0x88, $3  }
0x1: {  	(tag) =	ssettag $0x0;
	lr =	simm.s32 $0x1  }
0x2: {  	[smem:$0x3F97] =	sst lr;
	_ =	strace $0xD0000000  }
0x3: {  	_ = 	snop  }
0x4: {  	_ = 	snop  }
0x5: {  	_ = 	snop  }
0x6: {  	_ = 	snop  }
0x7: {  	_ = 	snop  }
__scs_overlays_trampoline_lowered:
0x8: {  	[smem:$0x3FA6] =	sst s0  }
0x9: {  	[smem:$0x3FA7] =	sst s1  }
0xa: {  	[smem:$0x3FA8] =	sst s2  }
0xb: {  	[smem:$0x3FA9] =	sst s3  }
0xc: {  	[smem:$0x3FAA] =	sst s4  }
0xd: {  	[smem:$0x3FAB] =	sst s5  }
0xe: {  	[smem:$0x3FAC] =	sst s6  }
0xf: {  	[smem:$0x3FAD] =	sst s7  }
0x10: {  	[smem:$0x3FAE] =	sst s8  }
0x11: {  	[smem:$0x3FAF] =	sst s9;
	s0 =	simm.s32 @!p0 $0x0  }
0x12: {  	s1 =	sld [smem:$0x3F95];
	s0 =	simm.s32 @p0 $0x1  }
0x13: {  	[smem:$0x3FB0] =	sst s0;
	s0 =	simm.s32 @!p1 $0x0  }
0x14: {  	s2 =	sld [smem:$0x3F94];
	s0 =	simm.s32 @p1 $0x1  }
0x15: {  	[smem:$0x3FB1] =	sst s0;
	s0 =	simm.s32 @!p2 $0x0  }
0x16: {  	s3 =	sld [smem:$0x3FDB];
	s0 =	simm.s32 @p2 $0x1  }
0x17: {  	s4 =	simm.s32 $0x1BF5;
	[smem:$0x3FB3] =	sst s0  }
0x18: {  	s0 =	sld [smem:$0x3F96];
	_ =	swait.ge [sflag:s4], $0x0  }
0x19: {  	s7 =	sld [smem:$0x3F97]  }
0x1a: {  	s8 =	sadd.s32 $0xFFFFE003, lr  }
0x1b: {  	s9 =	sadd.s32 $0xFFFFFEF7, lr;
	s5 =	simm.s32 $0xFFFFFFFF;
	p2 =	slt.u32 s8, $0xFFFFF086  }
0x1c: {  	p1 =	slt.u32 s9, $0xF7A;
	s5 =	simm.s32 @!p2 $0x0  }
0x1d: {  	s5 =	simm.s32 @p1 $0x1;
	p0 =	seq.s32 s7, s2  }
0x1e: {  	s7 =	smul.u32 @!p0 $0xF7A, s2;
	p2 =	seq.s32 @!p0 s5, $0x0  }
0x1f: {  	s9 =	smul.u32 $0xF7A, s1;
	s8 =	simm.s32 @!p0 $0x1BF5;
	p2 =	por !p2, p0  }
0x20: {  	[sflag:s8] =	ssyncset.s32 @!p0 $0xFFFFF086;
	s6 =	sadd.s32 @!p0 s3, s7;
	s7 =	simm.s32 @!p0 $0x108  }
0x21: {  	s3 =	sadd.s32 s3, s9;
	s6 =	sadd.s32 @!p0 $0x88, s6;
	s7 =	simm.s32 @p2 $0x1082  }
0x22: {  	[simem:s7], [sflag:s8] =	dma.local @!p0 [hbm:s6], $0xF7A  }
0x23: {  	s9 =	sor.u32 $0xD0000000, s2;
	s6 =	simm.s32 $0x108;
	_ =	swait.ge @!p0 [sflag:s8], $0x0  }
0x24: {  	s3 =	sadd.s32 $0x88, s3;
	s6 =	simm.s32 @!p1 $0x1082;
	[sflag:s4] =	ssyncset.s32 $0xFFFFF086  }
0x25: {  	[simem:s6], [sflag:s4] =	dma.local [hbm:s3], $0xF7A  }
0x26: {  	[smem:$0x3F97] =	sst s1;
	(tag) =	ssettag s2;
	_ =	strace s9  }
0x27: {  	s1 =	sld [smem:$0x3FA7]  }
0x28: {  	s2 =	sld [smem:$0x3FA8]  }
0x29: {  	s4 =	sld [smem:$0x3FAA]  }
0x2a: {  	p0 =	seq.s32 s5, $0x0;
	s5 =	sld [smem:$0x3FAB]  }
0x2b: {  	s6 =	sld [smem:$0x3FAC]  }
0x2c: {  	s7 =	sld [smem:$0x3FAD]  }
0x2d: {  	s3 =	simm.s32 $0x108;
	s8 =	sld [smem:$0x3FAE]  }
0x2e: {  	s3 =	simm.s32 @!p0 $0x1082;
	s9 =	sld [smem:$0x3FAF]  }
0x2f: {  	lr =	sadd.s32 s0, s3;
	s0 =	sld [smem:$0x3FA6]  }
0x30: {  	s3 =	sld [smem:$0x3FA9]  }
0x31: {  	[smem:$0x3FB2] =	sst s10  }
0x32: {  	s10 =	sld [smem:$0x3FB0];
	_ =	sdelay $0x3  }
0x33: {  	p0 =	seq.s32 s10, $0x1;
	s10 =	sld [smem:$0x3FB2];
	_ =	sdelay $0x3  }
0x34: {  	[smem:$0x3FB2] =	sst s10  }
0x35: {  	s10 =	sld [smem:$0x3FB1];
	_ =	sdelay $0x3  }
0x36: {  	p1 =	seq.s32 s10, $0x1;
	s10 =	sld [smem:$0x3FB2];
	_ =	sdelay $0x3  }
0x37: {  	[smem:$0x3FB2] =	sst s10  }
0x38: {  	s10 =	sld [smem:$0x3FB3]  }
0x39: {  	_ = 	snop;
	(pc) =	sbr.ind lr, $3  }
0x3a: {  	_ = 	snop  }
0x3b: {  	_ = 	snop  }
0x3c: {  	p2 =	seq.s32 s10, $0x1;
	s10 =	sld [smem:$0x3FB2]  }
0x3d: {  	_ =	shalt  }
0x3e: {  	_ =	shalt  }
0x3f: {  	_ =	shalt  }
0x40: {  	_ =	shalt  }
0x41: {  	_ =	shalt  }
0x42: {  	_ =	shalt  }
0x43: {  	_ =	shalt  }
0x44: {  	_ =	shalt  }
0x45: {  	_ =	shalt  }
0x46: {  	_ =	shalt  }
0x47: {  	_ =	shalt  }
0x48: {  	_ =	shalt  }
0x49: {  	_ =	shalt  }
0x4a: {  	_ =	shalt  }
0x4b: {  	_ =	shalt  }
0x4c: {  	_ =	shalt  }
0x4d: {  	_ =	shalt  }
0x4e: {  	_ =	shalt  }
0x4f: {  	_ =	shalt  }
0x50: {  	_ =	shalt  }
0x51: {  	_ =	shalt  }
0x52: {  	_ =	shalt  }
0x53: {  	_ =	shalt  }
0x54: {  	_ =	shalt  }
0x55: {  	_ =	shalt  }
0x56: {  	_ =	shalt  }
0x57: {  	_ =	shalt  }
0x58: {  	_ =	shalt  }
0x59: {  	_ =	shalt  }
0x5a: {  	_ =	shalt  }
0x5b: {  	_ =	shalt  }
0x5c: {  	_ =	shalt  }
0x5d: {  	_ =	shalt  }
0x5e: {  	_ =	shalt  }
0x5f: {  	_ =	shalt  }
0x60: {  	_ =	shalt  }
0x61: {  	_ =	shalt  }
0x62: {  	_ =	shalt  }
0x63: {  	_ =	shalt  }
0x64: {  	_ =	shalt  }
0x65: {  	_ =	shalt  }
0x66: {  	_ =	shalt  }
0x67: {  	_ =	shalt  }
0x68: {  	_ =	shalt  }
0x69: {  	_ =	shalt  }
0x6a: {  	_ =	shalt  }
0x6b: {  	_ =	shalt  }
0x6c: {  	_ =	shalt  }
0x6d: {  	_ =	shalt  }
0x6e: {  	_ =	shalt  }
0x6f: {  	_ =	shalt  }
0x70: {  	_ =	shalt  }
0x71: {  	_ =	shalt  }
0x72: {  	_ =	shalt  }
0x73: {  	_ =	shalt  }
0x74: {  	_ =	shalt  }
0x75: {  	_ =	shalt  }
0x76: {  	_ =	shalt  }
0x77: {  	_ =	shalt  }
0x78: {  	_ =	shalt  }
0x79: {  	_ =	shalt  }
0x7a: {  	_ =	shalt  }
0x7b: {  	_ =	shalt  }
0x7c: {  	_ =	shalt  }
0x7d: {  	_ =	shalt  }
0x7e: {  	_ =	shalt  }
0x7f: {  	_ =	shalt  }
0x80: {  	_ =	shalt  }
0x81: {  	_ =	shalt  }
0x82: {  	_ =	shalt  }
0x83: {  	_ =	shalt  }
0x84: {  	_ =	shalt  }
0x85: {  	_ =	shalt  }
0x86: {  	_ =	shalt  }
0x87: {  	_ =	shalt  }
.Lfunc_end0:
.L_simem_size_0:
called_computation.1_lowered:
.L_overlay_start_0:
0x88: {  	s2 =	sld [smem:$0x3FD9]  }
0x89: {  	s3 =	sld [smem:$0x3FFE];
	_ =	sdelay $0x1  }
0x8a: {  	s1 =	srdreg.scid  }
0x8b: {  	s0 =	sand.u32 $0x1, s1  }
0x8c: {  	s17 =	sshll.u32 s0, $0xA;
	s2 =	sadd.s32 s3, s2  }
0x8d: {  	s2 =	sadd.s32 s2, s17  }
0x8e: {  	[smem:$0x3FBE] =	sst s2  }
0x8f: {  	_ = 	snop  }
0x90: {  	s2 =	sld [smem:$0x3FD0];
	(tm) =	ssettm $0x1  }
0x91: {  	s18 =	sld [smem:$0x3FFB];
	_ =	sdelay $0x3  }
0x92: {  	_ =	strace s18  }
0x93: {  	s3 =	sld [smem:$0x3FFC];
	_ =	sdelay $0x3  }
0x94: {  	_ =	strace s3  }
0x95: {  	s3 =	sld [smem:$0x3FFD];
	_ =	sdelay $0x3  }
0x96: {  	_ =	strace s3  }
0x97: {  	_ =	strace $0x8FFFFFFF  }
0x98: {  	s19 =	sld [smem:$0x3FDB];
	_ =	sdelay $0x1  }
0x99: {  	s4 =	simm.s32 $_scs_section_size  }
0x9a: {  	s5 =	simm.s32 $_size__tile_overlayer_lowered;
	s6 =	simm.s32 $_tile_overlayer_lowered  }
0x9b: {  	s22 =	simm.s32 $0x1BFF;
	s21 =	sshll.u32 s6, $0x1;
	s3 =	sadd.s32 s4, s19  }
0x9c: {  	s7 =	simm.s32 $0x0;
	s20 =	sshll.u32 s5, $0x1;
	s5 =	sadd.s32 s21, s3  }
0x9d: {  	[timem:s7], [sflag:s22] =	dma.local [hbm:s5], s20  }
0x9e: {  	_ =	swait.ge [sflag:s22], s20  }
0x9f: {  	s4 =	ssub.s32 $0x0, s20;
	[sflag:s22] =	ssyncset.done $0x0  }
0xa0: {  	[sflag:s22] =	ssyncadd.s32 s4;
	_ =	sdelay $0x1  }
0xa1: {  	s23 =	simm.s32 $0x1B8B  }
0xa2: {  	_ =	swait.ge [sflag:s23], $0x1  }
0xa3: {  	[sflag:s23] =	ssyncset.done $0x0  }
0xa4: {  	s25 =	simm.s32 $0x1B8E;
	s24 =	sld [smem:$0x3FFE];
	[sflag:s23] =	ssyncadd.s32 $0xFFFFFFFF  }
0xa5: {  	s26 =	simm.s32 $execute0_lowered;
	[smem:$0x3FD2] =	sst s25  }
0xa6: {  	s5 =	sshll.u32 s26, $0x1;
	_ =	strace $0x80000049;
	[dreg:$0x1] =	wrdreg $0xFFFFFFFF  }
0xa7: {  	s28 =	simm.s32 $_size_execute0_lowered;
	s3 =	sadd.s32 s3, s5;
	[dreg:$0x0] =	wrdreg $0x0  }
0xa8: {  	s5 =	sshll.u32 s28, $0x1;
	[dreg:$0x2] =	wrdreg s3  }
0xa9: {  	[dreg:$0x3] =	wrdreg s5  }
0xaa: {  	[dreg:$0x4] =	wrdreg $0xC0  }
0xab: {  	_ =	task [dreg:s7], $0x5FFFF  }
0xac: {  	[dreg:$0x1] =	wrdreg $0xFFFFFFFF  }
0xad: {  	[dreg:$0x0] =	wrdreg $0x60  }
0xae: {  	[dreg:$0x2] =	wrdreg s24  }
0xaf: {  	[dreg:$0x3] =	wrdreg s2  }
0xb0: {  	[dreg:$0x4] =	wrdreg $0x12A000  }
0xb1: {  	[dreg:$0x5] =	wrdreg $0x9  }
0xb2: {  	_ =	task.clear_ibuf [dreg:s7], $0x6FFFF;
	_ =	strace $0x90000049  }
0xb3: {  	s29 =	simm.s32 $0x9;
	_ =	strace $0x8000004B  }
0xb4: {  	_ =	swait.ge [sflag:s29], $0x1  }
0xb5: {  	[sflag:s29] =	ssyncadd.s32 $0xFFFFFFFF  }
0xb6: {  	_ =	strace $0x9000004B  }
0xb7: {  	_ =	sfence  }
0xb8: {  	s30 =	sld [smem:$0x0];
	_ =	sdelay $0x2  }
0xb9: {  	s31 =	sshll.u32 s1, $0xD;
	s1 =	sshrl.u32 s1, $0x2  }
0xba: {  	s3 =	sand.u32 $0x4000, s31;
	s1 =	sadd.s32 s1, s30  }
0xbb: {  	s0 =	sor.u32 s3, s0;
	s1 =	sshll.u32 s1, $0x11  }
0xbc: {  	s0 =	sor.u32 s1, s0  }
0xbd: {  	s0 =	sadd.s32 $0x8F2B, s0  }
0xbe: {  	[sflag:s0] =	ssyncadd.remote.s32 $0x1  }
0xbf: {  	_ =	sfence.sel $0xFFFF  }
0xc0: {  	[dreg:$0x0] =	wrdreg $0xFFFFFFFF;
	(pc) =	sbr.abs _section_cstart, $3  }
0xc1: {  	[dreg:$0x1] =	wrdreg $0xFFFFFFFF  }
0xc2: {  	_ =	task.clear_ibuf [dreg:s7], $0x2FFFF;
	_ =	strace $0x9FFFFFFF  }
0xc3: {  	(tm) =	ssettm $0x7FFFFFFF  }
tec
execute0_lowered:
.L_overlay_start_1:
0x0: {  	(tag) =	ssettag $0x1  }
0x1: {  	s0 =	rddreg [dreg:$0x0]  }
0x2: {  	s1 =	rddreg [dreg:$0x1]  }
0x3: {  	s2 =	rddreg [dreg:$0x2]  }
0x4: {  	s9 =	stileid.u32;
	s3 =	srdreg.scid;
	s4 =	simm.s32 $0x0  }
0x5: {  	s15 =	simm.s32 $0xA200;
	s16 =	simm.s32 $0x9;
	s17 =	simm.s32 $0x5  }
0x6: {  	s18 =	simm.s32 $0x6;
	s19 =	simm.s32 $0x80;
	s20 =	simm.s32 $0xA000  }
0x7: {  	s21 =	simm.s32 $0xA080;
	s22 =	simm.s32 $0xC200;
	s28 =	simm.s32 $0x1  }
0x8: {  	s29 =	simm.s32 $0x2;
	s30 =	simm.s32 $0x3;
	s5 =	smul.u32 $0xA000, s9  }
0x9: {  	s31 =	simm.s32 $0x4;
	s14 =	simm.s32 $0x8;
	s7 =	smul.u32 $0xA00, s9  }
0xa: {  	s3 =	sand.u32 $0x1, s3;
	[smem:$0x7FF] =	sst s4;
	s9 =	smul.u32 $0x28000, s9  }
0xb: {  	s4 =	sadd.s32 $0x5C600, s0;
	s6 =	smul.u32 $0xA0000, s3;
	s8 =	ssub.s32 $0x2, s3  }
0xc: {  	_ =	strace $0x8000004A;
	s10 =	sadd.s32 s7, s0;
	s11 =	sshrl.u32 s8, $0x1  }
0xd: {  	s24 =	sshrl.u32 s9, $0x2;
	s1 =	sadd.s32 s1, s7;
	s7 =	sadd.s32 s5, s2  }
0xe: {  	s6 =	sadd.s32 s5, s6;
	s23 =	ssub.s32 s8, s11;
	[dreg:$0x4] =	wrdreg s1  }
0xf: {  	s25 =	sadd.s32 $0x2600, s10;
	s26 =	sadd.s32 s24, s2;
	s24 =	simm.s32 $0xE200  }
.Ltmp0:
0x10: {  	s1 =	simm.s32 $0x0;
	s6 =	sshrl.u32 s6, $0x3;
	(pc) =	sbr.rel .LBB2_1-.Ltmp0, $4  }
0x11: {  	[dreg:$0x5] =	wrdreg s25;
	s8 =	sadd.s32 $0x2000, s26;
	s9 =	sadd.s32 $0x4000, s26  }
0x12: {  	s10 =	sadd.s32 $0x6000, s26;
	s11 =	sadd.s32 $0x8000, s26;
	s13 =	smax.u32 s23, $0x1  }
0x13: {  	s23 =	simm.s32 $0xA100;
	s25 =	simm.s32 $0xA180;
	s0 =	sadd.s32 s6, s0  }
0x14: {  	v1 =	vimm.f32 $0.0e+00;
	v2 =	vimm.f32 $1.000000000e+00;
	v0 =	vmov s3;
	s26 =	simm.s32 $0x10200;
	s12 =	sadd.s32 $0x84600, s0;
	s0 =	simm.s32 $0x7  }
.LBB2_8:
0x15: {  	_ =	swait.ge [sflag:s18], $0x2000  }
0x16: {  	[sflag:s18] =	ssyncset.done $0x0  }
0x17: {  	[sflag:s18] =	ssyncadd.s32 $0xFFFFE000  }
0x18: {  	_ =	swait.ge [sflag:s0], $0x2000  }
0x19: {  	[sflag:s0] =	ssyncset.done $0x0  }
0x1a: {  	[sflag:s0] =	ssyncadd.s32 $0xFFFFE000  }
0x1b: {  	s3 =	stileid.u32;
	_ =	swait.ge [sflag:s14], $0x2000  }
0x1c: {  	s5 =	sshrl.u32 s7, $0x3;
	s1 =	sadd.s32 $0x1, s1;
	[sflag:s14] =	ssyncset.done $0x0  }
0x1d: {  	s3 =	sshll.u32 s3, $0x6;
	p0 =	sne.s32 s1, s13;
	[sflag:s14] =	ssyncadd.s32 $0xFFFFE000  }
.Ltmp1:
0x1e: {  	s3 =	sor.u32 $0x1C09, s3;
	[bflag:$0x0] =	sbarrier.arrive $0xFFFF;
	(pc) =	sbr.rel @!p0 .LBB2_9-.Ltmp1, $4  }
0x1f: {  	[hbm:s12], [sflag:s3] =	dma.local [spmem:s5], $0x1400  }
0x20: {  	_ =	swait.ge [sflag:s16], $0x1400  }
0x21: {  	[sflag:s16] =	ssyncset.done $0x0  }
0x22: {  	[sflag:s16] =	ssyncadd.s32 $0xFFFFEC00  }
.LBB2_1:
0x23: {  	s3 =	simm.s32 $0x0;
	s5 =	rddreg [dreg:$0x4]  }
0x24: {  	[tilespmem:s3], [sflag:$0x5] =	stream.linear.gather [hbm4b:s5+s3], $0x5000, $0x38;
	[tilespmem:$0x1CA00] =	vst v63  }
0x25: {  	s6 =	simm.s32 $0x5000;
	s5 =	rddreg [dreg:$0x5]  }
0x26: {  	[tilespmem:s6], [sflag:$0x6] =	stream.linear.gather [hbm4b:s5+s3], $0x5000, $0x38;
	[tilespmem:$0x1CA00] =	vst v63  }
0x27: {  	s3 =	simm.s32 $0xA220  }
0x28: {  	[tilespmem:s3+$0x0] =	vst v1  }
0x29: {  	[tilespmem:s3+$0xFFFFFFE0] =	vst v1  }
0x2a: {  	[tilespmem:s3+$0x10] =	vst v1  }
0x2b: {  	s5 =	simm.s32 $0x40;
	s6 =	simm.s32 $0x0;
	[tilespmem:s3+$0xFFFFFFF0] =	vst v1  }
.LBB2_2:
0x2c: {  	p0 =	sne.s32 s5, $0x1FC0  }
0x2d: {  	[tilespmem:s6+$0x12200] =	vst v1;
	s3 =	sadd.s32 $0x40, s3;
	s6 =	smov.u32 s5;
	s5 =	sadd.s32 $0x40, s5  }
.Ltmp2:
0x2e: {  	[tilespmem:s3+$0x0] =	vst v1;
	(pc) =	sbr.rel @p0 .LBB2_2-.Ltmp2, $4  }
0x2f: {  	_ = 	snop  }
0x30: {  	[tilespmem:s3+$0xFFFFFFE0] =	vst v1  }
0x31: {  	[tilespmem:s3+$0x10] =	vst v1  }
0x32: {  	s6 =	sshra.s32 s6, $0x2;
	[tilespmem:s3+$0xFFFFFFF0] =	vst v1  }
0x33: {  	[tilespmem:s6+$0x12200] =	vst v1  }
0x34: {  	[spmem:s7] =	stream.linear.scatter [tilespmem:s15], [sflag:$0x9], $0x2000, $0x38;
	[tilespmem:$0x1CA00] =	vst v63  }
0x35: {  	_ =	swait.ge [sflag:s16], $0x2000  }
0x36: {  	[sflag:s16] =	ssyncset.done $0x0  }
0x37: {  	[sflag:s16] =	ssyncadd.s32 $0xFFFFE000  }
0x38: {  	[spmem:s8] =	stream.linear.scatter [tilespmem:s15], [sflag:$0x9], $0x2000, $0x38;
	[tilespmem:$0x1CA00] =	vst v63  }
0x39: {  	_ =	swait.ge [sflag:s16], $0x2000  }
0x3a: {  	[sflag:s16] =	ssyncset.done $0x0  }
0x3b: {  	[sflag:s16] =	ssyncadd.s32 $0xFFFFE000  }
0x3c: {  	[spmem:s9] =	stream.linear.scatter [tilespmem:s15], [sflag:$0x9], $0x2000, $0x38;
	[tilespmem:$0x1CA00] =	vst v63  }
0x3d: {  	_ =	swait.ge [sflag:s16], $0x2000  }
0x3e: {  	[sflag:s16] =	ssyncset.done $0x0  }
0x3f: {  	[sflag:s16] =	ssyncadd.s32 $0xFFFFE000  }
0x40: {  	[spmem:s10] =	stream.linear.scatter [tilespmem:s15], [sflag:$0x9], $0x2000, $0x38;
	[tilespmem:$0x1CA00] =	vst v63  }
0x41: {  	_ =	swait.ge [sflag:s16], $0x2000  }
0x42: {  	[sflag:s16] =	ssyncset.done $0x0  }
0x43: {  	[sflag:s16] =	ssyncadd.s32 $0xFFFFE000  }
0x44: {  	[spmem:s11] =	stream.linear.scatter [tilespmem:s15], [sflag:$0x9], $0x2000, $0x38;
	[tilespmem:$0x1CA00] =	vst v63  }
0x45: {  	_ =	swait.ge [sflag:s16], $0x2000  }
0x46: {  	[sflag:s16] =	ssyncset.done $0x0  }
0x47: {  	s3 =	simm.s32 $0x40;
	s5 =	simm.s32 $0x0;
	[sflag:s16] =	ssyncadd.s32 $0xFFFFE000  }
.LBB2_4:
0x48: {  	p0 =	sne.s32 s3, $0x1FC0;
	[tilespmem:s5+$0x12200] =	vst v2;
	s5 =	smov.u32 s3;
	s3 =	sadd.s32 $0x40, s3  }
.Ltmp3:
0x49: {  	(pc) =	sbr.rel @p0 .LBB2_4-.Ltmp3, $2  }
0x4a: {  	_ =	sdelay $0x2  }
0x4b: {  	s5 =	sshra.s32 s5, $0x2  }
0x4c: {  	[tilespmem:s5+$0x12200] =	vst v2  }
0x4d: {  	_ =	swait.ge [sflag:s17], $0x5000  }
0x4e: {  	[sflag:s17] =	ssyncset.done $0x0  }
0x4f: {  	[sflag:s17] =	ssyncadd.s32 $0xFFFFB000  }
0x50: {  	_ =	swait.ge [sflag:s18], $0x5000  }
0x51: {  	[sflag:s18] =	ssyncset.done $0x0  }
0x52: {  	[sflag:s18] =	ssyncadd.s32 $0xFFFFB000  }
0x53: {  	v3 =	vld [tilespmem:$0x0]  }
0x54: {  	v4 =	vld [tilespmem:$0x10]  }
0x55: {  	v5 =	vld [tilespmem:$0x20]  }
0x56: {  	v6 =	vld [tilespmem:$0x30]  }
0x57: {  	v7 =	vld [tilespmem:$0x40]  }
0x58: {  	v8 =	vld [tilespmem:$0x50];
	v3 =	vshll.u32 v3, $0x1  }
0x59: {  	v9 =	vld [tilespmem:$0x60];
	v4 =	vshll.u32 v4, $0x1;
	v3 =	vor.u32 v0, v3  }
0x5a: {  	v19 =	vld [tilespmem:$0x70];
	v18 =	vshll.u32 v5, $0x1;
	[tilespmem:$0xA000] =	vst v3;
	v3 =	vor.u32 v0, v4  }
0x5b: {  	v20 =	vshll.u32 v6, $0x1;
	[tilespmem:$0xA010] =	vst v3;
	v3 =	vor.u32 v0, v18  }
0x5c: {  	v21 =	vshll.u32 v7, $0x1;
	[tilespmem:$0xA020] =	vst v3;
	v3 =	vor.u32 v0, v20  }
0x5d: {  	v22 =	vshll.u32 v8, $0x1;
	[tilespmem:$0xA030] =	vst v3;
	v3 =	vor.u32 v0, v21  }
0x5e: {  	v23 =	vshll.u32 v9, $0x1;
	[tilespmem:$0xA040] =	vst v3;
	v3 =	vor.u32 v0, v22  }
0x5f: {  	v24 =	vshll.u32 v19, $0x1;
	[tilespmem:$0xA050] =	vst v3;
	v3 =	vor.u32 v0, v23  }
0x60: {  	[tilespmem:$0xA060] =	vst v3;
	v3 =	vor.u32 v0, v24  }
0x61: {  	[tilespmem:$0xA070] =	vst v3  }
0x62: {  	[tilespmem:s15], [sflag:$0x1] =	stream.indirect.gather [hbm4b:s4+s19], $0x40, s20, s19, $0xb8;
	[tilespmem:$0x1CA00] =	vst v63  }
0x63: {  	v3 =	vld [tilespmem:$0x80]  }
0x64: {  	v25 =	vld [tilespmem:$0x90]  }
0x65: {  	v26 =	vld [tilespmem:$0xA0]  }
0x66: {  	v27 =	vld [tilespmem:$0xB0]  }
0x67: {  	v28 =	vld [tilespmem:$0xC0]  }
0x68: {  	v29 =	vld [tilespmem:$0xD0];
	v3 =	vshll.u32 v3, $0x1  }
0x69: {  	v30 =	vld [tilespmem:$0xE0];
	v4 =	vshll.u32 v25, $0x1;
	v3 =	vor.u32 v0, v3  }
0x6a: {  	v32 =	vld [tilespmem:$0xF0];
	v31 =	vshll.u32 v26, $0x1;
	[tilespmem:$0xA080] =	vst v3;
	v3 =	vor.u32 v0, v4  }
0x6b: {  	v33 =	vshll.u32 v27, $0x1;
	[tilespmem:$0xA090] =	vst v3;
	v3 =	vor.u32 v0, v31  }
0x6c: {  	v34 =	vshll.u32 v28, $0x1;
	[tilespmem:$0xA0A0] =	vst v3;
	v3 =	vor.u32 v0, v33  }
0x6d: {  	v35 =	vshll.u32 v29, $0x1;
	[tilespmem:$0xA0B0] =	vst v3;
	v3 =	vor.u32 v0, v34  }
0x6e: {  	v36 =	vshll.u32 v30, $0x1;
	[tilespmem:$0xA0C0] =	vst v3;
	v3 =	vor.u32 v0, v35  }
0x6f: {  	v37 =	vshll.u32 v32, $0x1;
	[tilespmem:$0xA0D0] =	vst v3;
	v3 =	vor.u32 v0, v36  }
0x70: {  	[tilespmem:$0xA0E0] =	vst v3;
	v3 =	vor.u32 v0, v37  }
0x71: {  	[tilespmem:$0xA0F0] =	vst v3  }
0x72: {  	[tilespmem:s22], [sflag:$0x2] =	stream.indirect.gather [hbm4b:s4+s19], $0x40, s21, s19, $0xb8;
	[tilespmem:$0x1CA00] =	vst v63  }
0x73: {  	v3 =	vld [tilespmem:$0x100]  }
0x74: {  	v38 =	vld [tilespmem:$0x110]  }
0x75: {  	v39 =	vld [tilespmem:$0x120]  }
0x76: {  	v40 =	vld [tilespmem:$0x130]  }
0x77: {  	v41 =	vld [tilespmem:$0x140]  }
0x78: {  	v42 =	vld [tilespmem:$0x150];
	v3 =	vshll.u32 v3, $0x1  }
0x79: {  	v43 =	vld [tilespmem:$0x160];
	v4 =	vshll.u32 v38, $0x1;
	v3 =	vor.u32 v0, v3  }
0x7a: {  	v45 =	vld [tilespmem:$0x170];
	v44 =	vshll.u32 v39, $0x1;
	[tilespmem:$0xA100] =	vst v3;
	v3 =	vor.u32 v0, v4  }
0x7b: {  	v46 =	vshll.u32 v40, $0x1;
	[tilespmem:$0xA110] =	vst v3;
	v3 =	vor.u32 v0, v44  }
0x7c: {  	v47 =	vshll.u32 v41, $0x1;
	[tilespmem:$0xA120] =	vst v3;
	v3 =	vor.u32 v0, v46  }
0x7d: {  	v48 =	vshll.u32 v42, $0x1;
	[tilespmem:$0xA130] =	vst v3;
	v3 =	vor.u32 v0, v47  }
0x7e: {  	v49 =	vshll.u32 v43, $0x1;
	[tilespmem:$0xA140] =	vst v3;
	v3 =	vor.u32 v0, v48  }
0x7f: {  	v50 =	vshll.u32 v45, $0x1;
	[tilespmem:$0xA150] =	vst v3;
	v3 =	vor.u32 v0, v49  }
0x80: {  	[tilespmem:$0xA160] =	vst v3;
	v3 =	vor.u32 v0, v50  }
0x81: {  	[tilespmem:$0xA170] =	vst v3  }
0x82: {  	[tilespmem:s24], [sflag:$0x3] =	stream.indirect.gather [hbm4b:s4+s19], $0x40, s23, s19, $0xb8;
	[tilespmem:$0x1CA00] =	vst v63  }
0x83: {  	v3 =	vld [tilespmem:$0x180]  }
0x84: {  	v51 =	vld [tilespmem:$0x190]  }
0x85: {  	v52 =	vld [tilespmem:$0x1A0]  }
0x86: {  	v53 =	vld [tilespmem:$0x1B0]  }
0x87: {  	v54 =	vld [tilespmem:$0x1C0]  }
0x88: {  	v55 =	vld [tilespmem:$0x1D0];
	v3 =	vshll.u32 v3, $0x1  }
0x89: {  	v56 =	vld [tilespmem:$0x1E0];
	v4 =	vshll.u32 v51, $0x1;
	v3 =	vor.u32 v0, v3  }
0x8a: {  	v58 =	vld [tilespmem:$0x1F0];
	v57 =	vshll.u32 v52, $0x1;
	[tilespmem:$0xA180] =	vst v3;
	v3 =	vor.u32 v0, v4  }
0x8b: {  	v59 =	vshll.u32 v53, $0x1;
	[tilespmem:$0xA190] =	vst v3;
	v3 =	vor.u32 v0, v57  }
0x8c: {  	v60 =	vshll.u32 v54, $0x1;
	[tilespmem:$0xA1A0] =	vst v3;
	v3 =	vor.u32 v0, v59  }
0x8d: {  	v61 =	vshll.u32 v55, $0x1;
	[tilespmem:$0xA1B0] =	vst v3;
	v3 =	vor.u32 v0, v60  }
0x8e: {  	v62 =	vshll.u32 v56, $0x1;
	[tilespmem:$0xA1C0] =	vst v3;
	v3 =	vor.u32 v0, v61  }
0x8f: {  	v63 =	vshll.u32 v58, $0x1;
	[tilespmem:$0xA1D0] =	vst v3;
	v3 =	vor.u32 v0, v62  }
0x90: {  	[tilespmem:$0xA1E0] =	vst v3;
	v3 =	vor.u32 v0, v63  }
0x91: {  	[tilespmem:$0xA1F0] =	vst v3  }
0x92: {  	[tilespmem:s26], [sflag:$0x4] =	stream.indirect.gather [hbm4b:s4+s19], $0x40, s25, s19, $0xb8;
	[tilespmem:$0x1CA00] =	vst v63  }
0x93: {  	s3 =	simm.s32 $0x0;
	[bflag:$0x0] =	sbarrier.arrive $0xFFFF  }
.LBB2_6:
0x94: {  	_ =	swait.ge [sflag:s28], $0x2000  }
0x95: {  	s5 =	sshra.s32 s3, $0x2;
	[sflag:s28] =	ssyncset.done $0x0  }
0x96: {  	s6 =	sadd.s32 $0x5000, s5;
	[sflag:s28] =	ssyncadd.s32 $0xFFFFE000  }
0x97: {  	[spmem:s2] =	stream.indirect.scatter.add.f32 [tilespmem:s15], [sflag:$0x5], $0x40, s6, s19, $0xb8;
	[tilespmem:$0x1CA00] =	vst v63  }
0x98: {  	_ =	swait.ge [sflag:s29], $0x2000  }
0x99: {  	[sflag:s29] =	ssyncset.done $0x0  }
0x9a: {  	s6 =	sadd.s32 $0x5080, s5;
	[sflag:s29] =	ssyncadd.s32 $0xFFFFE000  }
0x9b: {  	[spmem:s2] =	stream.indirect.scatter.add.f32 [tilespmem:s22], [sflag:$0x6], $0x40, s6, s19, $0xb8;
	[tilespmem:$0x1CA00] =	vst v63  }
0x9c: {  	_ =	swait.ge [sflag:s30], $0x2000  }
0x9d: {  	[sflag:s30] =	ssyncset.done $0x0  }
0x9e: {  	s6 =	sadd.s32 $0x5100, s5;
	[sflag:s30] =	ssyncadd.s32 $0xFFFFE000  }
0x9f: {  	[spmem:s2] =	stream.indirect.scatter.add.f32 [tilespmem:s24], [sflag:$0x7], $0x40, s6, s19, $0xb8;
	[tilespmem:$0x1CA00] =	vst v63  }
0xa0: {  	_ =	swait.ge [sflag:s31], $0x2000  }
0xa1: {  	p0 =	seq.s32 s3, $0x13800;
	[sflag:s31] =	ssyncset.done $0x0  }
.Ltmp4:
0xa2: {  	s6 =	sadd.s32 $0x5180, s5;
	[sflag:s31] =	ssyncadd.s32 $0xFFFFE000;
	(pc) =	sbr.rel @p0 .LBB2_8-.Ltmp4, $4  }
0xa3: {  	[spmem:s2] =	stream.indirect.scatter.add.f32 [tilespmem:s26], [sflag:$0x8], $0x40, s6, s19, $0xb8;
	[tilespmem:$0x1CA00] =	vst v63  }
0xa4: {  	_ =	swait.ge [sflag:s17], $0x2000  }
0xa5: {  	[sflag:s17] =	ssyncset.done $0x0  }
0xa6: {  	[sflag:s17] =	ssyncadd.s32 $0xFFFFE000  }
0xa7: {  	v3 =	vld [tilespmem:s5+$0x200];
	_ =	sdelay $0x4  }
0xa8: {  	v3 =	vshll.u32 v3, $0x1  }
0xa9: {  	v3 =	vor.u32 v0, v3  }
0xaa: {  	[tilespmem:$0xA000] =	vst v3  }
0xab: {  	v3 =	vld [tilespmem:s5+$0x210];
	_ =	sdelay $0x4  }
0xac: {  	v3 =	vshll.u32 v3, $0x1  }
0xad: {  	v3 =	vor.u32 v0, v3  }
0xae: {  	[tilespmem:$0xA010] =	vst v3  }
0xaf: {  	v3 =	vld [tilespmem:s5+$0x220];
	_ =	sdelay $0x4  }
0xb0: {  	v3 =	vshll.u32 v3, $0x1  }
0xb1: {  	v3 =	vor.u32 v0, v3  }
0xb2: {  	[tilespmem:$0xA020] =	vst v3  }
0xb3: {  	v3 =	vld [tilespmem:s5+$0x230];
	_ =	sdelay $0x4  }
0xb4: {  	v3 =	vshll.u32 v3, $0x1  }
0xb5: {  	v3 =	vor.u32 v0, v3  }
0xb6: {  	[tilespmem:$0xA030] =	vst v3  }
0xb7: {  	v3 =	vld [tilespmem:s5+$0x240];
	_ =	sdelay $0x4  }
0xb8: {  	v3 =	vshll.u32 v3, $0x1  }
0xb9: {  	v3 =	vor.u32 v0, v3  }
0xba: {  	[tilespmem:$0xA040] =	vst v3  }
0xbb: {  	v3 =	vld [tilespmem:s5+$0x250];
	_ =	sdelay $0x4  }
0xbc: {  	v3 =	vshll.u32 v3, $0x1  }
0xbd: {  	v3 =	vor.u32 v0, v3  }
0xbe: {  	[tilespmem:$0xA050] =	vst v3  }
0xbf: {  	v3 =	vld [tilespmem:s5+$0x260];
	_ =	sdelay $0x4  }
0xc0: {  	v3 =	vshll.u32 v3, $0x1  }
0xc1: {  	v3 =	vor.u32 v0, v3  }
0xc2: {  	[tilespmem:$0xA060] =	vst v3  }
0xc3: {  	v3 =	vld [tilespmem:s5+$0x270];
	_ =	sdelay $0x4  }
0xc4: {  	v3 =	vshll.u32 v3, $0x1  }
0xc5: {  	v3 =	vor.u32 v0, v3  }
0xc6: {  	[tilespmem:$0xA070] =	vst v3  }
0xc7: {  	[tilespmem:s15], [sflag:$0x1] =	stream.indirect.gather [hbm4b:s4+s19], $0x40, s20, s19, $0xb8;
	[tilespmem:$0x1CA00] =	vst v63  }
0xc8: {  	_ =	swait.ge [sflag:s18], $0x2000  }
0xc9: {  	[sflag:s18] =	ssyncset.done $0x0  }
0xca: {  	[sflag:s18] =	ssyncadd.s32 $0xFFFFE000  }
0xcb: {  	v3 =	vld [tilespmem:s5+$0x280];
	_ =	sdelay $0x4  }
0xcc: {  	v3 =	vshll.u32 v3, $0x1  }
0xcd: {  	v3 =	vor.u32 v0, v3  }
0xce: {  	[tilespmem:$0xA080] =	vst v3  }
0xcf: {  	v3 =	vld [tilespmem:s5+$0x290];
	_ =	sdelay $0x4  }
0xd0: {  	v3 =	vshll.u32 v3, $0x1  }
0xd1: {  	v3 =	vor.u32 v0, v3  }
0xd2: {  	[tilespmem:$0xA090] =	vst v3  }
0xd3: {  	v3 =	vld [tilespmem:s5+$0x2A0];
	_ =	sdelay $0x4  }
0xd4: {  	v3 =	vshll.u32 v3, $0x1  }
0xd5: {  	v3 =	vor.u32 v0, v3  }
0xd6: {  	[tilespmem:$0xA0A0] =	vst v3  }
0xd7: {  	v3 =	vld [tilespmem:s5+$0x2B0];
	_ =	sdelay $0x4  }
0xd8: {  	v3 =	vshll.u32 v3, $0x1  }
0xd9: {  	v3 =	vor.u32 v0, v3  }
0xda: {  	[tilespmem:$0xA0B0] =	vst v3  }
0xdb: {  	v3 =	vld [tilespmem:s5+$0x2C0];
	_ =	sdelay $0x4  }
0xdc: {  	v3 =	vshll.u32 v3, $0x1  }
0xdd: {  	v3 =	vor.u32 v0, v3  }
0xde: {  	[tilespmem:$0xA0C0] =	vst v3  }
0xdf: {  	v3 =	vld [tilespmem:s5+$0x2D0];
	_ =	sdelay $0x4  }
0xe0: {  	v3 =	vshll.u32 v3, $0x1  }
0xe1: {  	v3 =	vor.u32 v0, v3  }
0xe2: {  	[tilespmem:$0xA0D0] =	vst v3  }
0xe3: {  	v3 =	vld [tilespmem:s5+$0x2E0];
	_ =	sdelay $0x4  }
0xe4: {  	v3 =	vshll.u32 v3, $0x1  }
0xe5: {  	v3 =	vor.u32 v0, v3  }
0xe6: {  	[tilespmem:$0xA0E0] =	vst v3  }
0xe7: {  	v3 =	vld [tilespmem:s5+$0x2F0];
	_ =	sdelay $0x4  }
0xe8: {  	v3 =	vshll.u32 v3, $0x1  }
0xe9: {  	v3 =	vor.u32 v0, v3  }
0xea: {  	[tilespmem:$0xA0F0] =	vst v3  }
0xeb: {  	[tilespmem:s22], [sflag:$0x2] =	stream.indirect.gather [hbm4b:s4+s19], $0x40, s21, s19, $0xb8;
	[tilespmem:$0x1CA00] =	vst v63  }
0xec: {  	_ =	swait.ge [sflag:s0], $0x2000  }
0xed: {  	[sflag:s0] =	ssyncset.done $0x0  }
0xee: {  	[sflag:s0] =	ssyncadd.s32 $0xFFFFE000  }
0xef: {  	v3 =	vld [tilespmem:s5+$0x300];
	_ =	sdelay $0x4  }
0xf0: {  	v3 =	vshll.u32 v3, $0x1  }
0xf1: {  	v3 =	vor.u32 v0, v3  }
0xf2: {  	[tilespmem:$0xA100] =	vst v3  }
0xf3: {  	v3 =	vld [tilespmem:s5+$0x310];
	_ =	sdelay $0x4  }
0xf4: {  	v3 =	vshll.u32 v3, $0x1  }
0xf5: {  	v3 =	vor.u32 v0, v3  }
0xf6: {  	[tilespmem:$0xA110] =	vst v3  }
0xf7: {  	v3 =	vld [tilespmem:s5+$0x320];
	_ =	sdelay $0x4  }
0xf8: {  	v3 =	vshll.u32 v3, $0x1  }
0xf9: {  	v3 =	vor.u32 v0, v3  }
0xfa: {  	[tilespmem:$0xA120] =	vst v3  }
0xfb: {  	v3 =	vld [tilespmem:s5+$0x330];
	_ =	sdelay $0x4  }
0xfc: {  	v3 =	vshll.u32 v3, $0x1  }
0xfd: {  	v3 =	vor.u32 v0, v3  }
0xfe: {  	[tilespmem:$0xA130] =	vst v3  }
0xff: {  	v3 =	vld [tilespmem:s5+$0x340];
	_ =	sdelay $0x4  }
0x100: {  	v3 =	vshll.u32 v3, $0x1  }
0x101: {  	v3 =	vor.u32 v0, v3  }
0x102: {  	[tilespmem:$0xA140] =	vst v3  }
0x103: {  	v3 =	vld [tilespmem:s5+$0x350];
	_ =	sdelay $0x4  }
0x104: {  	v3 =	vshll.u32 v3, $0x1  }
0x105: {  	v3 =	vor.u32 v0, v3  }
0x106: {  	[tilespmem:$0xA150] =	vst v3  }
0x107: {  	v3 =	vld [tilespmem:s5+$0x360];
	_ =	sdelay $0x4  }
0x108: {  	v3 =	vshll.u32 v3, $0x1  }
0x109: {  	v3 =	vor.u32 v0, v3  }
0x10a: {  	[tilespmem:$0xA160] =	vst v3  }
0x10b: {  	v3 =	vld [tilespmem:s5+$0x370];
	_ =	sdelay $0x4  }
0x10c: {  	v3 =	vshll.u32 v3, $0x1  }
0x10d: {  	v3 =	vor.u32 v0, v3  }
0x10e: {  	[tilespmem:$0xA170] =	vst v3  }
0x10f: {  	[tilespmem:s24], [sflag:$0x3] =	stream.indirect.gather [hbm4b:s4+s19], $0x40, s23, s19, $0xb8;
	[tilespmem:$0x1CA00] =	vst v63  }
0x110: {  	_ =	swait.ge [sflag:s14], $0x2000  }
0x111: {  	[sflag:s14] =	ssyncset.done $0x0  }
0x112: {  	[sflag:s14] =	ssyncadd.s32 $0xFFFFE000  }
0x113: {  	v3 =	vld [tilespmem:s5+$0x380];
	_ =	sdelay $0x4  }
0x114: {  	v3 =	vshll.u32 v3, $0x1  }
0x115: {  	v3 =	vor.u32 v0, v3  }
0x116: {  	[tilespmem:$0xA180] =	vst v3  }
0x117: {  	v3 =	vld [tilespmem:s5+$0x390];
	_ =	sdelay $0x4  }
0x118: {  	v3 =	vshll.u32 v3, $0x1  }
0x119: {  	v3 =	vor.u32 v0, v3  }
0x11a: {  	[tilespmem:$0xA190] =	vst v3  }
0x11b: {  	v3 =	vld [tilespmem:s5+$0x3A0];
	_ =	sdelay $0x4  }
0x11c: {  	v3 =	vshll.u32 v3, $0x1  }
0x11d: {  	v3 =	vor.u32 v0, v3  }
0x11e: {  	[tilespmem:$0xA1A0] =	vst v3  }
0x11f: {  	v3 =	vld [tilespmem:s5+$0x3B0];
	_ =	sdelay $0x4  }
0x120: {  	v3 =	vshll.u32 v3, $0x1  }
0x121: {  	v3 =	vor.u32 v0, v3  }
0x122: {  	[tilespmem:$0xA1B0] =	vst v3  }
0x123: {  	v3 =	vld [tilespmem:s5+$0x3C0];
	_ =	sdelay $0x4  }
0x124: {  	v3 =	vshll.u32 v3, $0x1  }
0x125: {  	v3 =	vor.u32 v0, v3  }
0x126: {  	[tilespmem:$0xA1C0] =	vst v3  }
0x127: {  	v3 =	vld [tilespmem:s5+$0x3D0];
	_ =	sdelay $0x4  }
0x128: {  	v3 =	vshll.u32 v3, $0x1  }
0x129: {  	v3 =	vor.u32 v0, v3  }
0x12a: {  	[tilespmem:$0xA1D0] =	vst v3  }
0x12b: {  	v3 =	vld [tilespmem:s5+$0x3E0];
	_ =	sdelay $0x4  }
0x12c: {  	v3 =	vshll.u32 v3, $0x1  }
0x12d: {  	v3 =	vor.u32 v0, v3  }
0x12e: {  	[tilespmem:$0xA1E0] =	vst v3  }
0x12f: {  	v3 =	vld [tilespmem:s5+$0x3F0];
	_ =	sdelay $0x3  }
.Ltmp5:
0x130: {  	_ = 	snop;
	(pc) =	sbr.rel .LBB2_6-.Ltmp5, $4  }
0x131: {  	v3 =	vshll.u32 v3, $0x1  }
0x132: {  	v3 =	vor.u32 v0, v3  }
0x133: {  	s3 =	sadd.s32 $0x800, s3;
	[tilespmem:$0xA1F0] =	vst v3  }
0x134: {  	[tilespmem:s26], [sflag:$0x4] =	stream.indirect.gather [hbm4b:s4+s19], $0x40, s25, s19, $0xb8;
	[tilespmem:$0x1CA00] =	vst v63  }
.LBB2_9:
0x135: {  	_ =	sfence.sel $0x180000  }
0x136: {  	[bflag:$0x0] =	sbarrier.arrive $0xFFFF  }
0x137: {  	_ =	strace $0x9000004A  }
0x138: {  	s0 =	stileid.u32;
	[bflag:$0x2] =	sbarrier.arrive $0xFFFF  }
0x139: {  	p0 =	sne.s32 s0, $0x0;
	s0 =	rddreg [dreg:$0x3]  }
0x13a: {  	s0 =	sadd.s32 @!p0 $0x100000, s0  }
0x13b: {  	[sflag:s0] =	ssyncadd.tile.s32 @!p0 $0x1;
	_ =	shalt  }
.Lfunc_end2:
_tile_overlayer_lowered:
.L_overlay_start_2:
0x13c: {  	(tag) =	ssettag $0x2  }
0x13d: {  	s0 =	rddreg [dreg:$0x0];
	s2 =	stileid.u32  }
0x13e: {  	s1 =	rddreg [dreg:$0x1];
	p0 =	sne.s32 s2, $0x0  }
0x13f: {  	s3 =	rddreg [dreg:$0x2];
	[bflag:$0x3] =	sbarrier.arrive $0xFFFF;
	s2 =	simm.s32 @!p0 $0x1C09  }
0x140: {  	[timem:s3], [sflag:s2] =	dma.local @!p0 [hbm:s0], s1  }
0x141: {  	s0 =	simm.s32 @!p0 $0x9  }
0x142: {  	_ =	swait.ge @!p0 [sflag:s0], s1  }
0x143: {  	s1 =	ssub.s32 @!p0 $0x0, s1;
	[sflag:s0] =	ssyncset.done @!p0 $0x0  }
0x144: {  	[sflag:s0] =	ssyncadd.s32 @!p0 s1  }
0x145: {  	[bflag:$0x3] =	sbarrier.arrive $0xFFFF  }
0x146: {  	_ =	shalt  }

// kernel: kernel.7.cloned.1.call-start
scs
__scs_entry_jumppad:
0x0: {  	(pc) =	sbr.rel $0x88, $3  }
0x1: {  	(tag) =	ssettag $0x0;
	lr =	simm.s32 $0x1  }
0x2: {  	[smem:$0x3F97] =	sst lr;
	_ =	strace $0xD0000000  }
0x3: {  	_ = 	snop  }
0x4: {  	_ = 	snop  }
0x5: {  	_ = 	snop  }
0x6: {  	_ = 	snop  }
0x7: {  	_ = 	snop  }
__scs_overlays_trampoline_lowered:
0x8: {  	[smem:$0x3FA6] =	sst s0  }
0x9: {  	[smem:$0x3FA7] =	sst s1  }
0xa: {  	[smem:$0x3FA8] =	sst s2  }
0xb: {  	[smem:$0x3FA9] =	sst s3  }
0xc: {  	[smem:$0x3FAA] =	sst s4  }
0xd: {  	[smem:$0x3FAB] =	sst s5  }
0xe: {  	[smem:$0x3FAC] =	sst s6  }
0xf: {  	[smem:$0x3FAD] =	sst s7  }
0x10: {  	[smem:$0x3FAE] =	sst s8  }
0x11: {  	[smem:$0x3FAF] =	sst s9;
	s0 =	simm.s32 @!p0 $0x0  }
0x12: {  	s1 =	sld [smem:$0x3F95];
	s0 =	simm.s32 @p0 $0x1  }
0x13: {  	[smem:$0x3FB0] =	sst s0;
	s0 =	simm.s32 @!p1 $0x0  }
0x14: {  	s2 =	sld [smem:$0x3F94];
	s0 =	simm.s32 @p1 $0x1  }
0x15: {  	[smem:$0x3FB1] =	sst s0;
	s0 =	simm.s32 @!p2 $0x0  }
0x16: {  	s3 =	sld [smem:$0x3FDB];
	s0 =	simm.s32 @p2 $0x1  }
0x17: {  	s4 =	simm.s32 $0x1BF5;
	[smem:$0x3FB3] =	sst s0  }
0x18: {  	s0 =	sld [smem:$0x3F96];
	_ =	swait.ge [sflag:s4], $0x0  }
0x19: {  	s7 =	sld [smem:$0x3F97]  }
0x1a: {  	s8 =	sadd.s32 $0xFFFFE003, lr  }
0x1b: {  	s9 =	sadd.s32 $0xFFFFFEF7, lr;
	s5 =	simm.s32 $0xFFFFFFFF;
	p2 =	slt.u32 s8, $0xFFFFF086  }
0x1c: {  	p1 =	slt.u32 s9, $0xF7A;
	s5 =	simm.s32 @!p2 $0x0  }
0x1d: {  	s5 =	simm.s32 @p1 $0x1;
	p0 =	seq.s32 s7, s2  }
0x1e: {  	s7 =	smul.u32 @!p0 $0xF7A, s2;
	p2 =	seq.s32 @!p0 s5, $0x0  }
0x1f: {  	s9 =	smul.u32 $0xF7A, s1;
	s8 =	simm.s32 @!p0 $0x1BF5;
	p2 =	por !p2, p0  }
0x20: {  	[sflag:s8] =	ssyncset.s32 @!p0 $0xFFFFF086;
	s6 =	sadd.s32 @!p0 s3, s7;
	s7 =	simm.s32 @!p0 $0x108  }
0x21: {  	s3 =	sadd.s32 s3, s9;
	s6 =	sadd.s32 @!p0 $0x88, s6;
	s7 =	simm.s32 @p2 $0x1082  }
0x22: {  	[simem:s7], [sflag:s8] =	dma.local @!p0 [hbm:s6], $0xF7A  }
0x23: {  	s9 =	sor.u32 $0xD0000000, s2;
	s6 =	simm.s32 $0x108;
	_ =	swait.ge @!p0 [sflag:s8], $0x0  }
0x24: {  	s3 =	sadd.s32 $0x88, s3;
	s6 =	simm.s32 @!p1 $0x1082;
	[sflag:s4] =	ssyncset.s32 $0xFFFFF086  }
0x25: {  	[simem:s6], [sflag:s4] =	dma.local [hbm:s3], $0xF7A  }
0x26: {  	[smem:$0x3F97] =	sst s1;
	(tag) =	ssettag s2;
	_ =	strace s9  }
0x27: {  	s1 =	sld [smem:$0x3FA7]  }
0x28: {  	s2 =	sld [smem:$0x3FA8]  }
0x29: {  	s4 =	sld [smem:$0x3FAA]  }
0x2a: {  	p0 =	seq.s32 s5, $0x0;
	s5 =	sld [smem:$0x3FAB]  }
0x2b: {  	s6 =	sld [smem:$0x3FAC]  }
0x2c: {  	s7 =	sld [smem:$0x3FAD]  }
0x2d: {  	s3 =	simm.s32 $0x108;
	s8 =	sld [smem:$0x3FAE]  }
0x2e: {  	s3 =	simm.s32 @!p0 $0x1082;
	s9 =	sld [smem:$0x3FAF]  }
0x2f: {  	lr =	sadd.s32 s0, s3;
	s0 =	sld [smem:$0x3FA6]  }
0x30: {  	s3 =	sld [smem:$0x3FA9]  }
0x31: {  	[smem:$0x3FB2] =	sst s10  }
0x32: {  	s10 =	sld [smem:$0x3FB0];
	_ =	sdelay $0x3  }
0x33: {  	p0 =	seq.s32 s10, $0x1;
	s10 =	sld [smem:$0x3FB2];
	_ =	sdelay $0x3  }
0x34: {  	[smem:$0x3FB2] =	sst s10  }
0x35: {  	s10 =	sld [smem:$0x3FB1];
	_ =	sdelay $0x3  }
0x36: {  	p1 =	seq.s32 s10, $0x1;
	s10 =	sld [smem:$0x3FB2];
	_ =	sdelay $0x3  }
0x37: {  	[smem:$0x3FB2] =	sst s10  }
0x38: {  	s10 =	sld [smem:$0x3FB3]  }
0x39: {  	_ = 	snop;
	(pc) =	sbr.ind lr, $3  }
0x3a: {  	_ = 	snop  }
0x3b: {  	_ = 	snop  }
0x3c: {  	p2 =	seq.s32 s10, $0x1;
	s10 =	sld [smem:$0x3FB2]  }
0x3d: {  	_ =	shalt  }
0x3e: {  	_ =	shalt  }
0x3f: {  	_ =	shalt  }
0x40: {  	_ =	shalt  }
0x41: {  	_ =	shalt  }
0x42: {  	_ =	shalt  }
0x43: {  	_ =	shalt  }
0x44: {  	_ =	shalt  }
0x45: {  	_ =	shalt  }
0x46: {  	_ =	shalt  }
0x47: {  	_ =	shalt  }
0x48: {  	_ =	shalt  }
0x49: {  	_ =	shalt  }
0x4a: {  	_ =	shalt  }
0x4b: {  	_ =	shalt  }
0x4c: {  	_ =	shalt  }
0x4d: {  	_ =	shalt  }
0x4e: {  	_ =	shalt  }
0x4f: {  	_ =	shalt  }
0x50: {  	_ =	shalt  }
0x51: {  	_ =	shalt  }
0x52: {  	_ =	shalt  }
0x53: {  	_ =	shalt  }
0x54: {  	_ =	shalt  }
0x55: {  	_ =	shalt  }
0x56: {  	_ =	shalt  }
0x57: {  	_ =	shalt  }
0x58: {  	_ =	shalt  }
0x59: {  	_ =	shalt  }
0x5a: {  	_ =	shalt  }
0x5b: {  	_ =	shalt  }
0x5c: {  	_ =	shalt  }
0x5d: {  	_ =	shalt  }
0x5e: {  	_ =	shalt  }
0x5f: {  	_ =	shalt  }
0x60: {  	_ =	shalt  }
0x61: {  	_ =	shalt  }
0x62: {  	_ =	shalt  }
0x63: {  	_ =	shalt  }
0x64: {  	_ =	shalt  }
0x65: {  	_ =	shalt  }
0x66: {  	_ =	shalt  }
0x67: {  	_ =	shalt  }
0x68: {  	_ =	shalt  }
0x69: {  	_ =	shalt  }
0x6a: {  	_ =	shalt  }
0x6b: {  	_ =	shalt  }
0x6c: {  	_ =	shalt  }
0x6d: {  	_ =	shalt  }
0x6e: {  	_ =	shalt  }
0x6f: {  	_ =	shalt  }
0x70: {  	_ =	shalt  }
0x71: {  	_ =	shalt  }
0x72: {  	_ =	shalt  }
0x73: {  	_ =	shalt  }
0x74: {  	_ =	shalt  }
0x75: {  	_ =	shalt  }
0x76: {  	_ =	shalt  }
0x77: {  	_ =	shalt  }
0x78: {  	_ =	shalt  }
0x79: {  	_ =	shalt  }
0x7a: {  	_ =	shalt  }
0x7b: {  	_ =	shalt  }
0x7c: {  	_ =	shalt  }
0x7d: {  	_ =	shalt  }
0x7e: {  	_ =	shalt  }
0x7f: {  	_ =	shalt  }
0x80: {  	_ =	shalt  }
0x81: {  	_ =	shalt  }
0x82: {  	_ =	shalt  }
0x83: {  	_ =	shalt  }
0x84: {  	_ =	shalt  }
0x85: {  	_ =	shalt  }
0x86: {  	_ =	shalt  }
0x87: {  	_ =	shalt  }
.Lfunc_end0:
.L_simem_size_0:
called_computation_lowered:
.L_overlay_start_0:
0x88: {  	s2 =	sld [smem:$0x3FD9]  }
0x89: {  	s3 =	sld [smem:$0x3FFE];
	_ =	sdelay $0x1  }
0x8a: {  	s1 =	srdreg.scid  }
0x8b: {  	s0 =	sand.u32 $0x1, s1  }
0x8c: {  	s17 =	sshll.u32 s0, $0xA;
	s2 =	sadd.s32 s3, s2  }
0x8d: {  	s2 =	sadd.s32 s2, s17  }
0x8e: {  	[smem:$0x3FBE] =	sst s2  }
0x8f: {  	_ = 	snop  }
0x90: {  	s2 =	sld [smem:$0x3FC9]  }
0x91: {  	s18 =	sld [smem:$0x3FD0];
	(tm) =	ssettm $0x1  }
0x92: {  	s4 =	sld [smem:$0x3FFB];
	_ =	sdelay $0x3  }
0x93: {  	_ =	strace s4  }
0x94: {  	s4 =	sld [smem:$0x3FFC];
	_ =	sdelay $0x3  }
0x95: {  	_ =	strace s4  }
0x96: {  	s4 =	sld [smem:$0x3FFD];
	_ =	sdelay $0x3  }
0x97: {  	_ =	strace s4  }
0x98: {  	_ =	strace $0x8FFFFFFF  }
0x99: {  	s19 =	sld [smem:$0x3FDB];
	_ =	sdelay $0x1  }
0x9a: {  	s5 =	simm.s32 $_scs_section_size  }
0x9b: {  	s6 =	simm.s32 $_size__tile_overlayer_lowered;
	s7 =	simm.s32 $_tile_overlayer_lowered  }
0x9c: {  	s22 =	simm.s32 $0x1BFF;
	s21 =	sshll.u32 s7, $0x1;
	s4 =	sadd.s32 s5, s19  }
0x9d: {  	s8 =	simm.s32 $0x0;
	s20 =	sshll.u32 s6, $0x1;
	s6 =	sadd.s32 s21, s4  }
0x9e: {  	[timem:s8], [sflag:s22] =	dma.local [hbm:s6], s20  }
0x9f: {  	_ =	swait.ge [sflag:s22], s20  }
0xa0: {  	s5 =	ssub.s32 $0x0, s20;
	[sflag:s22] =	ssyncset.done $0x0  }
0xa1: {  	[sflag:s22] =	ssyncadd.s32 s5;
	_ =	sdelay $0x1  }
0xa2: {  	s23 =	simm.s32 $0x1B8B  }
0xa3: {  	_ =	swait.ge [sflag:s23], $0x1  }
0xa4: {  	[sflag:s23] =	ssyncset.done $0x0  }
0xa5: {  	s25 =	simm.s32 $0x1B8E;
	s24 =	sld [smem:$0x3FFE];
	[sflag:s23] =	ssyncadd.s32 $0xFFFFFFFF  }
0xa6: {  	s26 =	simm.s32 $execute0_lowered;
	[smem:$0x3FD2] =	sst s25  }
0xa7: {  	s6 =	sshll.u32 s26, $0x1;
	_ =	strace $0x80000046;
	[dreg:$0x1] =	wrdreg $0xFFFFFFFF  }
0xa8: {  	s28 =	simm.s32 $_size_execute0_lowered;
	s4 =	sadd.s32 s4, s6;
	[dreg:$0x0] =	wrdreg $0x0  }
0xa9: {  	s6 =	sshll.u32 s28, $0x1;
	[dreg:$0x2] =	wrdreg s4  }
0xaa: {  	[dreg:$0x3] =	wrdreg s6  }
0xab: {  	[dreg:$0x4] =	wrdreg $0xC0  }
0xac: {  	_ =	task [dreg:s8], $0x5FFFF  }
0xad: {  	[dreg:$0x1] =	wrdreg $0xFFFFFFFF  }
0xae: {  	[dreg:$0x0] =	wrdreg $0x60  }
0xaf: {  	[dreg:$0x2] =	wrdreg s2  }
0xb0: {  	[dreg:$0x3] =	wrdreg s18  }
0xb1: {  	[dreg:$0x4] =	wrdreg s24  }
0xb2: {  	[dreg:$0x5] =	wrdreg $0x12A000  }
0xb3: {  	[dreg:$0x6] =	wrdreg $0x1CA000  }
0xb4: {  	[dreg:$0x7] =	wrdreg $0x9  }
0xb5: {  	_ =	task.clear_ibuf [dreg:s8], $0x8FFFF;
	_ =	strace $0x90000046  }
0xb6: {  	s29 =	simm.s32 $0x9;
	_ =	strace $0x80000048  }
0xb7: {  	_ =	swait.ge [sflag:s29], $0x1  }
0xb8: {  	[sflag:s29] =	ssyncadd.s32 $0xFFFFFFFF  }
0xb9: {  	_ =	strace $0x90000048  }
0xba: {  	_ =	sfence  }
0xbb: {  	s30 =	sld [smem:$0x0];
	_ =	sdelay $0x2  }
0xbc: {  	s31 =	sshll.u32 s1, $0xD;
	s1 =	sshrl.u32 s1, $0x2  }
0xbd: {  	s3 =	sand.u32 $0x4000, s31;
	s1 =	sadd.s32 s1, s30  }
0xbe: {  	s0 =	sor.u32 s3, s0;
	s1 =	sshll.u32 s1, $0x11  }
0xbf: {  	s0 =	sor.u32 s1, s0  }
0xc0: {  	s0 =	sadd.s32 $0x8F2B, s0  }
0xc1: {  	[sflag:s0] =	ssyncadd.remote.s32 $0x1  }
0xc2: {  	_ =	sfence.sel $0xFFFF  }
0xc3: {  	[dreg:$0x0] =	wrdreg $0xFFFFFFFF;
	(pc) =	sbr.abs _section_cstart, $3  }
0xc4: {  	[dreg:$0x1] =	wrdreg $0xFFFFFFFF  }
0xc5: {  	_ =	task.clear_ibuf [dreg:s8], $0x2FFFF;
	_ =	strace $0x9FFFFFFF  }
0xc6: {  	(tm) =	ssettm $0x7FFFFFFF  }
0xc7: {  	_ =	shalt  }
tec
execute0_lowered:
.L_overlay_start_1:
0x0: {  	(tag) =	ssettag $0x1  }
0x1: {  	s1 =	rddreg [dreg:$0x0]  }
0x2: {  	s0 =	rddreg [dreg:$0x1]  }
0x3: {  	s2 =	rddreg [dreg:$0x2]  }
0x4: {  	s13 =	stileid.u32;
	s4 =	srdreg.scid  }
0x5: {  	s3 =	rddreg [dreg:$0x3];
	s5 =	smul.u32 $0xA00, s13  }
0x6: {  	s10 =	simm.s32 $0x0;
	s28 =	simm.s32 $0x80;
	s7 =	smul.u32 $0xA000, s13  }
0x7: {  	s31 =	simm.s32 $0xC200;
	s30 =	simm.s32 $0x10200;
	s9 =	smul.u32 $0x2800, s13  }
0x8: {  	s6 =	sand.u32 $0x1, s4;
	s4 =	rddreg [dreg:$0x4];
	s13 =	smul.u32 $0x280, s13  }
0x9: {  	s29 =	simm.s32 $0x2;
	[smem:$0x7FF] =	sst s10;
	s8 =	smul.u32 $0xA0000, s6  }
0xa: {  	s24 =	smul.u32 $0x28000, s6;
	_ =	strace $0x80000047;
	s12 =	ssub.s32 $0x2, s6  }
0xb: {  	p0 =	sne.s32 s6, $0x0;
	p1 =	seq.s32 s6, $0x0;
	v0 =	vmov s6;
	s6 =	simm.s32 $0x7  }
0xc: {  	s11 =	sadd.s32 s5, s2;
	s25 =	sshrl.u32 s12, $0x1;
	s0 =	sadd.s32 s0, s5  }
0xd: {  	s26 =	sadd.s32 $0x80, s13;
	s15 =	sadd.s32 $0x100, s13;
	s16 =	sadd.s32 $0x180, s13  }
0xe: {  	s17 =	sadd.s32 $0x200, s13;
	s13 =	sadd.s32 s9, s4;
	s8 =	sadd.s32 s7, s8  }
0xf: {  	s10 =	sadd.s32 s9, s24;
	[dreg:$0x6] =	wrdreg s0;
	s14 =	sshll.u32 s26, $0x6  }
0x10: {  	s19 =	sshll.u32 s15, $0x6;
	s20 =	sshll.u32 s16, $0x6;
	s22 =	sshll.u32 s17, $0x6  }
0x11: {  	s0 =	sshll.u32 s26, $0x4;
	s23 =	sshll.u32 s15, $0x4;
	s24 =	sshll.u32 s16, $0x4  }
0x12: {  	s26 =	sshll.u32 s17, $0x4;
	s9 =	simm.s32 $0x0;
	s8 =	sshrl.u32 s8, $0x3  }
0x13: {  	s10 =	sshrl.u32 s10, $0x3;
	s5 =	sadd.s32 s14, s3;
	s21 =	sadd.s32 s20, s3  }
0x14: {  	s0 =	sadd.s32 s0, s4;
	s18 =	sadd.s32 s8, s2;
	s2 =	sadd.s32 s10, s2  }
0x15: {  	s10 =	ssub.s32 s12, s25;
	s12 =	sadd.s32 $0x2600, s11;
	[dreg:$0x8] =	wrdreg s5  }
0x16: {  	s8 =	sadd.s32 s7, s3;
	s11 =	sadd.s32 s19, s3;
	[dreg:$0xa] =	wrdreg s21  }
0x17: {  	[dreg:$0xc] =	wrdreg s0;
	s0 =	sadd.s32 s23, s4;
	s25 =	sadd.s32 s24, s4  }
0x18: {  	s23 =	simm.s32 $0x9;
	s24 =	simm.s32 $0x12200;
	[dreg:$0x7] =	wrdreg s12  }
0x19: {  	s21 =	simm.s32 $0xE200;
	s5 =	simm.s32 $0x4;
	[dreg:$0x9] =	wrdreg s11  }
0x1a: {  	s7 =	simm.s32 $0x8;
	s11 =	sadd.s32 s22, s3;
	[dreg:$0xd] =	wrdreg s0  }
0x1b: {  	[dreg:$0xe] =	wrdreg s25;
	s0 =	sadd.s32 s26, s4;
	s18 =	sadd.s32 $0xC600, s18  }
0x1c: {  	s19 =	sadd.s32 $0x34600, s2;
	s20 =	smax.u32 s10, $0x1;
	s22 =	simm.s32 $0xA200  }
0x1d: {  	s25 =	simm.s32 $0x5;
	s26 =	simm.s32 $0x6;
	[dreg:$0xb] =	wrdreg s11  }
0x1e: {  	v1 =	vimm.f32 $0.0e+00;
	v2 =	vimm.f32 $1.000000000e+00;
	s2 =	simm.s32 $0x1;
	[dreg:$0xf] =	wrdreg s0;
	s0 =	simm.s32 $0x3  }
.LBB2_1:
0x1f: {  	s10 =	simm.s32 $0x0;
	s11 =	rddreg [dreg:$0x6]  }
0x20: {  	[tilespmem:s10], [sflag:$0x5] =	stream.linear.gather [hbm4b:s11+s10], $0x5000, $0x38;
	[tilespmem:$0x1F200] =	vst v63  }
0x21: {  	s17 =	rddreg [dreg:$0x7];
	s12 =	simm.s32 $0x5000  }
0x22: {  	[tilespmem:s12], [sflag:$0x6] =	stream.linear.gather [hbm4b:s17+s10], $0x5000, $0x38;
	[tilespmem:$0x1F200] =	vst v63  }
0x23: {  	s10 =	simm.s32 $0xA220  }
0x24: {  	[tilespmem:s10+$0x0] =	vst v1  }
0x25: {  	[tilespmem:s10+$0xFFFFFFE0] =	vst v1  }
0x26: {  	[tilespmem:s10+$0x10] =	vst v1  }
0x27: {  	s11 =	simm.s32 $0x40;
	s12 =	simm.s32 $0x0;
	[tilespmem:s10+$0xFFFFFFF0] =	vst v1  }
.LBB2_2:
0x28: {  	p2 =	sne.s32 s11, $0x1FC0  }
0x29: {  	[tilespmem:s12+$0x12200] =	vst v1;
	s10 =	sadd.s32 $0x40, s10;
	s12 =	smov.u32 s11;
	s11 =	sadd.s32 $0x40, s11  }
.Ltmp0:
0x2a: {  	[tilespmem:s10+$0x0] =	vst v1;
	(pc) =	sbr.rel @p2 .LBB2_2-.Ltmp0, $4  }
0x2b: {  	_ = 	snop  }
0x2c: {  	[tilespmem:s10+$0xFFFFFFE0] =	vst v1  }
0x2d: {  	[tilespmem:s10+$0x10] =	vst v1  }
0x2e: {  	s12 =	sshra.s32 s12, $0x2;
	[tilespmem:s10+$0xFFFFFFF0] =	vst v1  }
0x2f: {  	[tilespmem:s12+$0x12200] =	vst v1  }
0x30: {  	[spmem:s8] =	stream.linear.scatter [tilespmem:s22], [sflag:$0x9], $0x2000, $0x38;
	[tilespmem:$0x1F200] =	vst v63  }
0x31: {  	_ =	swait.ge [sflag:s23], $0x2000  }
0x32: {  	[sflag:s23] =	ssyncset.done $0x0  }
0x33: {  	s10 =	rddreg [dreg:$0x8];
	[sflag:s23] =	ssyncadd.s32 $0xFFFFE000  }
0x34: {  	[spmem:s10] =	stream.linear.scatter [tilespmem:s22], [sflag:$0x9], $0x2000, $0x38;
	[tilespmem:$0x1F200] =	vst v63  }
0x35: {  	_ =	swait.ge [sflag:s23], $0x2000  }
0x36: {  	[sflag:s23] =	ssyncset.done $0x0  }
0x37: {  	s17 =	rddreg [dreg:$0x9];
	[sflag:s23] =	ssyncadd.s32 $0xFFFFE000  }
0x38: {  	[spmem:s17] =	stream.linear.scatter [tilespmem:s22], [sflag:$0x9], $0x2000, $0x38;
	[tilespmem:$0x1F200] =	vst v63  }
0x39: {  	_ =	swait.ge [sflag:s23], $0x2000  }
0x3a: {  	[sflag:s23] =	ssyncset.done $0x0  }
0x3b: {  	s11 =	rddreg [dreg:$0xa];
	[sflag:s23] =	ssyncadd.s32 $0xFFFFE000  }
0x3c: {  	[spmem:s11] =	stream.linear.scatter [tilespmem:s22], [sflag:$0x9], $0x2000, $0x38;
	[tilespmem:$0x1F200] =	vst v63  }
0x3d: {  	_ =	swait.ge [sflag:s23], $0x2000  }
0x3e: {  	[sflag:s23] =	ssyncset.done $0x0  }
0x3f: {  	s12 =	rddreg [dreg:$0xb];
	[sflag:s23] =	ssyncadd.s32 $0xFFFFE000  }
0x40: {  	[spmem:s12] =	stream.linear.scatter [tilespmem:s22], [sflag:$0x9], $0x2000, $0x38;
	[tilespmem:$0x1F200] =	vst v63  }
0x41: {  	_ =	swait.ge [sflag:s23], $0x2000  }
0x42: {  	[sflag:s23] =	ssyncset.done $0x0  }
0x43: {  	[sflag:s23] =	ssyncadd.s32 $0xFFFFE000  }
0x44: {  	[spmem:s13] =	stream.linear.scatter [tilespmem:s24], [sflag:$0x9], $0x800, $0x38;
	[tilespmem:$0x1F200] =	vst v63  }
0x45: {  	_ =	swait.ge [sflag:s23], $0x800  }
0x46: {  	[sflag:s23] =	ssyncset.done $0x0  }
0x47: {  	s14 =	rddreg [dreg:$0xc];
	[sflag:s23] =	ssyncadd.s32 $0xFFFFF800  }
0x48: {  	[spmem:s14] =	stream.linear.scatter [tilespmem:s24], [sflag:$0x9], $0x800, $0x38;
	[tilespmem:$0x1F200] =	vst v63  }
0x49: {  	_ =	swait.ge [sflag:s23], $0x800  }
0x4a: {  	[sflag:s23] =	ssyncset.done $0x0  }
0x4b: {  	s15 =	rddreg [dreg:$0xd];
	[sflag:s23] =	ssyncadd.s32 $0xFFFFF800  }
0x4c: {  	[spmem:s15] =	stream.linear.scatter [tilespmem:s24], [sflag:$0x9], $0x800, $0x38;
	[tilespmem:$0x1F200] =	vst v63  }
0x4d: {  	_ =	swait.ge [sflag:s23], $0x800  }
0x4e: {  	[sflag:s23] =	ssyncset.done $0x0  }
0x4f: {  	s16 =	rddreg [dreg:$0xe];
	[sflag:s23] =	ssyncadd.s32 $0xFFFFF800  }
0x50: {  	[spmem:s16] =	stream.linear.scatter [tilespmem:s24], [sflag:$0x9], $0x800, $0x38;
	[tilespmem:$0x1F200] =	vst v63  }
0x51: {  	_ =	swait.ge [sflag:s23], $0x800  }
0x52: {  	[sflag:s23] =	ssyncset.done $0x0  }
0x53: {  	s17 =	rddreg [dreg:$0xf];
	[sflag:s23] =	ssyncadd.s32 $0xFFFFF800  }
0x54: {  	[spmem:s17] =	stream.linear.scatter [tilespmem:s24], [sflag:$0x9], $0x800, $0x38;
	[tilespmem:$0x1F200] =	vst v63  }
0x55: {  	_ =	swait.ge [sflag:s23], $0x800  }
0x56: {  	[sflag:s23] =	ssyncset.done $0x0  }
0x57: {  	s10 =	simm.s32 $0x40;
	s11 =	simm.s32 $0x0;
	[sflag:s23] =	ssyncadd.s32 $0xFFFFF800  }
.LBB2_4:
0x58: {  	p2 =	sne.s32 s10, $0x1FC0;
	[tilespmem:s11+$0x12200] =	vst v2;
	s11 =	smov.u32 s10;
	s10 =	sadd.s32 $0x40, s10  }
.Ltmp1:
0x59: {  	(pc) =	sbr.rel @p2 .LBB2_4-.Ltmp1, $2  }
0x5a: {  	_ =	sdelay $0x2  }
0x5b: {  	s11 =	sshra.s32 s11, $0x2  }
0x5c: {  	[tilespmem:s11+$0x12200] =	vst v2  }
0x5d: {  	_ =	swait.ge [sflag:s25], $0x5000  }
0x5e: {  	[sflag:s25] =	ssyncset.done $0x0  }
0x5f: {  	[sflag:s25] =	ssyncadd.s32 $0xFFFFB000  }
0x60: {  	_ =	swait.ge [sflag:s26], $0x5000  }
0x61: {  	[sflag:s26] =	ssyncset.done $0x0  }
0x62: {  	[sflag:s26] =	ssyncadd.s32 $0xFFFFB000  }
0x63: {  	v3 =	vld [tilespmem:$0x0]  }
0x64: {  	v4 =	vld [tilespmem:$0x10]  }
0x65: {  	v5 =	vld [tilespmem:$0x20]  }
0x66: {  	v6 =	vld [tilespmem:$0x30]  }
0x67: {  	v7 =	vld [tilespmem:$0x40]  }
0x68: {  	v8 =	vld [tilespmem:$0x50];
	v3 =	vshll.u32 v3, $0x1  }
0x69: {  	v9 =	vld [tilespmem:$0x60];
	v4 =	vshll.u32 v4, $0x1;
	v3 =	vor.u32 v0, v3  }
0x6a: {  	v19 =	vld [tilespmem:$0x70];
	v18 =	vshll.u32 v5, $0x1;
	[tilespmem:$0xA000] =	vst v3;
	v3 =	vor.u32 v0, v4  }
0x6b: {  	v20 =	vshll.u32 v6, $0x1;
	[tilespmem:$0xA010] =	vst v3;
	v3 =	vor.u32 v0, v18  }
0x6c: {  	v21 =	vshll.u32 v7, $0x1;
	[tilespmem:$0xA020] =	vst v3;
	v3 =	vor.u32 v0, v20  }
0x6d: {  	v22 =	vshll.u32 v8, $0x1;
	[tilespmem:$0xA030] =	vst v3;
	v3 =	vor.u32 v0, v21  }
0x6e: {  	v23 =	vshll.u32 v9, $0x1;
	[tilespmem:$0xA040] =	vst v3;
	v3 =	vor.u32 v0, v22  }
0x6f: {  	v24 =	vshll.u32 v19, $0x1;
	[tilespmem:$0xA050] =	vst v3;
	v3 =	vor.u32 v0, v23  }
0x70: {  	[tilespmem:$0xA060] =	vst v3;
	v3 =	vor.u32 v0, v24  }
0x71: {  	s10 =	simm.s32 $0xA000;
	[tilespmem:$0xA070] =	vst v3  }
0x72: {  	[tilespmem:s22], [sflag:$0x1] =	stream.indirect.gather [hbm4b:s1+s28], $0x40, s10, s28, $0xb8;
	[tilespmem:$0x1F200] =	vst v63  }
0x73: {  	v3 =	vld [tilespmem:$0x80]  }
0x74: {  	v25 =	vld [tilespmem:$0x90]  }
0x75: {  	v26 =	vld [tilespmem:$0xA0]  }
0x76: {  	v27 =	vld [tilespmem:$0xB0]  }
0x77: {  	v28 =	vld [tilespmem:$0xC0]  }
0x78: {  	v29 =	vld [tilespmem:$0xD0];
	v3 =	vshll.u32 v3, $0x1  }
0x79: {  	v30 =	vld [tilespmem:$0xE0];
	v4 =	vshll.u32 v25, $0x1;
	v3 =	vor.u32 v0, v3  }
0x7a: {  	v32 =	vld [tilespmem:$0xF0];
	v31 =	vshll.u32 v26, $0x1;
	[tilespmem:$0xA080] =	vst v3;
	v3 =	vor.u32 v0, v4  }
0x7b: {  	v33 =	vshll.u32 v27, $0x1;
	[tilespmem:$0xA090] =	vst v3;
	v3 =	vor.u32 v0, v31  }
0x7c: {  	v34 =	vshll.u32 v28, $0x1;
	[tilespmem:$0xA0A0] =	vst v3;
	v3 =	vor.u32 v0, v33  }
0x7d: {  	v35 =	vshll.u32 v29, $0x1;
	[tilespmem:$0xA0B0] =	vst v3;
	v3 =	vor.u32 v0, v34  }
0x7e: {  	v36 =	vshll.u32 v30, $0x1;
	[tilespmem:$0xA0C0] =	vst v3;
	v3 =	vor.u32 v0, v35  }
0x7f: {  	v37 =	vshll.u32 v32, $0x1;
	[tilespmem:$0xA0D0] =	vst v3;
	v3 =	vor.u32 v0, v36  }
0x80: {  	[tilespmem:$0xA0E0] =	vst v3;
	v3 =	vor.u32 v0, v37  }
0x81: {  	s15 =	simm.s32 $0xA080;
	[tilespmem:$0xA0F0] =	vst v3  }
0x82: {  	[tilespmem:s31], [sflag:$0x2] =	stream.indirect.gather [hbm4b:s1+s28], $0x40, s15, s28, $0xb8;
	[tilespmem:$0x1F200] =	vst v63  }
0x83: {  	v3 =	vld [tilespmem:$0x100]  }
0x84: {  	v38 =	vld [tilespmem:$0x110]  }
0x85: {  	v39 =	vld [tilespmem:$0x120]  }
0x86: {  	v40 =	vld [tilespmem:$0x130]  }
0x87: {  	v41 =	vld [tilespmem:$0x140]  }
0x88: {  	v42 =	vld [tilespmem:$0x150];
	v3 =	vshll.u32 v3, $0x1  }
0x89: {  	v43 =	vld [tilespmem:$0x160];
	v4 =	vshll.u32 v38, $0x1;
	v3 =	vor.u32 v0, v3  }
0x8a: {  	v45 =	vld [tilespmem:$0x170];
	v44 =	vshll.u32 v39, $0x1;
	[tilespmem:$0xA100] =	vst v3;
	v3 =	vor.u32 v0, v4  }
0x8b: {  	v46 =	vshll.u32 v40, $0x1;
	[tilespmem:$0xA110] =	vst v3;
	v3 =	vor.u32 v0, v44  }
0x8c: {  	v47 =	vshll.u32 v41, $0x1;
	[tilespmem:$0xA120] =	vst v3;
	v3 =	vor.u32 v0, v46  }
0x8d: {  	v48 =	vshll.u32 v42, $0x1;
	[tilespmem:$0xA130] =	vst v3;
	v3 =	vor.u32 v0, v47  }
0x8e: {  	v49 =	vshll.u32 v43, $0x1;
	[tilespmem:$0xA140] =	vst v3;
	v3 =	vor.u32 v0, v48  }
0x8f: {  	v50 =	vshll.u32 v45, $0x1;
	[tilespmem:$0xA150] =	vst v3;
	v3 =	vor.u32 v0, v49  }
0x90: {  	[tilespmem:$0xA160] =	vst v3;
	v3 =	vor.u32 v0, v50  }
0x91: {  	s16 =	simm.s32 $0xA100;
	[tilespmem:$0xA170] =	vst v3  }
0x92: {  	[tilespmem:s21], [sflag:$0x3] =	stream.indirect.gather [hbm4b:s1+s28], $0x40, s16, s28, $0xb8;
	[tilespmem:$0x1F200] =	vst v63  }
0x93: {  	v3 =	vld [tilespmem:$0x180]  }
0x94: {  	v51 =	vld [tilespmem:$0x190]  }
0x95: {  	v52 =	vld [tilespmem:$0x1A0]  }
0x96: {  	v53 =	vld [tilespmem:$0x1B0]  }
0x97: {  	v54 =	vld [tilespmem:$0x1C0]  }
0x98: {  	v55 =	vld [tilespmem:$0x1D0];
	v3 =	vshll.u32 v3, $0x1  }
0x99: {  	v56 =	vld [tilespmem:$0x1E0];
	v4 =	vshll.u32 v51, $0x1;
	v3 =	vor.u32 v0, v3  }
0x9a: {  	v58 =	vld [tilespmem:$0x1F0];
	v57 =	vshll.u32 v52, $0x1;
	[tilespmem:$0xA180] =	vst v3;
	v3 =	vor.u32 v0, v4  }
0x9b: {  	v59 =	vshll.u32 v53, $0x1;
	[tilespmem:$0xA190] =	vst v3;
	v3 =	vor.u32 v0, v57  }
0x9c: {  	v60 =	vshll.u32 v54, $0x1;
	[tilespmem:$0xA1A0] =	vst v3;
	v3 =	vor.u32 v0, v59  }
0x9d: {  	v61 =	vshll.u32 v55, $0x1;
	[tilespmem:$0xA1B0] =	vst v3;
	v3 =	vor.u32 v0, v60  }
0x9e: {  	v62 =	vshll.u32 v56, $0x1;
	[tilespmem:$0xA1C0] =	vst v3;
	v3 =	vor.u32 v0, v61  }
0x9f: {  	v63 =	vshll.u32 v58, $0x1;
	[tilespmem:$0xA1D0] =	vst v3;
	v3 =	vor.u32 v0, v62  }
0xa0: {  	[tilespmem:$0xA1E0] =	vst v3;
	v3 =	vor.u32 v0, v63  }
0xa1: {  	s17 =	simm.s32 $0xA180;
	[tilespmem:$0xA1F0] =	vst v3  }
0xa2: {  	[tilespmem:s30], [sflag:$0x4] =	stream.indirect.gather [hbm4b:s1+s28], $0x40, s17, s28, $0xb8;
	[tilespmem:$0x1F200] =	vst v63  }
0xa3: {  	s10 =	simm.s32 $0x0;
	[bflag:$0x0] =	sbarrier.arrive $0xFFFF  }
.LBB2_6:
0xa4: {  	_ =	swait.ge [sflag:s2], $0x2000  }
0xa5: {  	s11 =	sshra.s32 s10, $0x2;
	[sflag:s2] =	ssyncset.done $0x0  }
0xa6: {  	s12 =	sadd.s32 $0x5000, s11;
	[sflag:s2] =	ssyncadd.s32 $0xFFFFE000  }
0xa7: {  	[spmem:s3] =	stream.indirect.scatter.add.f32 [tilespmem:s22], [sflag:$0x5], $0x40, s12, s28, $0xb8;
	[tilespmem:$0x1F200] =	vst v63  }
0xa8: {  	s14 =	simm.s32 @!p0 $0x80;
	s15 =	simm.s32 @!p0 $0x12200  }
0xa9: {  	[spmem:s4] =	stream.indirect.scatter.add.f32 @!p0 [tilespmem:s15], [sflag:$0x5], $0x10, s12, s14, $0xb8;
	[tilespmem:$0x1F200] =	vst v63  }
0xaa: {  	_ =	swait.ge [sflag:s29], $0x2000  }
0xab: {  	[sflag:s29] =	ssyncset.done $0x0  }
0xac: {  	s12 =	sadd.s32 $0x5080, s11;
	[sflag:s29] =	ssyncadd.s32 $0xFFFFE000  }
0xad: {  	[spmem:s3] =	stream.indirect.scatter.add.f32 [tilespmem:s31], [sflag:$0x6], $0x40, s12, s28, $0xb8;
	[tilespmem:$0x1F200] =	vst v63  }
0xae: {  	s16 =	simm.s32 @!p1 $0x80;
	s17 =	simm.s32 @!p1 $0x12200  }
0xaf: {  	[spmem:s4] =	stream.indirect.scatter.add.f32 @!p1 [tilespmem:s17], [sflag:$0x6], $0x10, s12, s16, $0xb8;
	[tilespmem:$0x1F200] =	vst v63  }
0xb0: {  	_ =	swait.ge [sflag:s0], $0x2000  }
0xb1: {  	[sflag:s0] =	ssyncset.done $0x0  }
0xb2: {  	s12 =	sadd.s32 $0x5100, s11;
	[sflag:s0] =	ssyncadd.s32 $0xFFFFE000  }
0xb3: {  	[spmem:s3] =	stream.indirect.scatter.add.f32 [tilespmem:s21], [sflag:$0x7], $0x40, s12, s28, $0xb8;
	[tilespmem:$0x1F200] =	vst v63  }
0xb4: {  	_ = 	snop  }
0xb5: {  	[spmem:s4] =	stream.indirect.scatter.add.f32 @!p0 [tilespmem:s15], [sflag:$0x7], $0x10, s12, s14, $0xb8;
	[tilespmem:$0x1F200] =	vst v63  }
0xb6: {  	_ =	swait.ge [sflag:s5], $0x2000  }
0xb7: {  	[sflag:s5] =	ssyncset.done $0x0  }
0xb8: {  	s11 =	sadd.s32 $0x5180, s11;
	[sflag:s5] =	ssyncadd.s32 $0xFFFFE000  }
0xb9: {  	[spmem:s3] =	stream.indirect.scatter.add.f32 [tilespmem:s30], [sflag:$0x8], $0x40, s11, s28, $0xb8;
	[tilespmem:$0x1F200] =	vst v63  }
0xba: {  	_ = 	snop  }
0xbb: {  	[spmem:s4] =	stream.indirect.scatter.add.f32 @!p1 [tilespmem:s17], [sflag:$0x8], $0x10, s11, s16, $0xb8;
	[tilespmem:$0x1F200] =	vst v63  }
0xbc: {  	_ =	swait.ge [sflag:s25], $0x2000  }
0xbd: {  	p2 =	seq.s32 s10, $0x13800;
	[sflag:s25] =	ssyncset.done $0x0  }
0xbe: {  	s11 =	sshra.s32 @!p2 s10, $0x2;
	[sflag:s25] =	ssyncadd.s32 $0xFFFFE000  }
0xbf: {  	v3 =	vld @!p2 [tilespmem:s11+$0x200];
	_ =	sdelay $0x4  }
0xc0: {  	v3 =	vshll.u32 @!p2 v3, $0x1  }
0xc1: {  	v3 =	vor.u32 @!p2 v0, v3  }
0xc2: {  	[tilespmem:$0xA000] =	vst @!p2 v3  }
0xc3: {  	v3 =	vld @!p2 [tilespmem:s11+$0x210];
	_ =	sdelay $0x4  }
0xc4: {  	v3 =	vshll.u32 @!p2 v3, $0x1  }
0xc5: {  	v3 =	vor.u32 @!p2 v0, v3  }
0xc6: {  	[tilespmem:$0xA010] =	vst @!p2 v3  }
0xc7: {  	v3 =	vld @!p2 [tilespmem:s11+$0x220];
	_ =	sdelay $0x4  }
0xc8: {  	v3 =	vshll.u32 @!p2 v3, $0x1  }
0xc9: {  	v3 =	vor.u32 @!p2 v0, v3  }
0xca: {  	[tilespmem:$0xA020] =	vst @!p2 v3  }
0xcb: {  	v3 =	vld @!p2 [tilespmem:s11+$0x230];
	_ =	sdelay $0x4  }
0xcc: {  	v3 =	vshll.u32 @!p2 v3, $0x1  }
0xcd: {  	v3 =	vor.u32 @!p2 v0, v3  }
0xce: {  	[tilespmem:$0xA030] =	vst @!p2 v3  }
0xcf: {  	v3 =	vld @!p2 [tilespmem:s11+$0x240];
	_ =	sdelay $0x4  }
0xd0: {  	v3 =	vshll.u32 @!p2 v3, $0x1  }
0xd1: {  	v3 =	vor.u32 @!p2 v0, v3  }
0xd2: {  	[tilespmem:$0xA040] =	vst @!p2 v3  }
0xd3: {  	v3 =	vld @!p2 [tilespmem:s11+$0x250];
	_ =	sdelay $0x4  }
0xd4: {  	v3 =	vshll.u32 @!p2 v3, $0x1  }
0xd5: {  	v3 =	vor.u32 @!p2 v0, v3  }
0xd6: {  	[tilespmem:$0xA050] =	vst @!p2 v3  }
0xd7: {  	v3 =	vld @!p2 [tilespmem:s11+$0x260];
	_ =	sdelay $0x4  }
0xd8: {  	v3 =	vshll.u32 @!p2 v3, $0x1  }
0xd9: {  	v3 =	vor.u32 @!p2 v0, v3  }
0xda: {  	[tilespmem:$0xA060] =	vst @!p2 v3  }
0xdb: {  	v3 =	vld @!p2 [tilespmem:s11+$0x270];
	_ =	sdelay $0x4  }
0xdc: {  	v3 =	vshll.u32 @!p2 v3, $0x1  }
0xdd: {  	v3 =	vor.u32 @!p2 v0, v3  }
0xde: {  	s12 =	simm.s32 @!p2 $0x80;
	s14 =	simm.s32 @!p2 $0xA000;
	s15 =	simm.s32 @!p2 $0xA200;
	[tilespmem:$0xA070] =	vst @!p2 v3  }
0xdf: {  	[tilespmem:s15], [sflag:$0x1] =	stream.indirect.gather @!p2 [hbm4b:s1+s12], $0x40, s14, s12, $0xb8;
	[tilespmem:$0x1F200] =	vst v63  }
0xe0: {  	s14 =	simm.s32 @!p0 $0x5  }
0xe1: {  	_ =	swait.ge @!p0 [sflag:s14], $0x800  }
0xe2: {  	[sflag:s14] =	ssyncset.done @!p0 $0x0  }
0xe3: {  	[sflag:s14] =	ssyncadd.s32 @!p0 $0xFFFFF800  }
0xe4: {  	_ =	swait.ge [sflag:s26], $0x2000  }
0xe5: {  	[sflag:s26] =	ssyncset.done $0x0  }
0xe6: {  	[sflag:s26] =	ssyncadd.s32 $0xFFFFE000  }
0xe7: {  	v3 =	vld @!p2 [tilespmem:s11+$0x280];
	_ =	sdelay $0x4  }
0xe8: {  	v3 =	vshll.u32 @!p2 v3, $0x1  }
0xe9: {  	v3 =	vor.u32 @!p2 v0, v3  }
0xea: {  	[tilespmem:$0xA080] =	vst @!p2 v3  }
0xeb: {  	v3 =	vld @!p2 [tilespmem:s11+$0x290];
	_ =	sdelay $0x4  }
0xec: {  	v3 =	vshll.u32 @!p2 v3, $0x1  }
0xed: {  	v3 =	vor.u32 @!p2 v0, v3  }
0xee: {  	[tilespmem:$0xA090] =	vst @!p2 v3  }
0xef: {  	v3 =	vld @!p2 [tilespmem:s11+$0x2A0];
	_ =	sdelay $0x4  }
0xf0: {  	v3 =	vshll.u32 @!p2 v3, $0x1  }
0xf1: {  	v3 =	vor.u32 @!p2 v0, v3  }
0xf2: {  	[tilespmem:$0xA0A0] =	vst @!p2 v3  }
0xf3: {  	v3 =	vld @!p2 [tilespmem:s11+$0x2B0];
	_ =	sdelay $0x4  }
0xf4: {  	v3 =	vshll.u32 @!p2 v3, $0x1  }
0xf5: {  	v3 =	vor.u32 @!p2 v0, v3  }
0xf6: {  	[tilespmem:$0xA0B0] =	vst @!p2 v3  }
0xf7: {  	v3 =	vld @!p2 [tilespmem:s11+$0x2C0];
	_ =	sdelay $0x4  }
0xf8: {  	v3 =	vshll.u32 @!p2 v3, $0x1  }
0xf9: {  	v3 =	vor.u32 @!p2 v0, v3  }
0xfa: {  	[tilespmem:$0xA0C0] =	vst @!p2 v3  }
0xfb: {  	v3 =	vld @!p2 [tilespmem:s11+$0x2D0];
	_ =	sdelay $0x4  }
0xfc: {  	v3 =	vshll.u32 @!p2 v3, $0x1  }
0xfd: {  	v3 =	vor.u32 @!p2 v0, v3  }
0xfe: {  	[tilespmem:$0xA0D0] =	vst @!p2 v3  }
0xff: {  	v3 =	vld @!p2 [tilespmem:s11+$0x2E0];
	_ =	sdelay $0x4  }
0x100: {  	v3 =	vshll.u32 @!p2 v3, $0x1  }
0x101: {  	v3 =	vor.u32 @!p2 v0, v3  }
0x102: {  	[tilespmem:$0xA0E0] =	vst @!p2 v3  }
0x103: {  	v3 =	vld @!p2 [tilespmem:s11+$0x2F0];
	_ =	sdelay $0x4  }
0x104: {  	v3 =	vshll.u32 @!p2 v3, $0x1  }
0x105: {  	v3 =	vor.u32 @!p2 v0, v3  }
0x106: {  	s15 =	simm.s32 @!p2 $0xC200;
	s14 =	simm.s32 @!p2 $0xA080;
	[tilespmem:$0xA0F0] =	vst @!p2 v3  }
0x107: {  	[tilespmem:s15], [sflag:$0x2] =	stream.indirect.gather @!p2 [hbm4b:s1+s12], $0x40, s14, s12, $0xb8;
	[tilespmem:$0x1F200] =	vst v63  }
0x108: {  	s14 =	simm.s32 @!p1 $0x6  }
0x109: {  	_ =	swait.ge @!p1 [sflag:s14], $0x800  }
0x10a: {  	[sflag:s14] =	ssyncset.done @!p1 $0x0  }
0x10b: {  	[sflag:s14] =	ssyncadd.s32 @!p1 $0xFFFFF800  }
0x10c: {  	_ =	swait.ge [sflag:s6], $0x2000  }
0x10d: {  	[sflag:s6] =	ssyncset.done $0x0  }
0x10e: {  	[sflag:s6] =	ssyncadd.s32 $0xFFFFE000  }
0x10f: {  	v3 =	vld @!p2 [tilespmem:s11+$0x300];
	_ =	sdelay $0x4  }
0x110: {  	v3 =	vshll.u32 @!p2 v3, $0x1  }
0x111: {  	v3 =	vor.u32 @!p2 v0, v3  }
0x112: {  	[tilespmem:$0xA100] =	vst @!p2 v3  }
0x113: {  	v3 =	vld @!p2 [tilespmem:s11+$0x310];
	_ =	sdelay $0x4  }
0x114: {  	v3 =	vshll.u32 @!p2 v3, $0x1  }
0x115: {  	v3 =	vor.u32 @!p2 v0, v3  }
0x116: {  	[tilespmem:$0xA110] =	vst @!p2 v3  }
0x117: {  	v3 =	vld @!p2 [tilespmem:s11+$0x320];
	_ =	sdelay $0x4  }
0x118: {  	v3 =	vshll.u32 @!p2 v3, $0x1  }
0x119: {  	v3 =	vor.u32 @!p2 v0, v3  }
0x11a: {  	[tilespmem:$0xA120] =	vst @!p2 v3  }
0x11b: {  	v3 =	vld @!p2 [tilespmem:s11+$0x330];
	_ =	sdelay $0x4  }
0x11c: {  	v3 =	vshll.u32 @!p2 v3, $0x1  }
0x11d: {  	v3 =	vor.u32 @!p2 v0, v3  }
0x11e: {  	[tilespmem:$0xA130] =	vst @!p2 v3  }
0x11f: {  	v3 =	vld @!p2 [tilespmem:s11+$0x340];
	_ =	sdelay $0x4  }
0x120: {  	v3 =	vshll.u32 @!p2 v3, $0x1  }
0x121: {  	v3 =	vor.u32 @!p2 v0, v3  }
0x122: {  	[tilespmem:$0xA140] =	vst @!p2 v3  }
0x123: {  	v3 =	vld @!p2 [tilespmem:s11+$0x350];
	_ =	sdelay $0x4  }
0x124: {  	v3 =	vshll.u32 @!p2 v3, $0x1  }
0x125: {  	v3 =	vor.u32 @!p2 v0, v3  }
0x126: {  	[tilespmem:$0xA150] =	vst @!p2 v3  }
0x127: {  	v3 =	vld @!p2 [tilespmem:s11+$0x360];
	_ =	sdelay $0x4  }
0x128: {  	v3 =	vshll.u32 @!p2 v3, $0x1  }
0x129: {  	v3 =	vor.u32 @!p2 v0, v3  }
0x12a: {  	[tilespmem:$0xA160] =	vst @!p2 v3  }
0x12b: {  	v3 =	vld @!p2 [tilespmem:s11+$0x370];
	_ =	sdelay $0x4  }
0x12c: {  	v3 =	vshll.u32 @!p2 v3, $0x1  }
0x12d: {  	v3 =	vor.u32 @!p2 v0, v3  }
0x12e: {  	s15 =	simm.s32 @!p2 $0xE200;
	s14 =	simm.s32 @!p2 $0xA100;
	[tilespmem:$0xA170] =	vst @!p2 v3  }
0x12f: {  	[tilespmem:s15], [sflag:$0x3] =	stream.indirect.gather @!p2 [hbm4b:s1+s12], $0x40, s14, s12, $0xb8;
	[tilespmem:$0x1F200] =	vst v63  }
0x130: {  	s14 =	simm.s32 @!p0 $0x7  }
0x131: {  	_ =	swait.ge @!p0 [sflag:s14], $0x800  }
0x132: {  	[sflag:s14] =	ssyncset.done @!p0 $0x0  }
0x133: {  	[sflag:s14] =	ssyncadd.s32 @!p0 $0xFFFFF800  }
0x134: {  	_ =	swait.ge [sflag:s7], $0x2000  }
0x135: {  	[sflag:s7] =	ssyncset.done $0x0  }
0x136: {  	[sflag:s7] =	ssyncadd.s32 $0xFFFFE000  }
0x137: {  	v3 =	vld @!p2 [tilespmem:s11+$0x380];
	_ =	sdelay $0x4  }
0x138: {  	v3 =	vshll.u32 @!p2 v3, $0x1  }
0x139: {  	v3 =	vor.u32 @!p2 v0, v3  }
0x13a: {  	[tilespmem:$0xA180] =	vst @!p2 v3  }
0x13b: {  	v3 =	vld @!p2 [tilespmem:s11+$0x390];
	_ =	sdelay $0x4  }
0x13c: {  	v3 =	vshll.u32 @!p2 v3, $0x1  }
0x13d: {  	v3 =	vor.u32 @!p2 v0, v3  }
0x13e: {  	[tilespmem:$0xA190] =	vst @!p2 v3  }
0x13f: {  	v3 =	vld @!p2 [tilespmem:s11+$0x3A0];
	_ =	sdelay $0x4  }
0x140: {  	v3 =	vshll.u32 @!p2 v3, $0x1  }
0x141: {  	v3 =	vor.u32 @!p2 v0, v3  }
0x142: {  	[tilespmem:$0xA1A0] =	vst @!p2 v3  }
0x143: {  	v3 =	vld @!p2 [tilespmem:s11+$0x3B0];
	_ =	sdelay $0x4  }
0x144: {  	v3 =	vshll.u32 @!p2 v3, $0x1  }
0x145: {  	v3 =	vor.u32 @!p2 v0, v3  }
0x146: {  	[tilespmem:$0xA1B0] =	vst @!p2 v3  }
0x147: {  	v3 =	vld @!p2 [tilespmem:s11+$0x3C0];
	_ =	sdelay $0x4  }
0x148: {  	v3 =	vshll.u32 @!p2 v3, $0x1  }
0x149: {  	v3 =	vor.u32 @!p2 v0, v3  }
0x14a: {  	[tilespmem:$0xA1C0] =	vst @!p2 v3  }
0x14b: {  	v3 =	vld @!p2 [tilespmem:s11+$0x3D0];
	_ =	sdelay $0x4  }
0x14c: {  	v3 =	vshll.u32 @!p2 v3, $0x1  }
0x14d: {  	v3 =	vor.u32 @!p2 v0, v3  }
0x14e: {  	[tilespmem:$0xA1D0] =	vst @!p2 v3  }
0x14f: {  	v3 =	vld @!p2 [tilespmem:s11+$0x3E0];
	_ =	sdelay $0x4  }
0x150: {  	v3 =	vshll.u32 @!p2 v3, $0x1  }
0x151: {  	v3 =	vor.u32 @!p2 v0, v3  }
0x152: {  	[tilespmem:$0xA1E0] =	vst @!p2 v3  }
0x153: {  	v3 =	vld @!p2 [tilespmem:s11+$0x3F0];
	_ =	sdelay $0x4  }
0x154: {  	v3 =	vshll.u32 @!p2 v3, $0x1  }
0x155: {  	v3 =	vor.u32 @!p2 v0, v3  }
0x156: {  	s10 =	sadd.s32 $0x800, s10;
	s14 =	simm.s32 @!p2 $0x10200;
	s11 =	simm.s32 @!p2 $0xA180;
	[tilespmem:$0xA1F0] =	vst @!p2 v3  }
0x157: {  	[tilespmem:s14], [sflag:$0x4] =	stream.indirect.gather @!p2 [hbm4b:s1+s12], $0x40, s11, s12, $0xb8;
	[tilespmem:$0x1F200] =	vst v63  }
0x158: {  	p2 =	sne.s32 s10, $0x14000  }
.Ltmp2:
0x159: {  	_ = 	snop;
	(pc) =	sbr.rel @p2 .LBB2_6-.Ltmp2, $4  }
0x15a: {  	s11 =	simm.s32 @!p1 $0x8  }
0x15b: {  	_ =	swait.ge @!p1 [sflag:s11], $0x800  }
0x15c: {  	[sflag:s11] =	ssyncset.done @!p1 $0x0  }
0x15d: {  	[sflag:s11] =	ssyncadd.s32 @!p1 $0xFFFFF800  }
0x15e: {  	s10 =	stileid.u32  }
0x15f: {  	s10 =	sshll.u32 s10, $0x6  }
0x160: {  	[bflag:$0x0] =	sbarrier.arrive $0xFFFF;
	s11 =	sshrl.u32 s8, $0x3;
	s10 =	sor.u32 $0x1C09, s10  }
0x161: {  	[hbm:s18], [sflag:s10] =	dma.local [spmem:s11], $0x1400  }
0x162: {  	s9 =	sadd.s32 $0x1, s9;
	_ =	swait.ge [sflag:s23], $0x1400  }
0x163: {  	p2 =	sne.s32 s9, s20;
	[sflag:s23] =	ssyncset.done $0x0  }
.Ltmp3:
0x164: {  	s17 =	sshrl.u32 s13, $0x3;
	[sflag:s23] =	ssyncadd.s32 $0xFFFFEC00;
	(pc) =	sbr.rel @p2 .LBB2_1-.Ltmp3, $4  }
0x165: {  	[hbm:s19], [sflag:s10] =	dma.local [spmem:s17], $0x500  }
0x166: {  	_ =	swait.ge [sflag:s23], $0x500  }
0x167: {  	[sflag:s23] =	ssyncset.done $0x0  }
0x168: {  	[sflag:s23] =	ssyncadd.s32 $0xFFFFFB00  }
0x169: {  	_ =	sfence.sel $0x180000  }
0x16a: {  	[bflag:$0x0] =	sbarrier.arrive $0xFFFF  }
0x16b: {  	_ =	strace $0x90000047  }
0x16c: {  	s0 =	stileid.u32;
	[bflag:$0x2] =	sbarrier.arrive $0xFFFF  }
0x16d: {  	p0 =	sne.s32 s0, $0x0;
	s0 =	rddreg [dreg:$0x5]  }
0x16e: {  	s0 =	sadd.s32 @!p0 $0x100000, s0  }
0x16f: {  	[sflag:s0] =	ssyncadd.tile.s32 @!p0 $0x1;
	_ =	shalt  }
.Lfunc_end2:
_tile_overlayer_lowered:
.L_overlay_start_2:
0x170: {  	(tag) =	ssettag $0x2  }
0x171: {  	s0 =	rddreg [dreg:$0x0];
	s2 =	stileid.u32  }
0x172: {  	s1 =	rddreg [dreg:$0x1];
	p0 =	sne.s32 s2, $0x0  }
0x173: {  	s3 =	rddreg [dreg:$0x2];
	[bflag:$0x3] =	sbarrier.arrive $0xFFFF;
	s2 =	simm.s32 @!p0 $0x1C09  }
0x174: {  	[timem:s3], [sflag:s2] =	dma.local @!p0 [hbm:s0], s1  }
0x175: {  	s0 =	simm.s32 @!p0 $0x9  }
0x176: {  	_ =	swait.ge @!p0 [sflag:s0], s1  }
0x177: {  	s1 =	ssub.s32 @!p0 $0x0, s1;
	[sflag:s0] =	ssyncset.done @!p0 $0x0  }
0x178: {  	[sflag:s0] =	ssyncadd.s32 @!p0 s1  }
0x179: {  	[bflag:$0x3] =	sbarrier.arrive $0xFFFF  }
0x17a: {  	_ =	shalt  }

</sc_bundles>
